<compile_context>
chip_gen: v7x
topology: tpu7x:2x2x1
jax: 0.10.2.dev20260603
libtpu: 0.0.44.dev20260713+nightly
codegen_flags: <defaults>
</compile_context>

<pallas_src>
import functools

import jax
import jax.numpy as jnp
from jax import lax
from jax.experimental import pallas as pl
from jax.experimental.pallas import tpu as pltpu
from jax.experimental.pallas import tpu_sc as plsc

K = 16
N = 2048
DF = 64
PW = 16

ROWS = 256


def _knn_tc_kernel(x2_ref, x1t_ref, dist_ref, idx_ref):
    x2 = x2_ref[0]
    x1t = x1t_ref[0]
    n2 = jnp.sum(x2 * x2, axis=1, keepdims=True)
    n1 = jnp.sum(x1t * x1t, axis=0, keepdims=True)
    cross = jnp.dot(x2, x1t, preferred_element_type=jnp.float32)
    d2 = n2 + n1 - 2.0 * cross
    col = lax.broadcasted_iota(jnp.int32, (ROWS, N), 1)
    dcols = []
    icols = []
    for _ in range(K):
        m = jnp.min(d2, axis=1, keepdims=True)
        sel = jnp.min(jnp.where(d2 == m, col, N), axis=1, keepdims=True)
        dcols.append(m)
        icols.append(sel)
        d2 = jnp.where(col == sel, jnp.float32(jnp.inf), d2)
    dist_ref[0] = jnp.concatenate(dcols, axis=1)
    idx_ref[0] = jnp.concatenate(icols, axis=1)


def _knn_all_frames(x2, x1t):
    f = x2.shape[0]
    grid = (f, N // ROWS)
    return pl.pallas_call(
        _knn_tc_kernel,
        grid=grid,
        in_specs=[
            pl.BlockSpec((1, ROWS, 3), lambda i, r: (i, r, 0)),
            pl.BlockSpec((1, 3, N), lambda i, r: (i, 0, 0)),
        ],
        out_specs=[
            pl.BlockSpec((1, ROWS, K), lambda i, r: (i, r, 0)),
            pl.BlockSpec((1, ROWS, K), lambda i, r: (i, r, 0)),
        ],
        out_shape=[
            jax.ShapeDtypeStruct((f, N, K), jnp.float32),
            jax.ShapeDtypeStruct((f, N, K), jnp.int32),
        ],
    )(x2, x1t)


def _sc_chain_gather(idx_tbl, idx_col0, pts_tbl, feats_tbl, frames):
    info = plsc.get_sparse_core_info()
    nc, ns = info.num_cores, info.num_subcores
    nw = nc * ns
    spw = N // nw
    mesh = plsc.VectorSubcoreMesh(core_axis_name="c", subcore_axis_name="s")

    nq = 2
    qr = spw * K // nq
    qs = spw // nq

    @functools.partial(
        pl.kernel,
        mesh=mesh,
        compiler_params=pltpu.CompilerParams(
            use_tc_tiling_on_sc=False, needs_layout_passes=False),
        out_type=(
            jax.ShapeDtypeStruct((frames, K, N), jnp.int32),
            jax.ShapeDtypeStruct((frames, 3, K, N), jnp.float32),
            jax.ShapeDtypeStruct((frames * K, DF, N), jnp.float32),
        ),
        scratch_types=[
            pltpu.VMEM((spw, K), jnp.int32),
            pltpu.VMEM((spw,), jnp.int32),
            pltpu.VMEM((spw,), jnp.int32),
            pltpu.VMEM((spw * K,), jnp.int32),
            pltpu.VMEM((K, spw), jnp.int32),
            pltpu.VMEM((qr, PW), jnp.float32),
            pltpu.VMEM((3, K, spw), jnp.float32),
            pltpu.VMEM((qr, DF), jnp.float32),
            pltpu.VMEM((K * DF, spw), jnp.float32),
            pltpu.SemaphoreType.DMA,
            pltpu.SemaphoreType.DMA,
            pltpu.SemaphoreType.DMA,
            pltpu.SemaphoreType.DMA,
        ],
    )
    def chain_kernel(idx_hbm, col0_hbm, pts_hbm, feats_hbm,
                     patch_hbm, ppts_hbm, pfeats_hbm,
                     rows_v, c_v, craw_v, gidx_v, patchT_v,
                     pbuf_v, ptsT_v, fbuf_v, featsT_v,
                     sem, sem2, qsem, sem_out):
        wid = lax.axis_index("s") * nc + lax.axis_index("c")
        wbase = wid * spw
        iota16 = lax.iota(jnp.int32, 16)
        pmask = iota16 < 3
        rowvec = [[jnp.int32(k * DF + 16 * c) + iota16
                   for c in range(DF // 16)] for k in range(K)]
        kvec = [jnp.full((16,), k, jnp.int32) for k in range(K)]

        for b2 in range(spw // 16):
            c_v[pl.ds(16 * b2, 16)] = wbase + 16 * b2 + iota16

        def frame_body(f, _):
            cp1 = pltpu.async_copy(idx_hbm.at[c_v], rows_v, sem)
            cp2 = pltpu.async_copy(col0_hbm.at[c_v], craw_v, sem2)
            cp1.wait()
            cp2.wait()
            fN = f * jnp.int32(N)

            def build_row(g, _):
                row = rows_v[g]
                gidx_v[pl.ds(g * K, K)] = row + fN
                plsc.store_scatter(
                    patchT_v, [iota16, jnp.full((16,), g, jnp.int32)], row)
                return 0
            lax.fori_loop(0, spw, build_row, 0)
            for b2 in range(spw // 16):
                c_v[pl.ds(16 * b2, 16)] = (
                    craw_v[pl.ds(16 * b2, 16)] + fN + jnp.int32(N))

            for q in range(nq):
                gsl = gidx_v.at[pl.ds(q * qr, qr)]
                cpf = pltpu.async_copy(feats_hbm.at[gsl], fbuf_v, qsem)
                cpp = pltpu.async_copy(pts_hbm.at[gsl], pbuf_v, qsem)
                cpf.wait()
                cpp.wait()

                def trans_row(i, _, q=q):
                    ii = jnp.full((16,), jnp.int32(q * qs), jnp.int32) + i
                    base = i * K
                    for k in range(K):
                        for c in range(DF // 16):
                            v = fbuf_v[base + k, pl.ds(16 * c, 16)]
                            plsc.store_scatter(
                                featsT_v, [rowvec[k][c], ii], v)
                        pv = pbuf_v[base + k, pl.ds(0, 16)]
                        plsc.store_scatter(
                            ptsT_v, [iota16, kvec[k], ii], pv, mask=pmask)
                    return 0
                lax.fori_loop(0, qs, trans_row, 0)

            pltpu.sync_copy(
                patchT_v, patch_hbm.at[f].at[:, pl.ds(wbase, spw)])
            for k in range(K):
                pltpu.sync_copy(
                    featsT_v.at[pl.ds(k * DF, DF)],
                    pfeats_hbm.at[f * K + k].at[:, pl.ds(wbase, spw)])
            pltpu.sync_copy(
                ptsT_v, ppts_hbm.at[f].at[:, :, pl.ds(wbase, spw)])
            return 0

        lax.fori_loop(0, frames, frame_body, 0)

    return chain_kernel(idx_tbl, idx_col0, pts_tbl, feats_tbl)


def kernel(point_seq, feat_seq):
    b, t, n, d = point_seq.shape
    d_feat = feat_seq.shape[-1]
    frames = b * t
    x1 = point_seq.reshape(frames, n, d)
    x2 = jnp.concatenate([point_seq[:, :1], point_seq], axis=1)[:, :-1]
    x2 = x2.reshape(frames, n, d)
    x1t = x1.transpose(0, 2, 1)

    dist, idx = _knn_all_frames(x2, x1t)

    idx_tbl = idx.reshape(frames * n, K)
    idx_col0 = idx_tbl[:, 0]
    pts_tbl = jnp.pad(x1.reshape(frames * n, d), ((0, 0), (0, PW - d)))
    feats_tbl = feat_seq.reshape(frames * n, d_feat)

    patchT, pptsT, pfeatsT = _sc_chain_gather(
        idx_tbl, idx_col0, pts_tbl, feats_tbl, frames)

    patchlets = jnp.transpose(patchT.reshape(b, t, K, n), (0, 1, 3, 2))
    ppoints = jnp.transpose(pptsT.reshape(b, t, 3, K, n), (0, 1, 4, 3, 2))
    pfeats = jnp.transpose(
        pfeatsT.reshape(b, t, K, d_feat, n), (0, 1, 4, 2, 3))

    return {
        "idx": idx.reshape(b, t, n, K),
        "distances": dist.reshape(b, t, n, K),
        "patchlets": patchlets,
        "patchlet_points": ppoints,
        "patchlet_feats": pfeats,
    }

# --- scband reference (transcript-rebuilt; emitter-appended) ---
"""Pipeline reference for scband-patchlets-extractor-6957847020166 (READ-ONLY COPY).

The authoritative reference and input builder live on the scoring server;
editing this copy changes nothing except your own understanding.
"""

import jax, jax.numpy as jnp
import numpy as np

K = 16

def _knn(xq, xb, k):
    # squared L2 distances, queries xq (n,d) vs database xb (n,d), faiss-style ascending
    d2 = jnp.sum(xq * xq, axis=-1, keepdims=True) + jnp.sum(xb * xb, axis=-1)[None, :] - 2.0 * (xq @ xb.T)
    neg_d, idx = jax.lax.top_k(-d2, k)
    return -neg_d, idx

def setup_inputs(seed: int = 0):
    key = jax.random.key(seed)
    k1, k2 = jax.random.split(key)
    point_seq = jax.random.normal(k1, (2, 8, 2048, 3), dtype=jnp.float32)
    feat_seq = jax.random.normal(k2, (2, 8, 2048, 64), dtype=jnp.float32)
    return {"point_seq": point_seq, "feat_seq": feat_seq}

def reference(point_seq, feat_seq):
    b, t, n, d = point_seq.shape
    d_feat = feat_seq.shape[-1]
    x1 = point_seq
    x2 = jnp.concatenate([point_seq[:, :1], point_seq], axis=1)[:, :-1]
    x1 = x1.reshape(-1, n, d)
    x2 = x2.reshape(-1, n, d)
    feat = feat_seq.reshape(-1, n, d_feat)
    dist0, idx0 = _knn(x2[0], x1[0], K)
    distances = [dist0]
    idxs = [idx0]
    patchlets = [idx0]
    for i in range(1, x1.shape[0]):
        di, ii = _knn(x2[i], x1[i], K)
        distances.append(di)
        idxs.append(ii)
        prev = patchlets[-1][:, 0]  # selected_point_idx = 0 ('nn' mode)
        patchlets.append(ii[prev, :])
    distances = jnp.stack(distances)
    idxs = jnp.stack(idxs)
    patchlets_a = jnp.stack(patchlets)
    # utils.index_points: out[f, i, j] = points[f, idx[f, i, j]]
    patchlet_points = jax.vmap(lambda p, i: p[i])(x1, patchlets_a)
    patchlet_feats = jax.vmap(lambda p, i: p[i])(feat, patchlets_a)
    return {
        "idx": idxs.reshape(b, t, n, K),
        "distances": distances.reshape(b, t, n, K),
        "patchlets": patchlets_a.reshape(b, t, n, K),
        "patchlet_points": patchlet_points.reshape(b, t, n, K, d),
        "patchlet_feats": patchlet_feats.reshape(b, t, n, K, d_feat),
    }

if __name__ == "__main__":
    import jax
    _d = setup_inputs()
    print(jax.jit(kernel)(*tuple(_d.values())))

</pallas_src>

<mosaic_0001>
#map = affine_map<(d0, d1) -> (0, 0)>
#map1 = affine_map<(d0, d1) -> (0)>
#map2 = affine_map<(d0, d1) -> (0, 0, 0)>
#map3 = affine_map<(d0, d1) -> (0, 0, 0, 0)>
module attributes {stable_mosaic.version = 14 : i64} {
  func.func @chain_kernel(%arg0: i32, %arg1: i32, %arg2: memref<32768x16xi32, #tpu.memory_space<hbm>>, %arg3: memref<32768xi32, #tpu.memory_space<hbm>>, %arg4: memref<32768x16xf32, #tpu.memory_space<hbm>>, %arg5: memref<32768x64xf32, #tpu.memory_space<hbm>>, %arg6: memref<16x16x2048xi32, #tpu.memory_space<hbm>>, %arg7: memref<16x3x16x2048xf32, #tpu.memory_space<hbm>>, %arg8: memref<256x64x2048xf32, #tpu.memory_space<hbm>>, %arg9: memref<64x16xi32, #tpu.memory_space<vmem>>, %arg10: memref<64xi32, #tpu.memory_space<vmem>>, %arg11: memref<64xi32, #tpu.memory_space<vmem>>, %arg12: memref<1024xi32, #tpu.memory_space<vmem>>, %arg13: memref<16x64xi32, #tpu.memory_space<vmem>>, %arg14: memref<512x16xf32, #tpu.memory_space<vmem>>, %arg15: memref<3x16x64xf32, #tpu.memory_space<vmem>>, %arg16: memref<512x64xf32, #tpu.memory_space<vmem>>, %arg17: memref<1024x64xf32, #tpu.memory_space<vmem>>, %arg18: memref<!tpu.dma_semaphore, #tpu.memory_space<semaphore_mem>>, %arg19: memref<!tpu.dma_semaphore, #tpu.memory_space<semaphore_mem>>, %arg20: memref<!tpu.dma_semaphore, #tpu.memory_space<semaphore_mem>>, %arg21: memref<!tpu.dma_semaphore, #tpu.memory_space<semaphore_mem>>) attributes {dimension_semantics = [#tpu.dimension_semantics<core_parallel>, #tpu.dimension_semantics<subcore_parallel>], iteration_bounds = array<i64: 2, 16>, scalar_prefetch = 0 : i64, scratch_operands = 13 : i64, tpu.core_type = #tpu.core_type<sc_vector_subcore>, window_params = [{transform_indices = #map}, {transform_indices = #map1}, {transform_indices = #map}, {transform_indices = #map}, {transform_indices = #map2}, {transform_indices = #map3}, {transform_indices = #map2}]} {
    %mul3A = arith.constant 2 : i32
    %mul3A_0 = arith.muli %arg1, %mul3A : i32
    %add3A = arith.addi %mul3A_0, %arg0 : i32
    %mul3A_1 = arith.constant 64 : i32
    %mul3A_2 = arith.muli %add3A, %mul3A_1 : i32
    %iota3A = tpu.iota {dimensions = array<i32: 0>} : vector<16xi32>
    %lt3A = arith.constant 3 : i32
    %lt3A_3 = vector.broadcast %lt3A : i32 to vector<16xi32>
    %lt3A_4 = arith.cmpi slt, %iota3A, %lt3A_3 : vector<16xi32>
    %add3A_5 = arith.constant 0 : i32
    %add3A_6 = vector.broadcast %add3A_5 : i32 to vector<16xi32>
    %add3A_7 = arith.addi %add3A_6, %iota3A : vector<16xi32>
    %add3A_8 = arith.constant 16 : i32
    %add3A_9 = vector.broadcast %add3A_8 : i32 to vector<16xi32>
    %add3A_10 = arith.addi %add3A_9, %iota3A : vector<16xi32>
    %add3A_11 = arith.constant 32 : i32
    %add3A_12 = vector.broadcast %add3A_11 : i32 to vector<16xi32>
    %add3A_13 = arith.addi %add3A_12, %iota3A : vector<16xi32>
    %add3A_14 = arith.constant 48 : i32
    %add3A_15 = vector.broadcast %add3A_14 : i32 to vector<16xi32>
    %add3A_16 = arith.addi %add3A_15, %iota3A : vector<16xi32>
    %add3A_17 = arith.constant 64 : i32
    %add3A_18 = vector.broadcast %add3A_17 : i32 to vector<16xi32>
    %add3A_19 = arith.addi %add3A_18, %iota3A : vector<16xi32>
    %add3A_20 = arith.constant 80 : i32
    %add3A_21 = vector.broadcast %add3A_20 : i32 to vector<16xi32>
    %add3A_22 = arith.addi %add3A_21, %iota3A : vector<16xi32>
    %add3A_23 = arith.constant 96 : i32
    %add3A_24 = vector.broadcast %add3A_23 : i32 to vector<16xi32>
    %add3A_25 = arith.addi %add3A_24, %iota3A : vector<16xi32>
    %add3A_26 = arith.constant 112 : i32
    %add3A_27 = vector.broadcast %add3A_26 : i32 to vector<16xi32>
    %add3A_28 = arith.addi %add3A_27, %iota3A : vector<16xi32>
    %add3A_29 = arith.constant 128 : i32
    %add3A_30 = vector.broadcast %add3A_29 : i32 to vector<16xi32>
    %add3A_31 = arith.addi %add3A_30, %iota3A : vector<16xi32>
    %add3A_32 = arith.constant 144 : i32
    %add3A_33 = vector.broadcast %add3A_32 : i32 to vector<16xi32>
    %add3A_34 = arith.addi %add3A_33, %iota3A : vector<16xi32>
    %add3A_35 = arith.constant 160 : i32
    %add3A_36 = vector.broadcast %add3A_35 : i32 to vector<16xi32>
    %add3A_37 = arith.addi %add3A_36, %iota3A : vector<16xi32>
    %add3A_38 = arith.constant 176 : i32
    %add3A_39 = vector.broadcast %add3A_38 : i32 to vector<16xi32>
    %add3A_40 = arith.addi %add3A_39, %iota3A : vector<16xi32>
    %add3A_41 = arith.constant 192 : i32
    %add3A_42 = vector.broadcast %add3A_41 : i32 to vector<16xi32>
    %add3A_43 = arith.addi %add3A_42, %iota3A : vector<16xi32>
    %add3A_44 = arith.constant 208 : i32
    %add3A_45 = vector.broadcast %add3A_44 : i32 to vector<16xi32>
    %add3A_46 = arith.addi %add3A_45, %iota3A : vector<16xi32>
    %add3A_47 = arith.constant 224 : i32
    %add3A_48 = vector.broadcast %add3A_47 : i32 to vector<16xi32>
    %add3A_49 = arith.addi %add3A_48, %iota3A : vector<16xi32>
    %add3A_50 = arith.constant 240 : i32
    %add3A_51 = vector.broadcast %add3A_50 : i32 to vector<16xi32>
    %add3A_52 = arith.addi %add3A_51, %iota3A : vector<16xi32>
    %add3A_53 = arith.constant 256 : i32
    %add3A_54 = vector.broadcast %add3A_53 : i32 to vector<16xi32>
    %add3A_55 = arith.addi %add3A_54, %iota3A : vector<16xi32>
    %add3A_56 = arith.constant 272 : i32
    %add3A_57 = vector.broadcast %add3A_56 : i32 to vector<16xi32>
    %add3A_58 = arith.addi %add3A_57, %iota3A : vector<16xi32>
    %add3A_59 = arith.constant 288 : i32
    %add3A_60 = vector.broadcast %add3A_59 : i32 to vector<16xi32>
    %add3A_61 = arith.addi %add3A_60, %iota3A : vector<16xi32>
    %add3A_62 = arith.constant 304 : i32
    %add3A_63 = vector.broadcast %add3A_62 : i32 to vector<16xi32>
    %add3A_64 = arith.addi %add3A_63, %iota3A : vector<16xi32>
    %add3A_65 = arith.constant 320 : i32
    %add3A_66 = vector.broadcast %add3A_65 : i32 to vector<16xi32>
    %add3A_67 = arith.addi %add3A_66, %iota3A : vector<16xi32>
    %add3A_68 = arith.constant 336 : i32
    %add3A_69 = vector.broadcast %add3A_68 : i32 to vector<16xi32>
    %add3A_70 = arith.addi %add3A_69, %iota3A : vector<16xi32>
    %add3A_71 = arith.constant 352 : i32
    %add3A_72 = vector.broadcast %add3A_71 : i32 to vector<16xi32>
    %add3A_73 = arith.addi %add3A_72, %iota3A : vector<16xi32>
    %add3A_74 = arith.constant 368 : i32
    %add3A_75 = vector.broadcast %add3A_74 : i32 to vector<16xi32>
    %add3A_76 = arith.addi %add3A_75, %iota3A : vector<16xi32>
    %add3A_77 = arith.constant 384 : i32
    %add3A_78 = vector.broadcast %add3A_77 : i32 to vector<16xi32>
    %add3A_79 = arith.addi %add3A_78, %iota3A : vector<16xi32>
    %add3A_80 = arith.constant 400 : i32
    %add3A_81 = vector.broadcast %add3A_80 : i32 to vector<16xi32>
    %add3A_82 = arith.addi %add3A_81, %iota3A : vector<16xi32>
    %add3A_83 = arith.constant 416 : i32
    %add3A_84 = vector.broadcast %add3A_83 : i32 to vector<16xi32>
    %add3A_85 = arith.addi %add3A_84, %iota3A : vector<16xi32>
    %add3A_86 = arith.constant 432 : i32
    %add3A_87 = vector.broadcast %add3A_86 : i32 to vector<16xi32>
    %add3A_88 = arith.addi %add3A_87, %iota3A : vector<16xi32>
    %add3A_89 = arith.constant 448 : i32
    %add3A_90 = vector.broadcast %add3A_89 : i32 to vector<16xi32>
    %add3A_91 = arith.addi %add3A_90, %iota3A : vector<16xi32>
    %add3A_92 = arith.constant 464 : i32
    %add3A_93 = vector.broadcast %add3A_92 : i32 to vector<16xi32>
    %add3A_94 = arith.addi %add3A_93, %iota3A : vector<16xi32>
    %add3A_95 = arith.constant 480 : i32
    %add3A_96 = vector.broadcast %add3A_95 : i32 to vector<16xi32>
    %add3A_97 = arith.addi %add3A_96, %iota3A : vector<16xi32>
    %add3A_98 = arith.constant 496 : i32
    %add3A_99 = vector.broadcast %add3A_98 : i32 to vector<16xi32>
    %add3A_100 = arith.addi %add3A_99, %iota3A : vector<16xi32>
    %add3A_101 = arith.constant 512 : i32
    %add3A_102 = vector.broadcast %add3A_101 : i32 to vector<16xi32>
    %add3A_103 = arith.addi %add3A_102, %iota3A : vector<16xi32>
    %add3A_104 = arith.constant 528 : i32
    %add3A_105 = vector.broadcast %add3A_104 : i32 to vector<16xi32>
    %add3A_106 = arith.addi %add3A_105, %iota3A : vector<16xi32>
    %add3A_107 = arith.constant 544 : i32
    %add3A_108 = vector.broadcast %add3A_107 : i32 to vector<16xi32>
    %add3A_109 = arith.addi %add3A_108, %iota3A : vector<16xi32>
    %add3A_110 = arith.constant 560 : i32
    %add3A_111 = vector.broadcast %add3A_110 : i32 to vector<16xi32>
    %add3A_112 = arith.addi %add3A_111, %iota3A : vector<16xi32>
    %add3A_113 = arith.constant 576 : i32
    %add3A_114 = vector.broadcast %add3A_113 : i32 to vector<16xi32>
    %add3A_115 = arith.addi %add3A_114, %iota3A : vector<16xi32>
    %add3A_116 = arith.constant 592 : i32
    %add3A_117 = vector.broadcast %add3A_116 : i32 to vector<16xi32>
    %add3A_118 = arith.addi %add3A_117, %iota3A : vector<16xi32>
    %add3A_119 = arith.constant 608 : i32
    %add3A_120 = vector.broadcast %add3A_119 : i32 to vector<16xi32>
    %add3A_121 = arith.addi %add3A_120, %iota3A : vector<16xi32>
    %add3A_122 = arith.constant 624 : i32
    %add3A_123 = vector.broadcast %add3A_122 : i32 to vector<16xi32>
    %add3A_124 = arith.addi %add3A_123, %iota3A : vector<16xi32>
    %add3A_125 = arith.constant 640 : i32
    %add3A_126 = vector.broadcast %add3A_125 : i32 to vector<16xi32>
    %add3A_127 = arith.addi %add3A_126, %iota3A : vector<16xi32>
    %add3A_128 = arith.constant 656 : i32
    %add3A_129 = vector.broadcast %add3A_128 : i32 to vector<16xi32>
    %add3A_130 = arith.addi %add3A_129, %iota3A : vector<16xi32>
    %add3A_131 = arith.constant 672 : i32
    %add3A_132 = vector.broadcast %add3A_131 : i32 to vector<16xi32>
    %add3A_133 = arith.addi %add3A_132, %iota3A : vector<16xi32>
    %add3A_134 = arith.constant 688 : i32
    %add3A_135 = vector.broadcast %add3A_134 : i32 to vector<16xi32>
    %add3A_136 = arith.addi %add3A_135, %iota3A : vector<16xi32>
    %add3A_137 = arith.constant 704 : i32
    %add3A_138 = vector.broadcast %add3A_137 : i32 to vector<16xi32>
    %add3A_139 = arith.addi %add3A_138, %iota3A : vector<16xi32>
    %add3A_140 = arith.constant 720 : i32
    %add3A_141 = vector.broadcast %add3A_140 : i32 to vector<16xi32>
    %add3A_142 = arith.addi %add3A_141, %iota3A : vector<16xi32>
    %add3A_143 = arith.constant 736 : i32
    %add3A_144 = vector.broadcast %add3A_143 : i32 to vector<16xi32>
    %add3A_145 = arith.addi %add3A_144, %iota3A : vector<16xi32>
    %add3A_146 = arith.constant 752 : i32
    %add3A_147 = vector.broadcast %add3A_146 : i32 to vector<16xi32>
    %add3A_148 = arith.addi %add3A_147, %iota3A : vector<16xi32>
    %add3A_149 = arith.constant 768 : i32
    %add3A_150 = vector.broadcast %add3A_149 : i32 to vector<16xi32>
    %add3A_151 = arith.addi %add3A_150, %iota3A : vector<16xi32>
    %add3A_152 = arith.constant 784 : i32
    %add3A_153 = vector.broadcast %add3A_152 : i32 to vector<16xi32>
    %add3A_154 = arith.addi %add3A_153, %iota3A : vector<16xi32>
    %add3A_155 = arith.constant 800 : i32
    %add3A_156 = vector.broadcast %add3A_155 : i32 to vector<16xi32>
    %add3A_157 = arith.addi %add3A_156, %iota3A : vector<16xi32>
    %add3A_158 = arith.constant 816 : i32
    %add3A_159 = vector.broadcast %add3A_158 : i32 to vector<16xi32>
    %add3A_160 = arith.addi %add3A_159, %iota3A : vector<16xi32>
    %add3A_161 = arith.constant 832 : i32
    %add3A_162 = vector.broadcast %add3A_161 : i32 to vector<16xi32>
    %add3A_163 = arith.addi %add3A_162, %iota3A : vector<16xi32>
    %add3A_164 = arith.constant 848 : i32
    %add3A_165 = vector.broadcast %add3A_164 : i32 to vector<16xi32>
    %add3A_166 = arith.addi %add3A_165, %iota3A : vector<16xi32>
    %add3A_167 = arith.constant 864 : i32
    %add3A_168 = vector.broadcast %add3A_167 : i32 to vector<16xi32>
    %add3A_169 = arith.addi %add3A_168, %iota3A : vector<16xi32>
    %add3A_170 = arith.constant 880 : i32
    %add3A_171 = vector.broadcast %add3A_170 : i32 to vector<16xi32>
    %add3A_172 = arith.addi %add3A_171, %iota3A : vector<16xi32>
    %add3A_173 = arith.constant 896 : i32
    %add3A_174 = vector.broadcast %add3A_173 : i32 to vector<16xi32>
    %add3A_175 = arith.addi %add3A_174, %iota3A : vector<16xi32>
    %add3A_176 = arith.constant 912 : i32
    %add3A_177 = vector.broadcast %add3A_176 : i32 to vector<16xi32>
    %add3A_178 = arith.addi %add3A_177, %iota3A : vector<16xi32>
    %add3A_179 = arith.constant 928 : i32
    %add3A_180 = vector.broadcast %add3A_179 : i32 to vector<16xi32>
    %add3A_181 = arith.addi %add3A_180, %iota3A : vector<16xi32>
    %add3A_182 = arith.constant 944 : i32
    %add3A_183 = vector.broadcast %add3A_182 : i32 to vector<16xi32>
    %add3A_184 = arith.addi %add3A_183, %iota3A : vector<16xi32>
    %add3A_185 = arith.constant 960 : i32
    %add3A_186 = vector.broadcast %add3A_185 : i32 to vector<16xi32>
    %add3A_187 = arith.addi %add3A_186, %iota3A : vector<16xi32>
    %add3A_188 = arith.constant 976 : i32
    %add3A_189 = vector.broadcast %add3A_188 : i32 to vector<16xi32>
    %add3A_190 = arith.addi %add3A_189, %iota3A : vector<16xi32>
    %add3A_191 = arith.constant 992 : i32
    %add3A_192 = vector.broadcast %add3A_191 : i32 to vector<16xi32>
    %add3A_193 = arith.addi %add3A_192, %iota3A : vector<16xi32>
    %add3A_194 = arith.constant 1008 : i32
    %add3A_195 = vector.broadcast %add3A_194 : i32 to vector<16xi32>
    %add3A_196 = arith.addi %add3A_195, %iota3A : vector<16xi32>
    %broadcast_in_dim3A = arith.constant 0 : i32
    %broadcast_in_dim3A_197 = vector.broadcast %broadcast_in_dim3A : i32 to vector<16xi32>
    %broadcast_in_dim3A_198 = arith.constant 1 : i32
    %broadcast_in_dim3A_199 = vector.broadcast %broadcast_in_dim3A_198 : i32 to vector<16xi32>
    %broadcast_in_dim3A_200 = arith.constant 2 : i32
    %broadcast_in_dim3A_201 = vector.broadcast %broadcast_in_dim3A_200 : i32 to vector<16xi32>
    %broadcast_in_dim3A_202 = arith.constant 3 : i32
    %broadcast_in_dim3A_203 = vector.broadcast %broadcast_in_dim3A_202 : i32 to vector<16xi32>
    %broadcast_in_dim3A_204 = arith.constant 4 : i32
    %broadcast_in_dim3A_205 = vector.broadcast %broadcast_in_dim3A_204 : i32 to vector<16xi32>
    %broadcast_in_dim3A_206 = arith.constant 5 : i32
    %broadcast_in_dim3A_207 = vector.broadcast %broadcast_in_dim3A_206 : i32 to vector<16xi32>
    %broadcast_in_dim3A_208 = arith.constant 6 : i32
    %broadcast_in_dim3A_209 = vector.broadcast %broadcast_in_dim3A_208 : i32 to vector<16xi32>
    %broadcast_in_dim3A_210 = arith.constant 7 : i32
    %broadcast_in_dim3A_211 = vector.broadcast %broadcast_in_dim3A_210 : i32 to vector<16xi32>
    %broadcast_in_dim3A_212 = arith.constant 8 : i32
    %broadcast_in_dim3A_213 = vector.broadcast %broadcast_in_dim3A_212 : i32 to vector<16xi32>
    %broadcast_in_dim3A_214 = arith.constant 9 : i32
    %broadcast_in_dim3A_215 = vector.broadcast %broadcast_in_dim3A_214 : i32 to vector<16xi32>
    %broadcast_in_dim3A_216 = arith.constant 10 : i32
    %broadcast_in_dim3A_217 = vector.broadcast %broadcast_in_dim3A_216 : i32 to vector<16xi32>
    %broadcast_in_dim3A_218 = arith.constant 11 : i32
    %broadcast_in_dim3A_219 = vector.broadcast %broadcast_in_dim3A_218 : i32 to vector<16xi32>
    %broadcast_in_dim3A_220 = arith.constant 12 : i32
    %broadcast_in_dim3A_221 = vector.broadcast %broadcast_in_dim3A_220 : i32 to vector<16xi32>
    %broadcast_in_dim3A_222 = arith.constant 13 : i32
    %broadcast_in_dim3A_223 = vector.broadcast %broadcast_in_dim3A_222 : i32 to vector<16xi32>
    %broadcast_in_dim3A_224 = arith.constant 14 : i32
    %broadcast_in_dim3A_225 = vector.broadcast %broadcast_in_dim3A_224 : i32 to vector<16xi32>
    %broadcast_in_dim3A_226 = arith.constant 15 : i32
    %broadcast_in_dim3A_227 = vector.broadcast %broadcast_in_dim3A_226 : i32 to vector<16xi32>
    %add3A_228 = arith.constant 0 : i32
    %add3A_229 = arith.addi %mul3A_2, %add3A_228 : i32
    %add3A_230 = vector.broadcast %add3A_229 : i32 to vector<16xi32>
    %add3A_231 = arith.addi %add3A_230, %iota3A : vector<16xi32>
    %swap3A = arith.constant 0 : index
    %swap3A_232 = tpu.vector_load %arg10[%swap3A] {strides = array<i32>} : memref<64xi32, #tpu.memory_space<vmem>>, vector<16xi32>,
    tpu.vector_store %arg10[%swap3A], %add3A_231 {strides = array<i32>} : memref<64xi32, #tpu.memory_space<vmem>>, vector<16xi32>,
    %add3A_233 = arith.constant 16 : i32
    %add3A_234 = arith.addi %mul3A_2, %add3A_233 : i32
    %add3A_235 = vector.broadcast %add3A_234 : i32 to vector<16xi32>
    %add3A_236 = arith.addi %add3A_235, %iota3A : vector<16xi32>
    %swap3A_237 = arith.constant 16 : index
    %swap3A_238 = tpu.vector_load %arg10[%swap3A_237] {strides = array<i32>} : memref<64xi32, #tpu.memory_space<vmem>>, vector<16xi32>,
    tpu.vector_store %arg10[%swap3A_237], %add3A_236 {strides = array<i32>} : memref<64xi32, #tpu.memory_space<vmem>>, vector<16xi32>,
    %add3A_239 = arith.constant 32 : i32
    %add3A_240 = arith.addi %mul3A_2, %add3A_239 : i32
    %add3A_241 = vector.broadcast %add3A_240 : i32 to vector<16xi32>
    %add3A_242 = arith.addi %add3A_241, %iota3A : vector<16xi32>
    %swap3A_243 = arith.constant 32 : index
    %swap3A_244 = tpu.vector_load %arg10[%swap3A_243] {strides = array<i32>} : memref<64xi32, #tpu.memory_space<vmem>>, vector<16xi32>,
    tpu.vector_store %arg10[%swap3A_243], %add3A_242 {strides = array<i32>} : memref<64xi32, #tpu.memory_space<vmem>>, vector<16xi32>,
    %add3A_245 = arith.constant 48 : i32
    %add3A_246 = arith.addi %mul3A_2, %add3A_245 : i32
    %add3A_247 = vector.broadcast %add3A_246 : i32 to vector<16xi32>
    %add3A_248 = arith.addi %add3A_247, %iota3A : vector<16xi32>
    %swap3A_249 = arith.constant 48 : index
    %swap3A_250 = tpu.vector_load %arg10[%swap3A_249] {strides = array<i32>} : memref<64xi32, #tpu.memory_space<vmem>>, vector<16xi32>,
    tpu.vector_store %arg10[%swap3A_249], %add3A_248 {strides = array<i32>} : memref<64xi32, #tpu.memory_space<vmem>>, vector<16xi32>,
    %scan3A = arith.constant 0 : i32
    %scan3A_251 = arith.constant 0 : i32
    %scan3A_252 = arith.constant 16 : i32
    %scan3A_253 = arith.addi %scan3A_251, %scan3A_252 : i32
    %scan3A_254 = arith.constant 1 : i32
    %scan3A_255 = scf.for %scan3A_257 = %scan3A_251 to %scan3A_253 step %scan3A_254 iter_args(%scan3A_258 = %scan3A) -> (i32)  : i32 {
      %dma_start3A = arith.constant 0 : i32
      %dma_start3A_259 = arith.constant 0 : i32
      %dma_start3A_260 = tpu.memref_slice %arg2[%dma_start3A, %dma_start3A_259] : memref<32768x16xi32, #tpu.memory_space<hbm>> -> memref<32768x16xi32, #tpu.memory_space<hbm>>
      tpu.enqueue_indirect_dma source(%dma_start3A_260 : memref<32768x16xi32, #tpu.memory_space<hbm>>) target(%arg9 : memref<64x16xi32, #tpu.memory_space<vmem>>) offsets(%arg10 : memref<64xi32, #tpu.memory_space<vmem>>) semaphore(%arg18 : memref<!tpu.dma_semaphore, #tpu.memory_space<semaphore_mem>>)
      %dma_start3A_261 = arith.constant 0 : i32
      %dma_start3A_262 = tpu.memref_slice %arg3[%dma_start3A_261] : memref<32768xi32, #tpu.memory_space<hbm>> -> memref<32768xi32, #tpu.memory_space<hbm>>
      tpu.enqueue_indirect_dma source(%dma_start3A_262 : memref<32768xi32, #tpu.memory_space<hbm>>) target(%arg11 : memref<64xi32, #tpu.memory_space<vmem>>) offsets(%arg10 : memref<64xi32, #tpu.memory_space<vmem>>) semaphore(%arg19 : memref<!tpu.dma_semaphore, #tpu.memory_space<semaphore_mem>>)
      %dma_wait3A = arith.constant 0 : i32
      %dma_wait3A_263 = arith.constant 0 : i32
      %dma_wait3A_264 = tpu.memref_slice %arg2[%dma_wait3A, %dma_wait3A_263] : memref<32768x16xi32, #tpu.memory_space<hbm>> -> memref<32768x16xi32, #tpu.memory_space<hbm>>
      tpu.wait_indirect_dma semaphore(%arg18 : memref<!tpu.dma_semaphore, #tpu.memory_space<semaphore_mem>>) src(%dma_wait3A_264 : memref<32768x16xi32, #tpu.memory_space<hbm>>) dst(%arg9 : memref<64x16xi32, #tpu.memory_space<vmem>>)
      %dma_wait3A_265 = arith.constant 0 : i32
      %dma_wait3A_266 = tpu.memref_slice %arg3[%dma_wait3A_265] : memref<32768xi32, #tpu.memory_space<hbm>> -> memref<32768xi32, #tpu.memory_space<hbm>>
      tpu.wait_indirect_dma semaphore(%arg19 : memref<!tpu.dma_semaphore, #tpu.memory_space<semaphore_mem>>) src(%dma_wait3A_266 : memref<32768xi32, #tpu.memory_space<hbm>>) dst(%arg11 : memref<64xi32, #tpu.memory_space<vmem>>)
      %mul3A_267 = arith.constant 2048 : i32
      %mul3A_268 = arith.muli %scan3A_257, %mul3A_267 : i32
      %scan3A_269 = arith.constant 0 : i32
      %scan3A_270 = arith.constant 0 : i32
      %scan3A_271 = arith.constant 64 : i32
      %scan3A_272 = arith.addi %scan3A_270, %scan3A_271 : i32
      %scan3A_273 = arith.constant 1 : i32
      %scan3A_274 = scf.for %scan3A_430 = %scan3A_270 to %scan3A_272 step %scan3A_273 iter_args(%scan3A_431 = %scan3A_269) -> (i32)  : i32 {
        %get3A_432 = arith.index_cast %scan3A_430 : i32 to index
        %get3A_433 = arith.constant 0 : index
        %get3A_434 = tpu.vector_load %arg9[%get3A_432, %get3A_433] {strides = array<i32>} : memref<64x16xi32, #tpu.memory_space<vmem>>, vector<16xi32>,
        %add3A_435 = vector.broadcast %mul3A_268 : i32 to vector<16xi32>
        %add3A_436 = arith.addi %get3A_434, %add3A_435 : vector<16xi32>
        %mul3A_437 = arith.constant 16 : i32
        %mul3A_438 = arith.muli %scan3A_430, %mul3A_437 : i32
        %swap3A_439 = arith.index_cast %mul3A_438 : i32 to index
        %swap3A_440 = tpu.vector_load %arg12[%swap3A_439] {strides = array<i32>} : memref<1024xi32, #tpu.memory_space<vmem>>, vector<16xi32>,
        tpu.vector_store %arg12[%swap3A_439], %add3A_436 {strides = array<i32>} : memref<1024xi32, #tpu.memory_space<vmem>>, vector<16xi32>,
        %broadcast_in_dim3A_441 = vector.broadcast %scan3A_430 : i32 to vector<16xi32>
        tpu.vector_store_idx %arg13[%iota3A, %broadcast_in_dim3A_441], %get3A_434 : memref<16x64xi32, #tpu.memory_space<vmem>>[vector<16xi32>, vector<16xi32>], vector<16xi32>,
        %scan3A_442 = arith.constant 0 : i32
        scf.yield %scan3A_442 : i32
      }
      %scan3A_275 = arith.constant 64 : i32
      %get3A = arith.constant 0 : index
      %get3A_276 = tpu.vector_load %arg11[%get3A] {strides = array<i32>} : memref<64xi32, #tpu.memory_space<vmem>>, vector<16xi32>,
      %add3A_277 = vector.broadcast %mul3A_268 : i32 to vector<16xi32>
      %add3A_278 = arith.addi %get3A_276, %add3A_277 : vector<16xi32>
      %add3A_279 = arith.constant 2048 : i32
      %add3A_280 = vector.broadcast %add3A_279 : i32 to vector<16xi32>
      %add3A_281 = arith.addi %add3A_278, %add3A_280 : vector<16xi32>
      %swap3A_282 = arith.constant 0 : index
      %swap3A_283 = tpu.vector_load %arg10[%swap3A_282] {strides = array<i32>} : memref<64xi32, #tpu.memory_space<vmem>>, vector<16xi32>,
      tpu.vector_store %arg10[%swap3A_282], %add3A_281 {strides = array<i32>} : memref<64xi32, #tpu.memory_space<vmem>>, vector<16xi32>,
      %get3A_284 = arith.constant 16 : index
      %get3A_285 = tpu.vector_load %arg11[%get3A_284] {strides = array<i32>} : memref<64xi32, #tpu.memory_space<vmem>>, vector<16xi32>,
      %add3A_286 = vector.broadcast %mul3A_268 : i32 to vector<16xi32>
      %add3A_287 = arith.addi %get3A_285, %add3A_286 : vector<16xi32>
      %add3A_288 = arith.constant 2048 : i32
      %add3A_289 = vector.broadcast %add3A_288 : i32 to vector<16xi32>
      %add3A_290 = arith.addi %add3A_287, %add3A_289 : vector<16xi32>
      %swap3A_291 = arith.constant 16 : index
      %swap3A_292 = tpu.vector_load %arg10[%swap3A_291] {strides = array<i32>} : memref<64xi32, #tpu.memory_space<vmem>>, vector<16xi32>,
      tpu.vector_store %arg10[%swap3A_291], %add3A_290 {strides = array<i32>} : memref<64xi32, #tpu.memory_space<vmem>>, vector<16xi32>,
      %get3A_293 = arith.constant 32 : index
      %get3A_294 = tpu.vector_load %arg11[%get3A_293] {strides = array<i32>} : memref<64xi32, #tpu.memory_space<vmem>>, vector<16xi32>,
      %add3A_295 = vector.broadcast %mul3A_268 : i32 to vector<16xi32>
      %add3A_296 = arith.addi %get3A_294, %add3A_295 : vector<16xi32>
      %add3A_297 = arith.constant 2048 : i32
      %add3A_298 = vector.broadcast %add3A_297 : i32 to vector<16xi32>
      %add3A_299 = arith.addi %add3A_296, %add3A_298 : vector<16xi32>
      %swap3A_300 = arith.constant 32 : index
      %swap3A_301 = tpu.vector_load %arg10[%swap3A_300] {strides = array<i32>} : memref<64xi32, #tpu.memory_space<vmem>>, vector<16xi32>,
      tpu.vector_store %arg10[%swap3A_300], %add3A_299 {strides = array<i32>} : memref<64xi32, #tpu.memory_space<vmem>>, vector<16xi32>,
      %get3A_302 = arith.constant 48 : index
      %get3A_303 = tpu.vector_load %arg11[%get3A_302] {strides = array<i32>} : memref<64xi32, #tpu.memory_space<vmem>>, vector<16xi32>,
      %add3A_304 = vector.broadcast %mul3A_268 : i32 to vector<16xi32>
      %add3A_305 = arith.addi %get3A_303, %add3A_304 : vector<16xi32>
      %add3A_306 = arith.constant 2048 : i32
      %add3A_307 = vector.broadcast %add3A_306 : i32 to vector<16xi32>
      %add3A_308 = arith.addi %add3A_305, %add3A_307 : vector<16xi32>
      %swap3A_309 = arith.constant 48 : index
      %swap3A_310 = tpu.vector_load %arg10[%swap3A_309] {strides = array<i32>} : memref<64xi32, #tpu.memory_space<vmem>>, vector<16xi32>,
      tpu.vector_store %arg10[%swap3A_309], %add3A_308 {strides = array<i32>} : memref<64xi32, #tpu.memory_space<vmem>>, vector<16xi32>,
      %dma_start3A_311 = arith.constant 0 : i32
      %dma_start3A_312 = tpu.memref_slice %arg12[%dma_start3A_311] : memref<1024xi32, #tpu.memory_space<vmem>> -> memref<512xi32, #tpu.memory_space<vmem>>
      %dma_start3A_313 = arith.constant 0 : i32
      %dma_start3A_314 = arith.constant 0 : i32
      %dma_start3A_315 = tpu.memref_slice %arg5[%dma_start3A_313, %dma_start3A_314] : memref<32768x64xf32, #tpu.memory_space<hbm>> -> memref<32768x64xf32, #tpu.memory_space<hbm>>
      tpu.enqueue_indirect_dma source(%dma_start3A_315 : memref<32768x64xf32, #tpu.memory_space<hbm>>) target(%arg16 : memref<512x64xf32, #tpu.memory_space<vmem>>) offsets(%dma_start3A_312 : memref<512xi32, #tpu.memory_space<vmem>>) semaphore(%arg20 : memref<!tpu.dma_semaphore, #tpu.memory_space<semaphore_mem>>)
      %dma_start3A_316 = arith.constant 0 : i32
      %dma_start3A_317 = tpu.memref_slice %arg12[%dma_start3A_316] : memref<1024xi32, #tpu.memory_space<vmem>> -> memref<512xi32, #tpu.memory_space<vmem>>
      %dma_start3A_318 = arith.constant 0 : i32
      %dma_start3A_319 = arith.constant 0 : i32
      %dma_start3A_320 = tpu.memref_slice %arg4[%dma_start3A_318, %dma_start3A_319] : memref<32768x16xf32, #tpu.memory_space<hbm>> -> memref<32768x16xf32, #tpu.memory_space<hbm>>
      tpu.enqueue_indirect_dma source(%dma_start3A_320 : memref<32768x16xf32, #tpu.memory_space<hbm>>) target(%arg14 : memref<512x16xf32, #tpu.memory_space<vmem>>) offsets(%dma_start3A_317 : memref<512xi32, #tpu.memory_space<vmem>>) semaphore(%arg20 : memref<!tpu.dma_semaphore, #tpu.memory_space<semaphore_mem>>)
      %dma_wait3A_321 = arith.constant 0 : i32
      %dma_wait3A_322 = tpu.memref_slice %arg12[%dma_wait3A_321] : memref<1024xi32, #tpu.memory_space<vmem>> -> memref<512xi32, #tpu.memory_space<vmem>>
      %dma_wait3A_323 = arith.constant 0 : i32
      %dma_wait3A_324 = arith.constant 0 : i32
      %dma_wait3A_325 = tpu.memref_slice %arg5[%dma_wait3A_323, %dma_wait3A_324] : memref<32768x64xf32, #tpu.memory_space<hbm>> -> memref<32768x64xf32, #tpu.memory_space<hbm>>
      tpu.wait_indirect_dma semaphore(%arg20 : memref<!tpu.dma_semaphore, #tpu.memory_space<semaphore_mem>>) src(%dma_wait3A_325 : memref<32768x64xf32, #tpu.memory_space<hbm>>) dst(%arg16 : memref<512x64xf32, #tpu.memory_space<vmem>>)
      %dma_wait3A_326 = arith.constant 0 : i32
      %dma_wait3A_327 = tpu.memref_slice %arg12[%dma_wait3A_326] : memref<1024xi32, #tpu.memory_space<vmem>> -> memref<512xi32, #tpu.memory_space<vmem>>
      %dma_wait3A_328 = arith.constant 0 : i32
      %dma_wait3A_329 = arith.constant 0 : i32
      %dma_wait3A_330 = tpu.memref_slice %arg4[%dma_wait3A_328, %dma_wait3A_329] : memref<32768x16xf32, #tpu.memory_space<hbm>> -> memref<32768x16xf32, #tpu.memory_space<hbm>>
      tpu.wait_indirect_dma semaphore(%arg20 : memref<!tpu.dma_semaphore, #tpu.memory_space<semaphore_mem>>) src(%dma_wait3A_330 : memref<32768x16xf32, #tpu.memory_space<hbm>>) dst(%arg14 : memref<512x16xf32, #tpu.memory_space<vmem>>)
      %scan3A_331 = arith.constant 0 : i32
      %scan3A_332 = arith.constant 0 : i32
      %scan3A_333 = arith.constant 32 : i32
      %scan3A_334 = arith.addi %scan3A_332, %scan3A_333 : i32
      %scan3A_335 = arith.constant 1 : i32
      %scan3A_336 = scf.for %scan3A_430 = %scan3A_332 to %scan3A_334 step %scan3A_335 iter_args(%scan3A_431 = %scan3A_331) -> (i32)  : i32 {
        %broadcast_in_dim3A_432 = arith.constant 0 : i32
        %broadcast_in_dim3A_433 = vector.broadcast %broadcast_in_dim3A_432 : i32 to vector<16xi32>
        %add3A_434 = vector.broadcast %scan3A_430 : i32 to vector<16xi32>
        %add3A_435 = arith.addi %broadcast_in_dim3A_433, %add3A_434 : vector<16xi32>
        %mul3A_436 = arith.constant 16 : i32
        %mul3A_437 = arith.muli %scan3A_430, %mul3A_436 : i32
        %add3A_438 = arith.constant 0 : i32
        %add3A_439 = arith.addi %mul3A_437, %add3A_438 : i32
        %get3A_440 = arith.index_cast %add3A_439 : i32 to index
        %get3A_441 = arith.constant 0 : index
        %get3A_442 = tpu.vector_load %arg16[%get3A_440, %get3A_441] {strides = array<i32>} : memref<512x64xf32, #tpu.memory_space<vmem>>, vector<16xf32>,
        tpu.vector_store_idx %arg17[%add3A_7, %add3A_435], %get3A_442 : memref<1024x64xf32, #tpu.memory_space<vmem>>[vector<16xi32>, vector<16xi32>], vector<16xf32>,
        %add3A_443 = arith.constant 0 : i32
        %add3A_444 = arith.addi %mul3A_437, %add3A_443 : i32
        %get3A_445 = arith.index_cast %add3A_444 : i32 to index
        %get3A_446 = arith.constant 16 : index
        %get3A_447 = tpu.vector_load %arg16[%get3A_445, %get3A_446] {strides = array<i32>} : memref<512x64xf32, #tpu.memory_space<vmem>>, vector<16xf32>,
        tpu.vector_store_idx %arg17[%add3A_10, %add3A_435], %get3A_447 : memref<1024x64xf32, #tpu.memory_space<vmem>>[vector<16xi32>, vector<16xi32>], vector<16xf32>,
        %add3A_448 = arith.constant 0 : i32
        %add3A_449 = arith.addi %mul3A_437, %add3A_448 : i32
        %get3A_450 = arith.index_cast %add3A_449 : i32 to index
        %get3A_451 = arith.constant 32 : index
        %get3A_452 = tpu.vector_load %arg16[%get3A_450, %get3A_451] {strides = array<i32>} : memref<512x64xf32, #tpu.memory_space<vmem>>, vector<16xf32>,
        tpu.vector_store_idx %arg17[%add3A_13, %add3A_435], %get3A_452 : memref<1024x64xf32, #tpu.memory_space<vmem>>[vector<16xi32>, vector<16xi32>], vector<16xf32>,
        %add3A_453 = arith.constant 0 : i32
        %add3A_454 = arith.addi %mul3A_437, %add3A_453 : i32
        %get3A_455 = arith.index_cast %add3A_454 : i32 to index
        %get3A_456 = arith.constant 48 : index
        %get3A_457 = tpu.vector_load %arg16[%get3A_455, %get3A_456] {strides = array<i32>} : memref<512x64xf32, #tpu.memory_space<vmem>>, vector<16xf32>,
        tpu.vector_store_idx %arg17[%add3A_16, %add3A_435], %get3A_457 : memref<1024x64xf32, #tpu.memory_space<vmem>>[vector<16xi32>, vector<16xi32>], vector<16xf32>,
        %add3A_458 = arith.constant 0 : i32
        %add3A_459 = arith.addi %mul3A_437, %add3A_458 : i32
        %get3A_460 = arith.index_cast %add3A_459 : i32 to index
        %get3A_461 = arith.constant 0 : index
        %get3A_462 = tpu.vector_load %arg14[%get3A_460, %get3A_461] {strides = array<i32>} : memref<512x16xf32, #tpu.memory_space<vmem>>, vector<16xf32>,
        tpu.vector_store_idx %arg15[%iota3A, %broadcast_in_dim3A_197, %add3A_435], %get3A_462 masked %lt3A_4 : memref<3x16x64xf32, #tpu.memory_space<vmem>>[vector<16xi32>, vector<16xi32>, vector<16xi32>], vector<16xf32>, vector<16xi1>
        %add3A_463 = arith.constant 1 : i32
        %add3A_464 = arith.addi %mul3A_437, %add3A_463 : i32
        %get3A_465 = arith.index_cast %add3A_464 : i32 to index
        %get3A_466 = arith.constant 0 : index
        %get3A_467 = tpu.vector_load %arg16[%get3A_465, %get3A_466] {strides = array<i32>} : memref<512x64xf32, #tpu.memory_space<vmem>>, vector<16xf32>,
        tpu.vector_store_idx %arg17[%add3A_19, %add3A_435], %get3A_467 : memref<1024x64xf32, #tpu.memory_space<vmem>>[vector<16xi32>, vector<16xi32>], vector<16xf32>,
        %add3A_468 = arith.constant 1 : i32
        %add3A_469 = arith.addi %mul3A_437, %add3A_468 : i32
        %get3A_470 = arith.index_cast %add3A_469 : i32 to index
        %get3A_471 = arith.constant 16 : index
        %get3A_472 = tpu.vector_load %arg16[%get3A_470, %get3A_471] {strides = array<i32>} : memref<512x64xf32, #tpu.memory_space<vmem>>, vector<16xf32>,
        tpu.vector_store_idx %arg17[%add3A_22, %add3A_435], %get3A_472 : memref<1024x64xf32, #tpu.memory_space<vmem>>[vector<16xi32>, vector<16xi32>], vector<16xf32>,
        %add3A_473 = arith.constant 1 : i32
        %add3A_474 = arith.addi %mul3A_437, %add3A_473 : i32
        %get3A_475 = arith.index_cast %add3A_474 : i32 to index
        %get3A_476 = arith.constant 32 : index
        %get3A_477 = tpu.vector_load %arg16[%get3A_475, %get3A_476] {strides = array<i32>} : memref<512x64xf32, #tpu.memory_space<vmem>>, vector<16xf32>,
        tpu.vector_store_idx %arg17[%add3A_25, %add3A_435], %get3A_477 : memref<1024x64xf32, #tpu.memory_space<vmem>>[vector<16xi32>, vector<16xi32>], vector<16xf32>,
        %add3A_478 = arith.constant 1 : i32
        %add3A_479 = arith.addi %mul3A_437, %add3A_478 : i32
        %get3A_480 = arith.index_cast %add3A_479 : i32 to index
        %get3A_481 = arith.constant 48 : index
        %get3A_482 = tpu.vector_load %arg16[%get3A_480, %get3A_481] {strides = array<i32>} : memref<512x64xf32, #tpu.memory_space<vmem>>, vector<16xf32>,
        tpu.vector_store_idx %arg17[%add3A_28, %add3A_435], %get3A_482 : memref<1024x64xf32, #tpu.memory_space<vmem>>[vector<16xi32>, vector<16xi32>], vector<16xf32>,
        %add3A_483 = arith.constant 1 : i32
        %add3A_484 = arith.addi %mul3A_437, %add3A_483 : i32
        %get3A_485 = arith.index_cast %add3A_484 : i32 to index
        %get3A_486 = arith.constant 0 : index
        %get3A_487 = tpu.vector_load %arg14[%get3A_485, %get3A_486] {strides = array<i32>} : memref<512x16xf32, #tpu.memory_space<vmem>>, vector<16xf32>,
        tpu.vector_store_idx %arg15[%iota3A, %broadcast_in_dim3A_199, %add3A_435], %get3A_487 masked %lt3A_4 : memref<3x16x64xf32, #tpu.memory_space<vmem>>[vector<16xi32>, vector<16xi32>, vector<16xi32>], vector<16xf32>, vector<16xi1>
        %add3A_488 = arith.constant 2 : i32
        %add3A_489 = arith.addi %mul3A_437, %add3A_488 : i32
        %get3A_490 = arith.index_cast %add3A_489 : i32 to index
        %get3A_491 = arith.constant 0 : index
        %get3A_492 = tpu.vector_load %arg16[%get3A_490, %get3A_491] {strides = array<i32>} : memref<512x64xf32, #tpu.memory_space<vmem>>, vector<16xf32>,
        tpu.vector_store_idx %arg17[%add3A_31, %add3A_435], %get3A_492 : memref<1024x64xf32, #tpu.memory_space<vmem>>[vector<16xi32>, vector<16xi32>], vector<16xf32>,
        %add3A_493 = arith.constant 2 : i32
        %add3A_494 = arith.addi %mul3A_437, %add3A_493 : i32
        %get3A_495 = arith.index_cast %add3A_494 : i32 to index
        %get3A_496 = arith.constant 16 : index
        %get3A_497 = tpu.vector_load %arg16[%get3A_495, %get3A_496] {strides = array<i32>} : memref<512x64xf32, #tpu.memory_space<vmem>>, vector<16xf32>,
        tpu.vector_store_idx %arg17[%add3A_34, %add3A_435], %get3A_497 : memref<1024x64xf32, #tpu.memory_space<vmem>>[vector<16xi32>, vector<16xi32>], vector<16xf32>,
        %add3A_498 = arith.constant 2 : i32
        %add3A_499 = arith.addi %mul3A_437, %add3A_498 : i32
        %get3A_500 = arith.index_cast %add3A_499 : i32 to index
        %get3A_501 = arith.constant 32 : index
        %get3A_502 = tpu.vector_load %arg16[%get3A_500, %get3A_501] {strides = array<i32>} : memref<512x64xf32, #tpu.memory_space<vmem>>, vector<16xf32>,
        tpu.vector_store_idx %arg17[%add3A_37, %add3A_435], %get3A_502 : memref<1024x64xf32, #tpu.memory_space<vmem>>[vector<16xi32>, vector<16xi32>], vector<16xf32>,
        %add3A_503 = arith.constant 2 : i32
        %add3A_504 = arith.addi %mul3A_437, %add3A_503 : i32
        %get3A_505 = arith.index_cast %add3A_504 : i32 to index
        %get3A_506 = arith.constant 48 : index
        %get3A_507 = tpu.vector_load %arg16[%get3A_505, %get3A_506] {strides = array<i32>} : memref<512x64xf32, #tpu.memory_space<vmem>>, vector<16xf32>,
        tpu.vector_store_idx %arg17[%add3A_40, %add3A_435], %get3A_507 : memref<1024x64xf32, #tpu.memory_space<vmem>>[vector<16xi32>, vector<16xi32>], vector<16xf32>,
        %add3A_508 = arith.constant 2 : i32
        %add3A_509 = arith.addi %mul3A_437, %add3A_508 : i32
        %get3A_510 = arith.index_cast %add3A_509 : i32 to index
        %get3A_511 = arith.constant 0 : index
        %get3A_512 = tpu.vector_load %arg14[%get3A_510, %get3A_511] {strides = array<i32>} : memref<512x16xf32, #tpu.memory_space<vmem>>, vector<16xf32>,
        tpu.vector_store_idx %arg15[%iota3A, %broadcast_in_dim3A_201, %add3A_435], %get3A_512 masked %lt3A_4 : memref<3x16x64xf32, #tpu.memory_space<vmem>>[vector<16xi32>, vector<16xi32>, vector<16xi32>], vector<16xf32>, vector<16xi1>
        %add3A_513 = arith.constant 3 : i32
        %add3A_514 = arith.addi %mul3A_437, %add3A_513 : i32
        %get3A_515 = arith.index_cast %add3A_514 : i32 to index
        %get3A_516 = arith.constant 0 : index
        %get3A_517 = tpu.vector_load %arg16[%get3A_515, %get3A_516] {strides = array<i32>} : memref<512x64xf32, #tpu.memory_space<vmem>>, vector<16xf32>,
        tpu.vector_store_idx %arg17[%add3A_43, %add3A_435], %get3A_517 : memref<1024x64xf32, #tpu.memory_space<vmem>>[vector<16xi32>, vector<16xi32>], vector<16xf32>,
        %add3A_518 = arith.constant 3 : i32
        %add3A_519 = arith.addi %mul3A_437, %add3A_518 : i32
        %get3A_520 = arith.index_cast %add3A_519 : i32 to index
        %get3A_521 = arith.constant 16 : index
        %get3A_522 = tpu.vector_load %arg16[%get3A_520, %get3A_521] {strides = array<i32>} : memref<512x64xf32, #tpu.memory_space<vmem>>, vector<16xf32>,
        tpu.vector_store_idx %arg17[%add3A_46, %add3A_435], %get3A_522 : memref<1024x64xf32, #tpu.memory_space<vmem>>[vector<16xi32>, vector<16xi32>], vector<16xf32>,
        %add3A_523 = arith.constant 3 : i32
        %add3A_524 = arith.addi %mul3A_437, %add3A_523 : i32
        %get3A_525 = arith.index_cast %add3A_524 : i32 to index
        %get3A_526 = arith.constant 32 : index
        %get3A_527 = tpu.vector_load %arg16[%get3A_525, %get3A_526] {strides = array<i32>} : memref<512x64xf32, #tpu.memory_space<vmem>>, vector<16xf32>,
        tpu.vector_store_idx %arg17[%add3A_49, %add3A_435], %get3A_527 : memref<1024x64xf32, #tpu.memory_space<vmem>>[vector<16xi32>, vector<16xi32>], vector<16xf32>,
        %add3A_528 = arith.constant 3 : i32
        %add3A_529 = arith.addi %mul3A_437, %add3A_528 : i32
        %get3A_530 = arith.index_cast %add3A_529 : i32 to index
        %get3A_531 = arith.constant 48 : index
        %get3A_532 = tpu.vector_load %arg16[%get3A_530, %get3A_531] {strides = array<i32>} : memref<512x64xf32, #tpu.memory_space<vmem>>, vector<16xf32>,
        tpu.vector_store_idx %arg17[%add3A_52, %add3A_435], %get3A_532 : memref<1024x64xf32, #tpu.memory_space<vmem>>[vector<16xi32>, vector<16xi32>], vector<16xf32>,
        %add3A_533 = arith.constant 3 : i32
        %add3A_534 = arith.addi %mul3A_437, %add3A_533 : i32
        %get3A_535 = arith.index_cast %add3A_534 : i32 to index
        %get3A_536 = arith.constant 0 : index
        %get3A_537 = tpu.vector_load %arg14[%get3A_535, %get3A_536] {strides = array<i32>} : memref<512x16xf32, #tpu.memory_space<vmem>>, vector<16xf32>,
        tpu.vector_store_idx %arg15[%iota3A, %broadcast_in_dim3A_203, %add3A_435], %get3A_537 masked %lt3A_4 : memref<3x16x64xf32, #tpu.memory_space<vmem>>[vector<16xi32>, vector<16xi32>, vector<16xi32>], vector<16xf32>, vector<16xi1>
        %add3A_538 = arith.constant 4 : i32
        %add3A_539 = arith.addi %mul3A_437, %add3A_538 : i32
        %get3A_540 = arith.index_cast %add3A_539 : i32 to index
        %get3A_541 = arith.constant 0 : index
        %get3A_542 = tpu.vector_load %arg16[%get3A_540, %get3A_541] {strides = array<i32>} : memref<512x64xf32, #tpu.memory_space<vmem>>, vector<16xf32>,
        tpu.vector_store_idx %arg17[%add3A_55, %add3A_435], %get3A_542 : memref<1024x64xf32, #tpu.memory_space<vmem>>[vector<16xi32>, vector<16xi32>], vector<16xf32>,
        %add3A_543 = arith.constant 4 : i32
        %add3A_544 = arith.addi %mul3A_437, %add3A_543 : i32
        %get3A_545 = arith.index_cast %add3A_544 : i32 to index
        %get3A_546 = arith.constant 16 : index
        %get3A_547 = tpu.vector_load %arg16[%get3A_545, %get3A_546] {strides = array<i32>} : memref<512x64xf32, #tpu.memory_space<vmem>>, vector<16xf32>,
        tpu.vector_store_idx %arg17[%add3A_58, %add3A_435], %get3A_547 : memref<1024x64xf32, #tpu.memory_space<vmem>>[vector<16xi32>, vector<16xi32>], vector<16xf32>,
        %add3A_548 = arith.constant 4 : i32
        %add3A_549 = arith.addi %mul3A_437, %add3A_548 : i32
        %get3A_550 = arith.index_cast %add3A_549 : i32 to index
        %get3A_551 = arith.constant 32 : index
        %get3A_552 = tpu.vector_load %arg16[%get3A_550, %get3A_551] {strides = array<i32>} : memref<512x64xf32, #tpu.memory_space<vmem>>, vector<16xf32>,
        tpu.vector_store_idx %arg17[%add3A_61, %add3A_435], %get3A_552 : memref<1024x64xf32, #tpu.memory_space<vmem>>[vector<16xi32>, vector<16xi32>], vector<16xf32>,
        %add3A_553 = arith.constant 4 : i32
        %add3A_554 = arith.addi %mul3A_437, %add3A_553 : i32
        %get3A_555 = arith.index_cast %add3A_554 : i32 to index
        %get3A_556 = arith.constant 48 : index
        %get3A_557 = tpu.vector_load %arg16[%get3A_555, %get3A_556] {strides = array<i32>} : memref<512x64xf32, #tpu.memory_space<vmem>>, vector<16xf32>,
        tpu.vector_store_idx %arg17[%add3A_64, %add3A_435], %get3A_557 : memref<1024x64xf32, #tpu.memory_space<vmem>>[vector<16xi32>, vector<16xi32>], vector<16xf32>,
        %add3A_558 = arith.constant 4 : i32
        %add3A_559 = arith.addi %mul3A_437, %add3A_558 : i32
        %get3A_560 = arith.index_cast %add3A_559 : i32 to index
        %get3A_561 = arith.constant 0 : index
        %get3A_562 = tpu.vector_load %arg14[%get3A_560, %get3A_561] {strides = array<i32>} : memref<512x16xf32, #tpu.memory_space<vmem>>, vector<16xf32>,
        tpu.vector_store_idx %arg15[%iota3A, %broadcast_in_dim3A_205, %add3A_435], %get3A_562 masked %lt3A_4 : memref<3x16x64xf32, #tpu.memory_space<vmem>>[vector<16xi32>, vector<16xi32>, vector<16xi32>], vector<16xf32>, vector<16xi1>
        %add3A_563 = arith.constant 5 : i32
        %add3A_564 = arith.addi %mul3A_437, %add3A_563 : i32
        %get3A_565 = arith.index_cast %add3A_564 : i32 to index
        %get3A_566 = arith.constant 0 : index
        %get3A_567 = tpu.vector_load %arg16[%get3A_565, %get3A_566] {strides = array<i32>} : memref<512x64xf32, #tpu.memory_space<vmem>>, vector<16xf32>,
        tpu.vector_store_idx %arg17[%add3A_67, %add3A_435], %get3A_567 : memref<1024x64xf32, #tpu.memory_space<vmem>>[vector<16xi32>, vector<16xi32>], vector<16xf32>,
        %add3A_568 = arith.constant 5 : i32
        %add3A_569 = arith.addi %mul3A_437, %add3A_568 : i32
        %get3A_570 = arith.index_cast %add3A_569 : i32 to index
        %get3A_571 = arith.constant 16 : index
        %get3A_572 = tpu.vector_load %arg16[%get3A_570, %get3A_571] {strides = array<i32>} : memref<512x64xf32, #tpu.memory_space<vmem>>, vector<16xf32>,
        tpu.vector_store_idx %arg17[%add3A_70, %add3A_435], %get3A_572 : memref<1024x64xf32, #tpu.memory_space<vmem>>[vector<16xi32>, vector<16xi32>], vector<16xf32>,
        %add3A_573 = arith.constant 5 : i32
        %add3A_574 = arith.addi %mul3A_437, %add3A_573 : i32
        %get3A_575 = arith.index_cast %add3A_574 : i32 to index
        %get3A_576 = arith.constant 32 : index
        %get3A_577 = tpu.vector_load %arg16[%get3A_575, %get3A_576] {strides = array<i32>} : memref<512x64xf32, #tpu.memory_space<vmem>>, vector<16xf32>,
        tpu.vector_store_idx %arg17[%add3A_73, %add3A_435], %get3A_577 : memref<1024x64xf32, #tpu.memory_space<vmem>>[vector<16xi32>, vector<16xi32>], vector<16xf32>,
        %add3A_578 = arith.constant 5 : i32
        %add3A_579 = arith.addi %mul3A_437, %add3A_578 : i32
        %get3A_580 = arith.index_cast %add3A_579 : i32 to index
        %get3A_581 = arith.constant 48 : index
        %get3A_582 = tpu.vector_load %arg16[%get3A_580, %get3A_581] {strides = array<i32>} : memref<512x64xf32, #tpu.memory_space<vmem>>, vector<16xf32>,
        tpu.vector_store_idx %arg17[%add3A_76, %add3A_435], %get3A_582 : memref<1024x64xf32, #tpu.memory_space<vmem>>[vector<16xi32>, vector<16xi32>], vector<16xf32>,
        %add3A_583 = arith.constant 5 : i32
        %add3A_584 = arith.addi %mul3A_437, %add3A_583 : i32
        %get3A_585 = arith.index_cast %add3A_584 : i32 to index
        %get3A_586 = arith.constant 0 : index
        %get3A_587 = tpu.vector_load %arg14[%get3A_585, %get3A_586] {strides = array<i32>} : memref<512x16xf32, #tpu.memory_space<vmem>>, vector<16xf32>,
        tpu.vector_store_idx %arg15[%iota3A, %broadcast_in_dim3A_207, %add3A_435], %get3A_587 masked %lt3A_4 : memref<3x16x64xf32, #tpu.memory_space<vmem>>[vector<16xi32>, vector<16xi32>, vector<16xi32>], vector<16xf32>, vector<16xi1>
        %add3A_588 = arith.constant 6 : i32
        %add3A_589 = arith.addi %mul3A_437, %add3A_588 : i32
        %get3A_590 = arith.index_cast %add3A_589 : i32 to index
        %get3A_591 = arith.constant 0 : index
        %get3A_592 = tpu.vector_load %arg16[%get3A_590, %get3A_591] {strides = array<i32>} : memref<512x64xf32, #tpu.memory_space<vmem>>, vector<16xf32>,
        tpu.vector_store_idx %arg17[%add3A_79, %add3A_435], %get3A_592 : memref<1024x64xf32, #tpu.memory_space<vmem>>[vector<16xi32>, vector<16xi32>], vector<16xf32>,
        %add3A_593 = arith.constant 6 : i32
        %add3A_594 = arith.addi %mul3A_437, %add3A_593 : i32
        %get3A_595 = arith.index_cast %add3A_594 : i32 to index
        %get3A_596 = arith.constant 16 : index
        %get3A_597 = tpu.vector_load %arg16[%get3A_595, %get3A_596] {strides = array<i32>} : memref<512x64xf32, #tpu.memory_space<vmem>>, vector<16xf32>,
        tpu.vector_store_idx %arg17[%add3A_82, %add3A_435], %get3A_597 : memref<1024x64xf32, #tpu.memory_space<vmem>>[vector<16xi32>, vector<16xi32>], vector<16xf32>,
        %add3A_598 = arith.constant 6 : i32
        %add3A_599 = arith.addi %mul3A_437, %add3A_598 : i32
        %get3A_600 = arith.index_cast %add3A_599 : i32 to index
        %get3A_601 = arith.constant 32 : index
        %get3A_602 = tpu.vector_load %arg16[%get3A_600, %get3A_601] {strides = array<i32>} : memref<512x64xf32, #tpu.memory_space<vmem>>, vector<16xf32>,
        tpu.vector_store_idx %arg17[%add3A_85, %add3A_435], %get3A_602 : memref<1024x64xf32, #tpu.memory_space<vmem>>[vector<16xi32>, vector<16xi32>], vector<16xf32>,
        %add3A_603 = arith.constant 6 : i32
        %add3A_604 = arith.addi %mul3A_437, %add3A_603 : i32
        %get3A_605 = arith.index_cast %add3A_604 : i32 to index
        %get3A_606 = arith.constant 48 : index
        %get3A_607 = tpu.vector_load %arg16[%get3A_605, %get3A_606] {strides = array<i32>} : memref<512x64xf32, #tpu.memory_space<vmem>>, vector<16xf32>,
        tpu.vector_store_idx %arg17[%add3A_88, %add3A_435], %get3A_607 : memref<1024x64xf32, #tpu.memory_space<vmem>>[vector<16xi32>, vector<16xi32>], vector<16xf32>,
        %add3A_608 = arith.constant 6 : i32
        %add3A_609 = arith.addi %mul3A_437, %add3A_608 : i32
        %get3A_610 = arith.index_cast %add3A_609 : i32 to index
        %get3A_611 = arith.constant 0 : index
        %get3A_612 = tpu.vector_load %arg14[%get3A_610, %get3A_611] {strides = array<i32>} : memref<512x16xf32, #tpu.memory_space<vmem>>, vector<16xf32>,
        tpu.vector_store_idx %arg15[%iota3A, %broadcast_in_dim3A_209, %add3A_435], %get3A_612 masked %lt3A_4 : memref<3x16x64xf32, #tpu.memory_space<vmem>>[vector<16xi32>, vector<16xi32>, vector<16xi32>], vector<16xf32>, vector<16xi1>
        %add3A_613 = arith.constant 7 : i32
        %add3A_614 = arith.addi %mul3A_437, %add3A_613 : i32
        %get3A_615 = arith.index_cast %add3A_614 : i32 to index
        %get3A_616 = arith.constant 0 : index
        %get3A_617 = tpu.vector_load %arg16[%get3A_615, %get3A_616] {strides = array<i32>} : memref<512x64xf32, #tpu.memory_space<vmem>>, vector<16xf32>,
        tpu.vector_store_idx %arg17[%add3A_91, %add3A_435], %get3A_617 : memref<1024x64xf32, #tpu.memory_space<vmem>>[vector<16xi32>, vector<16xi32>], vector<16xf32>,
        %add3A_618 = arith.constant 7 : i32
        %add3A_619 = arith.addi %mul3A_437, %add3A_618 : i32
        %get3A_620 = arith.index_cast %add3A_619 : i32 to index
        %get3A_621 = arith.constant 16 : index
        %get3A_622 = tpu.vector_load %arg16[%get3A_620, %get3A_621] {strides = array<i32>} : memref<512x64xf32, #tpu.memory_space<vmem>>, vector<16xf32>,
        tpu.vector_store_idx %arg17[%add3A_94, %add3A_435], %get3A_622 : memref<1024x64xf32, #tpu.memory_space<vmem>>[vector<16xi32>, vector<16xi32>], vector<16xf32>,
        %add3A_623 = arith.constant 7 : i32
        %add3A_624 = arith.addi %mul3A_437, %add3A_623 : i32
        %get3A_625 = arith.index_cast %add3A_624 : i32 to index
        %get3A_626 = arith.constant 32 : index
        %get3A_627 = tpu.vector_load %arg16[%get3A_625, %get3A_626] {strides = array<i32>} : memref<512x64xf32, #tpu.memory_space<vmem>>, vector<16xf32>,
        tpu.vector_store_idx %arg17[%add3A_97, %add3A_435], %get3A_627 : memref<1024x64xf32, #tpu.memory_space<vmem>>[vector<16xi32>, vector<16xi32>], vector<16xf32>,
        %add3A_628 = arith.constant 7 : i32
        %add3A_629 = arith.addi %mul3A_437, %add3A_628 : i32
        %get3A_630 = arith.index_cast %add3A_629 : i32 to index
        %get3A_631 = arith.constant 48 : index
        %get3A_632 = tpu.vector_load %arg16[%get3A_630, %get3A_631] {strides = array<i32>} : memref<512x64xf32, #tpu.memory_space<vmem>>, vector<16xf32>,
        tpu.vector_store_idx %arg17[%add3A_100, %add3A_435], %get3A_632 : memref<1024x64xf32, #tpu.memory_space<vmem>>[vector<16xi32>, vector<16xi32>], vector<16xf32>,
        %add3A_633 = arith.constant 7 : i32
        %add3A_634 = arith.addi %mul3A_437, %add3A_633 : i32
        %get3A_635 = arith.index_cast %add3A_634 : i32 to index
        %get3A_636 = arith.constant 0 : index
        %get3A_637 = tpu.vector_load %arg14[%get3A_635, %get3A_636] {strides = array<i32>} : memref<512x16xf32, #tpu.memory_space<vmem>>, vector<16xf32>,
        tpu.vector_store_idx %arg15[%iota3A, %broadcast_in_dim3A_211, %add3A_435], %get3A_637 masked %lt3A_4 : memref<3x16x64xf32, #tpu.memory_space<vmem>>[vector<16xi32>, vector<16xi32>, vector<16xi32>], vector<16xf32>, vector<16xi1>
        %add3A_638 = arith.constant 8 : i32
        %add3A_639 = arith.addi %mul3A_437, %add3A_638 : i32
        %get3A_640 = arith.index_cast %add3A_639 : i32 to index
        %get3A_641 = arith.constant 0 : index
        %get3A_642 = tpu.vector_load %arg16[%get3A_640, %get3A_641] {strides = array<i32>} : memref<512x64xf32, #tpu.memory_space<vmem>>, vector<16xf32>,
        tpu.vector_store_idx %arg17[%add3A_103, %add3A_435], %get3A_642 : memref<1024x64xf32, #tpu.memory_space<vmem>>[vector<16xi32>, vector<16xi32>], vector<16xf32>,
        %add3A_643 = arith.constant 8 : i32
        %add3A_644 = arith.addi %mul3A_437, %add3A_643 : i32
        %get3A_645 = arith.index_cast %add3A_644 : i32 to index
        %get3A_646 = arith.constant 16 : index
        %get3A_647 = tpu.vector_load %arg16[%get3A_645, %get3A_646] {strides = array<i32>} : memref<512x64xf32, #tpu.memory_space<vmem>>, vector<16xf32>,
        tpu.vector_store_idx %arg17[%add3A_106, %add3A_435], %get3A_647 : memref<1024x64xf32, #tpu.memory_space<vmem>>[vector<16xi32>, vector<16xi32>], vector<16xf32>,
        %add3A_648 = arith.constant 8 : i32
        %add3A_649 = arith.addi %mul3A_437, %add3A_648 : i32
        %get3A_650 = arith.index_cast %add3A_649 : i32 to index
        %get3A_651 = arith.constant 32 : index
        %get3A_652 = tpu.vector_load %arg16[%get3A_650, %get3A_651] {strides = array<i32>} : memref<512x64xf32, #tpu.memory_space<vmem>>, vector<16xf32>,
        tpu.vector_store_idx %arg17[%add3A_109, %add3A_435], %get3A_652 : memref<1024x64xf32, #tpu.memory_space<vmem>>[vector<16xi32>, vector<16xi32>], vector<16xf32>,
        %add3A_653 = arith.constant 8 : i32
        %add3A_654 = arith.addi %mul3A_437, %add3A_653 : i32
        %get3A_655 = arith.index_cast %add3A_654 : i32 to index
        %get3A_656 = arith.constant 48 : index
        %get3A_657 = tpu.vector_load %arg16[%get3A_655, %get3A_656] {strides = array<i32>} : memref<512x64xf32, #tpu.memory_space<vmem>>, vector<16xf32>,
        tpu.vector_store_idx %arg17[%add3A_112, %add3A_435], %get3A_657 : memref<1024x64xf32, #tpu.memory_space<vmem>>[vector<16xi32>, vector<16xi32>], vector<16xf32>,
        %add3A_658 = arith.constant 8 : i32
        %add3A_659 = arith.addi %mul3A_437, %add3A_658 : i32
        %get3A_660 = arith.index_cast %add3A_659 : i32 to index
        %get3A_661 = arith.constant 0 : index
        %get3A_662 = tpu.vector_load %arg14[%get3A_660, %get3A_661] {strides = array<i32>} : memref<512x16xf32, #tpu.memory_space<vmem>>, vector<16xf32>,
        tpu.vector_store_idx %arg15[%iota3A, %broadcast_in_dim3A_213, %add3A_435], %get3A_662 masked %lt3A_4 : memref<3x16x64xf32, #tpu.memory_space<vmem>>[vector<16xi32>, vector<16xi32>, vector<16xi32>], vector<16xf32>, vector<16xi1>
        %add3A_663 = arith.constant 9 : i32
        %add3A_664 = arith.addi %mul3A_437, %add3A_663 : i32
        %get3A_665 = arith.index_cast %add3A_664 : i32 to index
        %get3A_666 = arith.constant 0 : index
        %get3A_667 = tpu.vector_load %arg16[%get3A_665, %get3A_666] {strides = array<i32>} : memref<512x64xf32, #tpu.memory_space<vmem>>, vector<16xf32>,
        tpu.vector_store_idx %arg17[%add3A_115, %add3A_435], %get3A_667 : memref<1024x64xf32, #tpu.memory_space<vmem>>[vector<16xi32>, vector<16xi32>], vector<16xf32>,
        %add3A_668 = arith.constant 9 : i32
        %add3A_669 = arith.addi %mul3A_437, %add3A_668 : i32
        %get3A_670 = arith.index_cast %add3A_669 : i32 to index
        %get3A_671 = arith.constant 16 : index
        %get3A_672 = tpu.vector_load %arg16[%get3A_670, %get3A_671] {strides = array<i32>} : memref<512x64xf32, #tpu.memory_space<vmem>>, vector<16xf32>,
        tpu.vector_store_idx %arg17[%add3A_118, %add3A_435], %get3A_672 : memref<1024x64xf32, #tpu.memory_space<vmem>>[vector<16xi32>, vector<16xi32>], vector<16xf32>,
        %add3A_673 = arith.constant 9 : i32
        %add3A_674 = arith.addi %mul3A_437, %add3A_673 : i32
        %get3A_675 = arith.index_cast %add3A_674 : i32 to index
        %get3A_676 = arith.constant 32 : index
        %get3A_677 = tpu.vector_load %arg16[%get3A_675, %get3A_676] {strides = array<i32>} : memref<512x64xf32, #tpu.memory_space<vmem>>, vector<16xf32>,
        tpu.vector_store_idx %arg17[%add3A_121, %add3A_435], %get3A_677 : memref<1024x64xf32, #tpu.memory_space<vmem>>[vector<16xi32>, vector<16xi32>], vector<16xf32>,
        %add3A_678 = arith.constant 9 : i32
        %add3A_679 = arith.addi %mul3A_437, %add3A_678 : i32
        %get3A_680 = arith.index_cast %add3A_679 : i32 to index
        %get3A_681 = arith.constant 48 : index
        %get3A_682 = tpu.vector_load %arg16[%get3A_680, %get3A_681] {strides = array<i32>} : memref<512x64xf32, #tpu.memory_space<vmem>>, vector<16xf32>,
        tpu.vector_store_idx %arg17[%add3A_124, %add3A_435], %get3A_682 : memref<1024x64xf32, #tpu.memory_space<vmem>>[vector<16xi32>, vector<16xi32>], vector<16xf32>,
        %add3A_683 = arith.constant 9 : i32
        %add3A_684 = arith.addi %mul3A_437, %add3A_683 : i32
        %get3A_685 = arith.index_cast %add3A_684 : i32 to index
        %get3A_686 = arith.constant 0 : index
        %get3A_687 = tpu.vector_load %arg14[%get3A_685, %get3A_686] {strides = array<i32>} : memref<512x16xf32, #tpu.memory_space<vmem>>, vector<16xf32>,
        tpu.vector_store_idx %arg15[%iota3A, %broadcast_in_dim3A_215, %add3A_435], %get3A_687 masked %lt3A_4 : memref<3x16x64xf32, #tpu.memory_space<vmem>>[vector<16xi32>, vector<16xi32>, vector<16xi32>], vector<16xf32>, vector<16xi1>
        %add3A_688 = arith.constant 10 : i32
        %add3A_689 = arith.addi %mul3A_437, %add3A_688 : i32
        %get3A_690 = arith.index_cast %add3A_689 : i32 to index
        %get3A_691 = arith.constant 0 : index
        %get3A_692 = tpu.vector_load %arg16[%get3A_690, %get3A_691] {strides = array<i32>} : memref<512x64xf32, #tpu.memory_space<vmem>>, vector<16xf32>,
        tpu.vector_store_idx %arg17[%add3A_127, %add3A_435], %get3A_692 : memref<1024x64xf32, #tpu.memory_space<vmem>>[vector<16xi32>, vector<16xi32>], vector<16xf32>,
        %add3A_693 = arith.constant 10 : i32
        %add3A_694 = arith.addi %mul3A_437, %add3A_693 : i32
        %get3A_695 = arith.index_cast %add3A_694 : i32 to index
        %get3A_696 = arith.constant 16 : index
        %get3A_697 = tpu.vector_load %arg16[%get3A_695, %get3A_696] {strides = array<i32>} : memref<512x64xf32, #tpu.memory_space<vmem>>, vector<16xf32>,
        tpu.vector_store_idx %arg17[%add3A_130, %add3A_435], %get3A_697 : memref<1024x64xf32, #tpu.memory_space<vmem>>[vector<16xi32>, vector<16xi32>], vector<16xf32>,
        %add3A_698 = arith.constant 10 : i32
        %add3A_699 = arith.addi %mul3A_437, %add3A_698 : i32
        %get3A_700 = arith.index_cast %add3A_699 : i32 to index
        %get3A_701 = arith.constant 32 : index
        %get3A_702 = tpu.vector_load %arg16[%get3A_700, %get3A_701] {strides = array<i32>} : memref<512x64xf32, #tpu.memory_space<vmem>>, vector<16xf32>,
        tpu.vector_store_idx %arg17[%add3A_133, %add3A_435], %get3A_702 : memref<1024x64xf32, #tpu.memory_space<vmem>>[vector<16xi32>, vector<16xi32>], vector<16xf32>,
        %add3A_703 = arith.constant 10 : i32
        %add3A_704 = arith.addi %mul3A_437, %add3A_703 : i32
        %get3A_705 = arith.index_cast %add3A_704 : i32 to index
        %get3A_706 = arith.constant 48 : index
        %get3A_707 = tpu.vector_load %arg16[%get3A_705, %get3A_706] {strides = array<i32>} : memref<512x64xf32, #tpu.memory_space<vmem>>, vector<16xf32>,
        tpu.vector_store_idx %arg17[%add3A_136, %add3A_435], %get3A_707 : memref<1024x64xf32, #tpu.memory_space<vmem>>[vector<16xi32>, vector<16xi32>], vector<16xf32>,
        %add3A_708 = arith.constant 10 : i32
        %add3A_709 = arith.addi %mul3A_437, %add3A_708 : i32
        %get3A_710 = arith.index_cast %add3A_709 : i32 to index
        %get3A_711 = arith.constant 0 : index
        %get3A_712 = tpu.vector_load %arg14[%get3A_710, %get3A_711] {strides = array<i32>} : memref<512x16xf32, #tpu.memory_space<vmem>>, vector<16xf32>,
        tpu.vector_store_idx %arg15[%iota3A, %broadcast_in_dim3A_217, %add3A_435], %get3A_712 masked %lt3A_4 : memref<3x16x64xf32, #tpu.memory_space<vmem>>[vector<16xi32>, vector<16xi32>, vector<16xi32>], vector<16xf32>, vector<16xi1>
        %add3A_713 = arith.constant 11 : i32
        %add3A_714 = arith.addi %mul3A_437, %add3A_713 : i32
        %get3A_715 = arith.index_cast %add3A_714 : i32 to index
        %get3A_716 = arith.constant 0 : index
        %get3A_717 = tpu.vector_load %arg16[%get3A_715, %get3A_716] {strides = array<i32>} : memref<512x64xf32, #tpu.memory_space<vmem>>, vector<16xf32>,
        tpu.vector_store_idx %arg17[%add3A_139, %add3A_435], %get3A_717 : memref<1024x64xf32, #tpu.memory_space<vmem>>[vector<16xi32>, vector<16xi32>], vector<16xf32>,
        %add3A_718 = arith.constant 11 : i32
        %add3A_719 = arith.addi %mul3A_437, %add3A_718 : i32
        %get3A_720 = arith.index_cast %add3A_719 : i32 to index
        %get3A_721 = arith.constant 16 : index
        %get3A_722 = tpu.vector_load %arg16[%get3A_720, %get3A_721] {strides = array<i32>} : memref<512x64xf32, #tpu.memory_space<vmem>>, vector<16xf32>,
        tpu.vector_store_idx %arg17[%add3A_142, %add3A_435], %get3A_722 : memref<1024x64xf32, #tpu.memory_space<vmem>>[vector<16xi32>, vector<16xi32>], vector<16xf32>,
        %add3A_723 = arith.constant 11 : i32
        %add3A_724 = arith.addi %mul3A_437, %add3A_723 : i32
        %get3A_725 = arith.index_cast %add3A_724 : i32 to index
        %get3A_726 = arith.constant 32 : index
        %get3A_727 = tpu.vector_load %arg16[%get3A_725, %get3A_726] {strides = array<i32>} : memref<512x64xf32, #tpu.memory_space<vmem>>, vector<16xf32>,
        tpu.vector_store_idx %arg17[%add3A_145, %add3A_435], %get3A_727 : memref<1024x64xf32, #tpu.memory_space<vmem>>[vector<16xi32>, vector<16xi32>], vector<16xf32>,
        %add3A_728 = arith.constant 11 : i32
        %add3A_729 = arith.addi %mul3A_437, %add3A_728 : i32
        %get3A_730 = arith.index_cast %add3A_729 : i32 to index
        %get3A_731 = arith.constant 48 : index
        %get3A_732 = tpu.vector_load %arg16[%get3A_730, %get3A_731] {strides = array<i32>} : memref<512x64xf32, #tpu.memory_space<vmem>>, vector<16xf32>,
        tpu.vector_store_idx %arg17[%add3A_148, %add3A_435], %get3A_732 : memref<1024x64xf32, #tpu.memory_space<vmem>>[vector<16xi32>, vector<16xi32>], vector<16xf32>,
        %add3A_733 = arith.constant 11 : i32
        %add3A_734 = arith.addi %mul3A_437, %add3A_733 : i32
        %get3A_735 = arith.index_cast %add3A_734 : i32 to index
        %get3A_736 = arith.constant 0 : index
        %get3A_737 = tpu.vector_load %arg14[%get3A_735, %get3A_736] {strides = array<i32>} : memref<512x16xf32, #tpu.memory_space<vmem>>, vector<16xf32>,
        tpu.vector_store_idx %arg15[%iota3A, %broadcast_in_dim3A_219, %add3A_435], %get3A_737 masked %lt3A_4 : memref<3x16x64xf32, #tpu.memory_space<vmem>>[vector<16xi32>, vector<16xi32>, vector<16xi32>], vector<16xf32>, vector<16xi1>
        %add3A_738 = arith.constant 12 : i32
        %add3A_739 = arith.addi %mul3A_437, %add3A_738 : i32
        %get3A_740 = arith.index_cast %add3A_739 : i32 to index
        %get3A_741 = arith.constant 0 : index
        %get3A_742 = tpu.vector_load %arg16[%get3A_740, %get3A_741] {strides = array<i32>} : memref<512x64xf32, #tpu.memory_space<vmem>>, vector<16xf32>,
        tpu.vector_store_idx %arg17[%add3A_151, %add3A_435], %get3A_742 : memref<1024x64xf32, #tpu.memory_space<vmem>>[vector<16xi32>, vector<16xi32>], vector<16xf32>,
        %add3A_743 = arith.constant 12 : i32
        %add3A_744 = arith.addi %mul3A_437, %add3A_743 : i32
        %get3A_745 = arith.index_cast %add3A_744 : i32 to index
        %get3A_746 = arith.constant 16 : index
        %get3A_747 = tpu.vector_load %arg16[%get3A_745, %get3A_746] {strides = array<i32>} : memref<512x64xf32, #tpu.memory_space<vmem>>, vector<16xf32>,
        tpu.vector_store_idx %arg17[%add3A_154, %add3A_435], %get3A_747 : memref<1024x64xf32, #tpu.memory_space<vmem>>[vector<16xi32>, vector<16xi32>], vector<16xf32>,
        %add3A_748 = arith.constant 12 : i32
        %add3A_749 = arith.addi %mul3A_437, %add3A_748 : i32
        %get3A_750 = arith.index_cast %add3A_749 : i32 to index
        %get3A_751 = arith.constant 32 : index
        %get3A_752 = tpu.vector_load %arg16[%get3A_750, %get3A_751] {strides = array<i32>} : memref<512x64xf32, #tpu.memory_space<vmem>>, vector<16xf32>,
        tpu.vector_store_idx %arg17[%add3A_157, %add3A_435], %get3A_752 : memref<1024x64xf32, #tpu.memory_space<vmem>>[vector<16xi32>, vector<16xi32>], vector<16xf32>,
        %add3A_753 = arith.constant 12 : i32
        %add3A_754 = arith.addi %mul3A_437, %add3A_753 : i32
        %get3A_755 = arith.index_cast %add3A_754 : i32 to index
        %get3A_756 = arith.constant 48 : index
        %get3A_757 = tpu.vector_load %arg16[%get3A_755, %get3A_756] {strides = array<i32>} : memref<512x64xf32, #tpu.memory_space<vmem>>, vector<16xf32>,
        tpu.vector_store_idx %arg17[%add3A_160, %add3A_435], %get3A_757 : memref<1024x64xf32, #tpu.memory_space<vmem>>[vector<16xi32>, vector<16xi32>], vector<16xf32>,
        %add3A_758 = arith.constant 12 : i32
        %add3A_759 = arith.addi %mul3A_437, %add3A_758 : i32
        %get3A_760 = arith.index_cast %add3A_759 : i32 to index
        %get3A_761 = arith.constant 0 : index
        %get3A_762 = tpu.vector_load %arg14[%get3A_760, %get3A_761] {strides = array<i32>} : memref<512x16xf32, #tpu.memory_space<vmem>>, vector<16xf32>,
        tpu.vector_store_idx %arg15[%iota3A, %broadcast_in_dim3A_221, %add3A_435], %get3A_762 masked %lt3A_4 : memref<3x16x64xf32, #tpu.memory_space<vmem>>[vector<16xi32>, vector<16xi32>, vector<16xi32>], vector<16xf32>, vector<16xi1>
        %add3A_763 = arith.constant 13 : i32
        %add3A_764 = arith.addi %mul3A_437, %add3A_763 : i32
        %get3A_765 = arith.index_cast %add3A_764 : i32 to index
        %get3A_766 = arith.constant 0 : index
        %get3A_767 = tpu.vector_load %arg16[%get3A_765, %get3A_766] {strides = array<i32>} : memref<512x64xf32, #tpu.memory_space<vmem>>, vector<16xf32>,
        tpu.vector_store_idx %arg17[%add3A_163, %add3A_435], %get3A_767 : memref<1024x64xf32, #tpu.memory_space<vmem>>[vector<16xi32>, vector<16xi32>], vector<16xf32>,
        %add3A_768 = arith.constant 13 : i32
        %add3A_769 = arith.addi %mul3A_437, %add3A_768 : i32
        %get3A_770 = arith.index_cast %add3A_769 : i32 to index
        %get3A_771 = arith.constant 16 : index
        %get3A_772 = tpu.vector_load %arg16[%get3A_770, %get3A_771] {strides = array<i32>} : memref<512x64xf32, #tpu.memory_space<vmem>>, vector<16xf32>,
        tpu.vector_store_idx %arg17[%add3A_166, %add3A_435], %get3A_772 : memref<1024x64xf32, #tpu.memory_space<vmem>>[vector<16xi32>, vector<16xi32>], vector<16xf32>,
        %add3A_773 = arith.constant 13 : i32
        %add3A_774 = arith.addi %mul3A_437, %add3A_773 : i32
        %get3A_775 = arith.index_cast %add3A_774 : i32 to index
        %get3A_776 = arith.constant 32 : index
        %get3A_777 = tpu.vector_load %arg16[%get3A_775, %get3A_776] {strides = array<i32>} : memref<512x64xf32, #tpu.memory_space<vmem>>, vector<16xf32>,
        tpu.vector_store_idx %arg17[%add3A_169, %add3A_435], %get3A_777 : memref<1024x64xf32, #tpu.memory_space<vmem>>[vector<16xi32>, vector<16xi32>], vector<16xf32>,
        %add3A_778 = arith.constant 13 : i32
        %add3A_779 = arith.addi %mul3A_437, %add3A_778 : i32
        %get3A_780 = arith.index_cast %add3A_779 : i32 to index
        %get3A_781 = arith.constant 48 : index
        %get3A_782 = tpu.vector_load %arg16[%get3A_780, %get3A_781] {strides = array<i32>} : memref<512x64xf32, #tpu.memory_space<vmem>>, vector<16xf32>,
        tpu.vector_store_idx %arg17[%add3A_172, %add3A_435], %get3A_782 : memref<1024x64xf32, #tpu.memory_space<vmem>>[vector<16xi32>, vector<16xi32>], vector<16xf32>,
        %add3A_783 = arith.constant 13 : i32
        %add3A_784 = arith.addi %mul3A_437, %add3A_783 : i32
        %get3A_785 = arith.index_cast %add3A_784 : i32 to index
        %get3A_786 = arith.constant 0 : index
        %get3A_787 = tpu.vector_load %arg14[%get3A_785, %get3A_786] {strides = array<i32>} : memref<512x16xf32, #tpu.memory_space<vmem>>, vector<16xf32>,
        tpu.vector_store_idx %arg15[%iota3A, %broadcast_in_dim3A_223, %add3A_435], %get3A_787 masked %lt3A_4 : memref<3x16x64xf32, #tpu.memory_space<vmem>>[vector<16xi32>, vector<16xi32>, vector<16xi32>], vector<16xf32>, vector<16xi1>
        %add3A_788 = arith.constant 14 : i32
        %add3A_789 = arith.addi %mul3A_437, %add3A_788 : i32
        %get3A_790 = arith.index_cast %add3A_789 : i32 to index
        %get3A_791 = arith.constant 0 : index
        %get3A_792 = tpu.vector_load %arg16[%get3A_790, %get3A_791] {strides = array<i32>} : memref<512x64xf32, #tpu.memory_space<vmem>>, vector<16xf32>,
        tpu.vector_store_idx %arg17[%add3A_175, %add3A_435], %get3A_792 : memref<1024x64xf32, #tpu.memory_space<vmem>>[vector<16xi32>, vector<16xi32>], vector<16xf32>,
        %add3A_793 = arith.constant 14 : i32
        %add3A_794 = arith.addi %mul3A_437, %add3A_793 : i32
        %get3A_795 = arith.index_cast %add3A_794 : i32 to index
        %get3A_796 = arith.constant 16 : index
        %get3A_797 = tpu.vector_load %arg16[%get3A_795, %get3A_796] {strides = array<i32>} : memref<512x64xf32, #tpu.memory_space<vmem>>, vector<16xf32>,
        tpu.vector_store_idx %arg17[%add3A_178, %add3A_435], %get3A_797 : memref<1024x64xf32, #tpu.memory_space<vmem>>[vector<16xi32>, vector<16xi32>], vector<16xf32>,
        %add3A_798 = arith.constant 14 : i32
        %add3A_799 = arith.addi %mul3A_437, %add3A_798 : i32
        %get3A_800 = arith.index_cast %add3A_799 : i32 to index
        %get3A_801 = arith.constant 32 : index
        %get3A_802 = tpu.vector_load %arg16[%get3A_800, %get3A_801] {strides = array<i32>} : memref<512x64xf32, #tpu.memory_space<vmem>>, vector<16xf32>,
        tpu.vector_store_idx %arg17[%add3A_181, %add3A_435], %get3A_802 : memref<1024x64xf32, #tpu.memory_space<vmem>>[vector<16xi32>, vector<16xi32>], vector<16xf32>,
        %add3A_803 = arith.constant 14 : i32
        %add3A_804 = arith.addi %mul3A_437, %add3A_803 : i32
        %get3A_805 = arith.index_cast %add3A_804 : i32 to index
        %get3A_806 = arith.constant 48 : index
        %get3A_807 = tpu.vector_load %arg16[%get3A_805, %get3A_806] {strides = array<i32>} : memref<512x64xf32, #tpu.memory_space<vmem>>, vector<16xf32>,
        tpu.vector_store_idx %arg17[%add3A_184, %add3A_435], %get3A_807 : memref<1024x64xf32, #tpu.memory_space<vmem>>[vector<16xi32>, vector<16xi32>], vector<16xf32>,
        %add3A_808 = arith.constant 14 : i32
        %add3A_809 = arith.addi %mul3A_437, %add3A_808 : i32
        %get3A_810 = arith.index_cast %add3A_809 : i32 to index
        %get3A_811 = arith.constant 0 : index
        %get3A_812 = tpu.vector_load %arg14[%get3A_810, %get3A_811] {strides = array<i32>} : memref<512x16xf32, #tpu.memory_space<vmem>>, vector<16xf32>,
        tpu.vector_store_idx %arg15[%iota3A, %broadcast_in_dim3A_225, %add3A_435], %get3A_812 masked %lt3A_4 : memref<3x16x64xf32, #tpu.memory_space<vmem>>[vector<16xi32>, vector<16xi32>, vector<16xi32>], vector<16xf32>, vector<16xi1>
        %add3A_813 = arith.constant 15 : i32
        %add3A_814 = arith.addi %mul3A_437, %add3A_813 : i32
        %get3A_815 = arith.index_cast %add3A_814 : i32 to index
        %get3A_816 = arith.constant 0 : index
        %get3A_817 = tpu.vector_load %arg16[%get3A_815, %get3A_816] {strides = array<i32>} : memref<512x64xf32, #tpu.memory_space<vmem>>, vector<16xf32>,
        tpu.vector_store_idx %arg17[%add3A_187, %add3A_435], %get3A_817 : memref<1024x64xf32, #tpu.memory_space<vmem>>[vector<16xi32>, vector<16xi32>], vector<16xf32>,
        %add3A_818 = arith.constant 15 : i32
        %add3A_819 = arith.addi %mul3A_437, %add3A_818 : i32
        %get3A_820 = arith.index_cast %add3A_819 : i32 to index
        %get3A_821 = arith.constant 16 : index
        %get3A_822 = tpu.vector_load %arg16[%get3A_820, %get3A_821] {strides = array<i32>} : memref<512x64xf32, #tpu.memory_space<vmem>>, vector<16xf32>,
        tpu.vector_store_idx %arg17[%add3A_190, %add3A_435], %get3A_822 : memref<1024x64xf32, #tpu.memory_space<vmem>>[vector<16xi32>, vector<16xi32>], vector<16xf32>,
        %add3A_823 = arith.constant 15 : i32
        %add3A_824 = arith.addi %mul3A_437, %add3A_823 : i32
        %get3A_825 = arith.index_cast %add3A_824 : i32 to index
        %get3A_826 = arith.constant 32 : index
        %get3A_827 = tpu.vector_load %arg16[%get3A_825, %get3A_826] {strides = array<i32>} : memref<512x64xf32, #tpu.memory_space<vmem>>, vector<16xf32>,
        tpu.vector_store_idx %arg17[%add3A_193, %add3A_435], %get3A_827 : memref<1024x64xf32, #tpu.memory_space<vmem>>[vector<16xi32>, vector<16xi32>], vector<16xf32>,
        %add3A_828 = arith.constant 15 : i32
        %add3A_829 = arith.addi %mul3A_437, %add3A_828 : i32
        %get3A_830 = arith.index_cast %add3A_829 : i32 to index
        %get3A_831 = arith.constant 48 : index
        %get3A_832 = tpu.vector_load %arg16[%get3A_830, %get3A_831] {strides = array<i32>} : memref<512x64xf32, #tpu.memory_space<vmem>>, vector<16xf32>,
        tpu.vector_store_idx %arg17[%add3A_196, %add3A_435], %get3A_832 : memref<1024x64xf32, #tpu.memory_space<vmem>>[vector<16xi32>, vector<16xi32>], vector<16xf32>,
        %add3A_833 = arith.constant 15 : i32
        %add3A_834 = arith.addi %mul3A_437, %add3A_833 : i32
        %get3A_835 = arith.index_cast %add3A_834 : i32 to index
        %get3A_836 = arith.constant 0 : index
        %get3A_837 = tpu.vector_load %arg14[%get3A_835, %get3A_836] {strides = array<i32>} : memref<512x16xf32, #tpu.memory_space<vmem>>, vector<16xf32>,
        tpu.vector_store_idx %arg15[%iota3A, %broadcast_in_dim3A_227, %add3A_435], %get3A_837 masked %lt3A_4 : memref<3x16x64xf32, #tpu.memory_space<vmem>>[vector<16xi32>, vector<16xi32>, vector<16xi32>], vector<16xf32>, vector<16xi1>
        %scan3A_838 = arith.constant 0 : i32
        scf.yield %scan3A_838 : i32
      }
      %scan3A_337 = arith.constant 32 : i32
      %dma_start3A_338 = arith.constant 512 : i32
      %dma_start3A_339 = tpu.memref_slice %arg12[%dma_start3A_338] : memref<1024xi32, #tpu.memory_space<vmem>> -> memref<512xi32, #tpu.memory_space<vmem>>
      %dma_start3A_340 = arith.constant 0 : i32
      %dma_start3A_341 = arith.constant 0 : i32
      %dma_start3A_342 = tpu.memref_slice %arg5[%dma_start3A_340, %dma_start3A_341] : memref<32768x64xf32, #tpu.memory_space<hbm>> -> memref<32768x64xf32, #tpu.memory_space<hbm>>
      tpu.enqueue_indirect_dma source(%dma_start3A_342 : memref<32768x64xf32, #tpu.memory_space<hbm>>) target(%arg16 : memref<512x64xf32, #tpu.memory_space<vmem>>) offsets(%dma_start3A_339 : memref<512xi32, #tpu.memory_space<vmem>>) semaphore(%arg20 : memref<!tpu.dma_semaphore, #tpu.memory_space<semaphore_mem>>)
      %dma_start3A_343 = arith.constant 512 : i32
      %dma_start3A_344 = tpu.memref_slice %arg12[%dma_start3A_343] : memref<1024xi32, #tpu.memory_space<vmem>> -> memref<512xi32, #tpu.memory_space<vmem>>
      %dma_start3A_345 = arith.constant 0 : i32
      %dma_start3A_346 = arith.constant 0 : i32
      %dma_start3A_347 = tpu.memref_slice %arg4[%dma_start3A_345, %dma_start3A_346] : memref<32768x16xf32, #tpu.memory_space<hbm>> -> memref<32768x16xf32, #tpu.memory_space<hbm>>
      tpu.enqueue_indirect_dma source(%dma_start3A_347 : memref<32768x16xf32, #tpu.memory_space<hbm>>) target(%arg14 : memref<512x16xf32, #tpu.memory_space<vmem>>) offsets(%dma_start3A_344 : memref<512xi32, #tpu.memory_space<vmem>>) semaphore(%arg20 : memref<!tpu.dma_semaphore, #tpu.memory_space<semaphore_mem>>)
      %dma_wait3A_348 = arith.constant 512 : i32
      %dma_wait3A_349 = tpu.memref_slice %arg12[%dma_wait3A_348] : memref<1024xi32, #tpu.memory_space<vmem>> -> memref<512xi32, #tpu.memory_space<vmem>>
      %dma_wait3A_350 = arith.constant 0 : i32
      %dma_wait3A_351 = arith.constant 0 : i32
      %dma_wait3A_352 = tpu.memref_slice %arg5[%dma_wait3A_350, %dma_wait3A_351] : memref<32768x64xf32, #tpu.memory_space<hbm>> -> memref<32768x64xf32, #tpu.memory_space<hbm>>
      tpu.wait_indirect_dma semaphore(%arg20 : memref<!tpu.dma_semaphore, #tpu.memory_space<semaphore_mem>>) src(%dma_wait3A_352 : memref<32768x64xf32, #tpu.memory_space<hbm>>) dst(%arg16 : memref<512x64xf32, #tpu.memory_space<vmem>>)
      %dma_wait3A_353 = arith.constant 512 : i32
      %dma_wait3A_354 = tpu.memref_slice %arg12[%dma_wait3A_353] : memref<1024xi32, #tpu.memory_space<vmem>> -> memref<512xi32, #tpu.memory_space<vmem>>
      %dma_wait3A_355 = arith.constant 0 : i32
      %dma_wait3A_356 = arith.constant 0 : i32
      %dma_wait3A_357 = tpu.memref_slice %arg4[%dma_wait3A_355, %dma_wait3A_356] : memref<32768x16xf32, #tpu.memory_space<hbm>> -> memref<32768x16xf32, #tpu.memory_space<hbm>>
      tpu.wait_indirect_dma semaphore(%arg20 : memref<!tpu.dma_semaphore, #tpu.memory_space<semaphore_mem>>) src(%dma_wait3A_357 : memref<32768x16xf32, #tpu.memory_space<hbm>>) dst(%arg14 : memref<512x16xf32, #tpu.memory_space<vmem>>)
      %scan3A_358 = arith.constant 0 : i32
      %scan3A_359 = arith.constant 0 : i32
      %scan3A_360 = arith.constant 32 : i32
      %scan3A_361 = arith.addi %scan3A_359, %scan3A_360 : i32
      %scan3A_362 = arith.constant 1 : i32
      %scan3A_363 = scf.for %scan3A_430 = %scan3A_359 to %scan3A_361 step %scan3A_362 iter_args(%scan3A_431 = %scan3A_358) -> (i32)  : i32 {
        %broadcast_in_dim3A_432 = arith.constant 32 : i32
        %broadcast_in_dim3A_433 = vector.broadcast %broadcast_in_dim3A_432 : i32 to vector<16xi32>
        %add3A_434 = vector.broadcast %scan3A_430 : i32 to vector<16xi32>
        %add3A_435 = arith.addi %broadcast_in_dim3A_433, %add3A_434 : vector<16xi32>
        %mul3A_436 = arith.constant 16 : i32
        %mul3A_437 = arith.muli %scan3A_430, %mul3A_436 : i32
        %add3A_438 = arith.constant 0 : i32
        %add3A_439 = arith.addi %mul3A_437, %add3A_438 : i32
        %get3A_440 = arith.index_cast %add3A_439 : i32 to index
        %get3A_441 = arith.constant 0 : index
        %get3A_442 = tpu.vector_load %arg16[%get3A_440, %get3A_441] {strides = array<i32>} : memref<512x64xf32, #tpu.memory_space<vmem>>, vector<16xf32>,
        tpu.vector_store_idx %arg17[%add3A_7, %add3A_435], %get3A_442 : memref<1024x64xf32, #tpu.memory_space<vmem>>[vector<16xi32>, vector<16xi32>], vector<16xf32>,
        %add3A_443 = arith.constant 0 : i32
        %add3A_444 = arith.addi %mul3A_437, %add3A_443 : i32
        %get3A_445 = arith.index_cast %add3A_444 : i32 to index
        %get3A_446 = arith.constant 16 : index
        %get3A_447 = tpu.vector_load %arg16[%get3A_445, %get3A_446] {strides = array<i32>} : memref<512x64xf32, #tpu.memory_space<vmem>>, vector<16xf32>,
        tpu.vector_store_idx %arg17[%add3A_10, %add3A_435], %get3A_447 : memref<1024x64xf32, #tpu.memory_space<vmem>>[vector<16xi32>, vector<16xi32>], vector<16xf32>,
        %add3A_448 = arith.constant 0 : i32
        %add3A_449 = arith.addi %mul3A_437, %add3A_448 : i32
        %get3A_450 = arith.index_cast %add3A_449 : i32 to index
        %get3A_451 = arith.constant 32 : index
        %get3A_452 = tpu.vector_load %arg16[%get3A_450, %get3A_451] {strides = array<i32>} : memref<512x64xf32, #tpu.memory_space<vmem>>, vector<16xf32>,
        tpu.vector_store_idx %arg17[%add3A_13, %add3A_435], %get3A_452 : memref<1024x64xf32, #tpu.memory_space<vmem>>[vector<16xi32>, vector<16xi32>], vector<16xf32>,
        %add3A_453 = arith.constant 0 : i32
        %add3A_454 = arith.addi %mul3A_437, %add3A_453 : i32
        %get3A_455 = arith.index_cast %add3A_454 : i32 to index
        %get3A_456 = arith.constant 48 : index
        %get3A_457 = tpu.vector_load %arg16[%get3A_455, %get3A_456] {strides = array<i32>} : memref<512x64xf32, #tpu.memory_space<vmem>>, vector<16xf32>,
        tpu.vector_store_idx %arg17[%add3A_16, %add3A_435], %get3A_457 : memref<1024x64xf32, #tpu.memory_space<vmem>>[vector<16xi32>, vector<16xi32>], vector<16xf32>,
        %add3A_458 = arith.constant 0 : i32
        %add3A_459 = arith.addi %mul3A_437, %add3A_458 : i32
        %get3A_460 = arith.index_cast %add3A_459 : i32 to index
        %get3A_461 = arith.constant 0 : index
        %get3A_462 = tpu.vector_load %arg14[%get3A_460, %get3A_461] {strides = array<i32>} : memref<512x16xf32, #tpu.memory_space<vmem>>, vector<16xf32>,
        tpu.vector_store_idx %arg15[%iota3A, %broadcast_in_dim3A_197, %add3A_435], %get3A_462 masked %lt3A_4 : memref<3x16x64xf32, #tpu.memory_space<vmem>>[vector<16xi32>, vector<16xi32>, vector<16xi32>], vector<16xf32>, vector<16xi1>
        %add3A_463 = arith.constant 1 : i32
        %add3A_464 = arith.addi %mul3A_437, %add3A_463 : i32
        %get3A_465 = arith.index_cast %add3A_464 : i32 to index
        %get3A_466 = arith.constant 0 : index
        %get3A_467 = tpu.vector_load %arg16[%get3A_465, %get3A_466] {strides = array<i32>} : memref<512x64xf32, #tpu.memory_space<vmem>>, vector<16xf32>,
        tpu.vector_store_idx %arg17[%add3A_19, %add3A_435], %get3A_467 : memref<1024x64xf32, #tpu.memory_space<vmem>>[vector<16xi32>, vector<16xi32>], vector<16xf32>,
        %add3A_468 = arith.constant 1 : i32
        %add3A_469 = arith.addi %mul3A_437, %add3A_468 : i32
        %get3A_470 = arith.index_cast %add3A_469 : i32 to index
        %get3A_471 = arith.constant 16 : index
        %get3A_472 = tpu.vector_load %arg16[%get3A_470, %get3A_471] {strides = array<i32>} : memref<512x64xf32, #tpu.memory_space<vmem>>, vector<16xf32>,
        tpu.vector_store_idx %arg17[%add3A_22, %add3A_435], %get3A_472 : memref<1024x64xf32, #tpu.memory_space<vmem>>[vector<16xi32>, vector<16xi32>], vector<16xf32>,
        %add3A_473 = arith.constant 1 : i32
        %add3A_474 = arith.addi %mul3A_437, %add3A_473 : i32
        %get3A_475 = arith.index_cast %add3A_474 : i32 to index
        %get3A_476 = arith.constant 32 : index
        %get3A_477 = tpu.vector_load %arg16[%get3A_475, %get3A_476] {strides = array<i32>} : memref<512x64xf32, #tpu.memory_space<vmem>>, vector<16xf32>,
        tpu.vector_store_idx %arg17[%add3A_25, %add3A_435], %get3A_477 : memref<1024x64xf32, #tpu.memory_space<vmem>>[vector<16xi32>, vector<16xi32>], vector<16xf32>,
        %add3A_478 = arith.constant 1 : i32
        %add3A_479 = arith.addi %mul3A_437, %add3A_478 : i32
        %get3A_480 = arith.index_cast %add3A_479 : i32 to index
        %get3A_481 = arith.constant 48 : index
        %get3A_482 = tpu.vector_load %arg16[%get3A_480, %get3A_481] {strides = array<i32>} : memref<512x64xf32, #tpu.memory_space<vmem>>, vector<16xf32>,
        tpu.vector_store_idx %arg17[%add3A_28, %add3A_435], %get3A_482 : memref<1024x64xf32, #tpu.memory_space<vmem>>[vector<16xi32>, vector<16xi32>], vector<16xf32>,
        %add3A_483 = arith.constant 1 : i32
        %add3A_484 = arith.addi %mul3A_437, %add3A_483 : i32
        %get3A_485 = arith.index_cast %add3A_484 : i32 to index
        %get3A_486 = arith.constant 0 : index
        %get3A_487 = tpu.vector_load %arg14[%get3A_485, %get3A_486] {strides = array<i32>} : memref<512x16xf32, #tpu.memory_space<vmem>>, vector<16xf32>,
        tpu.vector_store_idx %arg15[%iota3A, %broadcast_in_dim3A_199, %add3A_435], %get3A_487 masked %lt3A_4 : memref<3x16x64xf32, #tpu.memory_space<vmem>>[vector<16xi32>, vector<16xi32>, vector<16xi32>], vector<16xf32>, vector<16xi1>
        %add3A_488 = arith.constant 2 : i32
        %add3A_489 = arith.addi %mul3A_437, %add3A_488 : i32
        %get3A_490 = arith.index_cast %add3A_489 : i32 to index
        %get3A_491 = arith.constant 0 : index
        %get3A_492 = tpu.vector_load %arg16[%get3A_490, %get3A_491] {strides = array<i32>} : memref<512x64xf32, #tpu.memory_space<vmem>>, vector<16xf32>,
        tpu.vector_store_idx %arg17[%add3A_31, %add3A_435], %get3A_492 : memref<1024x64xf32, #tpu.memory_space<vmem>>[vector<16xi32>, vector<16xi32>], vector<16xf32>,
        %add3A_493 = arith.constant 2 : i32
        %add3A_494 = arith.addi %mul3A_437, %add3A_493 : i32
        %get3A_495 = arith.index_cast %add3A_494 : i32 to index
        %get3A_496 = arith.constant 16 : index
        %get3A_497 = tpu.vector_load %arg16[%get3A_495, %get3A_496] {strides = array<i32>} : memref<512x64xf32, #tpu.memory_space<vmem>>, vector<16xf32>,
        tpu.vector_store_idx %arg17[%add3A_34, %add3A_435], %get3A_497 : memref<1024x64xf32, #tpu.memory_space<vmem>>[vector<16xi32>, vector<16xi32>], vector<16xf32>,
        %add3A_498 = arith.constant 2 : i32
        %add3A_499 = arith.addi %mul3A_437, %add3A_498 : i32
        %get3A_500 = arith.index_cast %add3A_499 : i32 to index
        %get3A_501 = arith.constant 32 : index
        %get3A_502 = tpu.vector_load %arg16[%get3A_500, %get3A_501] {strides = array<i32>} : memref<512x64xf32, #tpu.memory_space<vmem>>, vector<16xf32>,
        tpu.vector_store_idx %arg17[%add3A_37, %add3A_435], %get3A_502 : memref<1024x64xf32, #tpu.memory_space<vmem>>[vector<16xi32>, vector<16xi32>], vector<16xf32>,
        %add3A_503 = arith.constant 2 : i32
        %add3A_504 = arith.addi %mul3A_437, %add3A_503 : i32
        %get3A_505 = arith.index_cast %add3A_504 : i32 to index
        %get3A_506 = arith.constant 48 : index
        %get3A_507 = tpu.vector_load %arg16[%get3A_505, %get3A_506] {strides = array<i32>} : memref<512x64xf32, #tpu.memory_space<vmem>>, vector<16xf32>,
        tpu.vector_store_idx %arg17[%add3A_40, %add3A_435], %get3A_507 : memref<1024x64xf32, #tpu.memory_space<vmem>>[vector<16xi32>, vector<16xi32>], vector<16xf32>,
        %add3A_508 = arith.constant 2 : i32
        %add3A_509 = arith.addi %mul3A_437, %add3A_508 : i32
        %get3A_510 = arith.index_cast %add3A_509 : i32 to index
        %get3A_511 = arith.constant 0 : index
        %get3A_512 = tpu.vector_load %arg14[%get3A_510, %get3A_511] {strides = array<i32>} : memref<512x16xf32, #tpu.memory_space<vmem>>, vector<16xf32>,
        tpu.vector_store_idx %arg15[%iota3A, %broadcast_in_dim3A_201, %add3A_435], %get3A_512 masked %lt3A_4 : memref<3x16x64xf32, #tpu.memory_space<vmem>>[vector<16xi32>, vector<16xi32>, vector<16xi32>], vector<16xf32>, vector<16xi1>
        %add3A_513 = arith.constant 3 : i32
        %add3A_514 = arith.addi %mul3A_437, %add3A_513 : i32
        %get3A_515 = arith.index_cast %add3A_514 : i32 to index
        %get3A_516 = arith.constant 0 : index
        %get3A_517 = tpu.vector_load %arg16[%get3A_515, %get3A_516] {strides = array<i32>} : memref<512x64xf32, #tpu.memory_space<vmem>>, vector<16xf32>,
        tpu.vector_store_idx %arg17[%add3A_43, %add3A_435], %get3A_517 : memref<1024x64xf32, #tpu.memory_space<vmem>>[vector<16xi32>, vector<16xi32>], vector<16xf32>,
        %add3A_518 = arith.constant 3 : i32
        %add3A_519 = arith.addi %mul3A_437, %add3A_518 : i32
        %get3A_520 = arith.index_cast %add3A_519 : i32 to index
        %get3A_521 = arith.constant 16 : index
        %get3A_522 = tpu.vector_load %arg16[%get3A_520, %get3A_521] {strides = array<i32>} : memref<512x64xf32, #tpu.memory_space<vmem>>, vector<16xf32>,
        tpu.vector_store_idx %arg17[%add3A_46, %add3A_435], %get3A_522 : memref<1024x64xf32, #tpu.memory_space<vmem>>[vector<16xi32>, vector<16xi32>], vector<16xf32>,
        %add3A_523 = arith.constant 3 : i32
        %add3A_524 = arith.addi %mul3A_437, %add3A_523 : i32
        %get3A_525 = arith.index_cast %add3A_524 : i32 to index
        %get3A_526 = arith.constant 32 : index
        %get3A_527 = tpu.vector_load %arg16[%get3A_525, %get3A_526] {strides = array<i32>} : memref<512x64xf32, #tpu.memory_space<vmem>>, vector<16xf32>,
        tpu.vector_store_idx %arg17[%add3A_49, %add3A_435], %get3A_527 : memref<1024x64xf32, #tpu.memory_space<vmem>>[vector<16xi32>, vector<16xi32>], vector<16xf32>,
        %add3A_528 = arith.constant 3 : i32
        %add3A_529 = arith.addi %mul3A_437, %add3A_528 : i32
        %get3A_530 = arith.index_cast %add3A_529 : i32 to index
        %get3A_531 = arith.constant 48 : index
        %get3A_532 = tpu.vector_load %arg16[%get3A_530, %get3A_531] {strides = array<i32>} : memref<512x64xf32, #tpu.memory_space<vmem>>, vector<16xf32>,
        tpu.vector_store_idx %arg17[%add3A_52, %add3A_435], %get3A_532 : memref<1024x64xf32, #tpu.memory_space<vmem>>[vector<16xi32>, vector<16xi32>], vector<16xf32>,
        %add3A_533 = arith.constant 3 : i32
        %add3A_534 = arith.addi %mul3A_437, %add3A_533 : i32
        %get3A_535 = arith.index_cast %add3A_534 : i32 to index
        %get3A_536 = arith.constant 0 : index
        %get3A_537 = tpu.vector_load %arg14[%get3A_535, %get3A_536] {strides = array<i32>} : memref<512x16xf32, #tpu.memory_space<vmem>>, vector<16xf32>,
        tpu.vector_store_idx %arg15[%iota3A, %broadcast_in_dim3A_203, %add3A_435], %get3A_537 masked %lt3A_4 : memref<3x16x64xf32, #tpu.memory_space<vmem>>[vector<16xi32>, vector<16xi32>, vector<16xi32>], vector<16xf32>, vector<16xi1>
        %add3A_538 = arith.constant 4 : i32
        %add3A_539 = arith.addi %mul3A_437, %add3A_538 : i32
        %get3A_540 = arith.index_cast %add3A_539 : i32 to index
        %get3A_541 = arith.constant 0 : index
        %get3A_542 = tpu.vector_load %arg16[%get3A_540, %get3A_541] {strides = array<i32>} : memref<512x64xf32, #tpu.memory_space<vmem>>, vector<16xf32>,
        tpu.vector_store_idx %arg17[%add3A_55, %add3A_435], %get3A_542 : memref<1024x64xf32, #tpu.memory_space<vmem>>[vector<16xi32>, vector<16xi32>], vector<16xf32>,
        %add3A_543 = arith.constant 4 : i32
        %add3A_544 = arith.addi %mul3A_437, %add3A_543 : i32
        %get3A_545 = arith.index_cast %add3A_544 : i32 to index
        %get3A_546 = arith.constant 16 : index
        %get3A_547 = tpu.vector_load %arg16[%get3A_545, %get3A_546] {strides = array<i32>} : memref<512x64xf32, #tpu.memory_space<vmem>>, vector<16xf32>,
        tpu.vector_store_idx %arg17[%add3A_58, %add3A_435], %get3A_547 : memref<1024x64xf32, #tpu.memory_space<vmem>>[vector<16xi32>, vector<16xi32>], vector<16xf32>,
        %add3A_548 = arith.constant 4 : i32
        %add3A_549 = arith.addi %mul3A_437, %add3A_548 : i32
        %get3A_550 = arith.index_cast %add3A_549 : i32 to index
        %get3A_551 = arith.constant 32 : index
        %get3A_552 = tpu.vector_load %arg16[%get3A_550, %get3A_551] {strides = array<i32>} : memref<512x64xf32, #tpu.memory_space<vmem>>, vector<16xf32>,
        tpu.vector_store_idx %arg17[%add3A_61, %add3A_435], %get3A_552 : memref<1024x64xf32, #tpu.memory_space<vmem>>[vector<16xi32>, vector<16xi32>], vector<16xf32>,
        %add3A_553 = arith.constant 4 : i32
        %add3A_554 = arith.addi %mul3A_437, %add3A_553 : i32
        %get3A_555 = arith.index_cast %add3A_554 : i32 to index
        %get3A_556 = arith.constant 48 : index
        %get3A_557 = tpu.vector_load %arg16[%get3A_555, %get3A_556] {strides = array<i32>} : memref<512x64xf32, #tpu.memory_space<vmem>>, vector<16xf32>,
        tpu.vector_store_idx %arg17[%add3A_64, %add3A_435], %get3A_557 : memref<1024x64xf32, #tpu.memory_space<vmem>>[vector<16xi32>, vector<16xi32>], vector<16xf32>,
        %add3A_558 = arith.constant 4 : i32
        %add3A_559 = arith.addi %mul3A_437, %add3A_558 : i32
        %get3A_560 = arith.index_cast %add3A_559 : i32 to index
        %get3A_561 = arith.constant 0 : index
        %get3A_562 = tpu.vector_load %arg14[%get3A_560, %get3A_561] {strides = array<i32>} : memref<512x16xf32, #tpu.memory_space<vmem>>, vector<16xf32>,
        tpu.vector_store_idx %arg15[%iota3A, %broadcast_in_dim3A_205, %add3A_435], %get3A_562 masked %lt3A_4 : memref<3x16x64xf32, #tpu.memory_space<vmem>>[vector<16xi32>, vector<16xi32>, vector<16xi32>], vector<16xf32>, vector<16xi1>
        %add3A_563 = arith.constant 5 : i32
        %add3A_564 = arith.addi %mul3A_437, %add3A_563 : i32
        %get3A_565 = arith.index_cast %add3A_564 : i32 to index
        %get3A_566 = arith.constant 0 : index
        %get3A_567 = tpu.vector_load %arg16[%get3A_565, %get3A_566] {strides = array<i32>} : memref<512x64xf32, #tpu.memory_space<vmem>>, vector<16xf32>,
        tpu.vector_store_idx %arg17[%add3A_67, %add3A_435], %get3A_567 : memref<1024x64xf32, #tpu.memory_space<vmem>>[vector<16xi32>, vector<16xi32>], vector<16xf32>,
        %add3A_568 = arith.constant 5 : i32
        %add3A_569 = arith.addi %mul3A_437, %add3A_568 : i32
        %get3A_570 = arith.index_cast %add3A_569 : i32 to index
        %get3A_571 = arith.constant 16 : index
        %get3A_572 = tpu.vector_load %arg16[%get3A_570, %get3A_571] {strides = array<i32>} : memref<512x64xf32, #tpu.memory_space<vmem>>, vector<16xf32>,
        tpu.vector_store_idx %arg17[%add3A_70, %add3A_435], %get3A_572 : memref<1024x64xf32, #tpu.memory_space<vmem>>[vector<16xi32>, vector<16xi32>], vector<16xf32>,
        %add3A_573 = arith.constant 5 : i32
        %add3A_574 = arith.addi %mul3A_437, %add3A_573 : i32
        %get3A_575 = arith.index_cast %add3A_574 : i32 to index
        %get3A_576 = arith.constant 32 : index
        %get3A_577 = tpu.vector_load %arg16[%get3A_575, %get3A_576] {strides = array<i32>} : memref<512x64xf32, #tpu.memory_space<vmem>>, vector<16xf32>,
        tpu.vector_store_idx %arg17[%add3A_73, %add3A_435], %get3A_577 : memref<1024x64xf32, #tpu.memory_space<vmem>>[vector<16xi32>, vector<16xi32>], vector<16xf32>,
        %add3A_578 = arith.constant 5 : i32
        %add3A_579 = arith.addi %mul3A_437, %add3A_578 : i32
        %get3A_580 = arith.index_cast %add3A_579 : i32 to index
        %get3A_581 = arith.constant 48 : index
        %get3A_582 = tpu.vector_load %arg16[%get3A_580, %get3A_581] {strides = array<i32>} : memref<512x64xf32, #tpu.memory_space<vmem>>, vector<16xf32>,
        tpu.vector_store_idx %arg17[%add3A_76, %add3A_435], %get3A_582 : memref<1024x64xf32, #tpu.memory_space<vmem>>[vector<16xi32>, vector<16xi32>], vector<16xf32>,
        %add3A_583 = arith.constant 5 : i32
        %add3A_584 = arith.addi %mul3A_437, %add3A_583 : i32
        %get3A_585 = arith.index_cast %add3A_584 : i32 to index
        %get3A_586 = arith.constant 0 : index
        %get3A_587 = tpu.vector_load %arg14[%get3A_585, %get3A_586] {strides = array<i32>} : memref<512x16xf32, #tpu.memory_space<vmem>>, vector<16xf32>,
        tpu.vector_store_idx %arg15[%iota3A, %broadcast_in_dim3A_207, %add3A_435], %get3A_587 masked %lt3A_4 : memref<3x16x64xf32, #tpu.memory_space<vmem>>[vector<16xi32>, vector<16xi32>, vector<16xi32>], vector<16xf32>, vector<16xi1>
        %add3A_588 = arith.constant 6 : i32
        %add3A_589 = arith.addi %mul3A_437, %add3A_588 : i32
        %get3A_590 = arith.index_cast %add3A_589 : i32 to index
        %get3A_591 = arith.constant 0 : index
        %get3A_592 = tpu.vector_load %arg16[%get3A_590, %get3A_591] {strides = array<i32>} : memref<512x64xf32, #tpu.memory_space<vmem>>, vector<16xf32>,
        tpu.vector_store_idx %arg17[%add3A_79, %add3A_435], %get3A_592 : memref<1024x64xf32, #tpu.memory_space<vmem>>[vector<16xi32>, vector<16xi32>], vector<16xf32>,
        %add3A_593 = arith.constant 6 : i32
        %add3A_594 = arith.addi %mul3A_437, %add3A_593 : i32
        %get3A_595 = arith.index_cast %add3A_594 : i32 to index
        %get3A_596 = arith.constant 16 : index
        %get3A_597 = tpu.vector_load %arg16[%get3A_595, %get3A_596] {strides = array<i32>} : memref<512x64xf32, #tpu.memory_space<vmem>>, vector<16xf32>,
        tpu.vector_store_idx %arg17[%add3A_82, %add3A_435], %get3A_597 : memref<1024x64xf32, #tpu.memory_space<vmem>>[vector<16xi32>, vector<16xi32>], vector<16xf32>,
        %add3A_598 = arith.constant 6 : i32
        %add3A_599 = arith.addi %mul3A_437, %add3A_598 : i32
        %get3A_600 = arith.index_cast %add3A_599 : i32 to index
        %get3A_601 = arith.constant 32 : index
        %get3A_602 = tpu.vector_load %arg16[%get3A_600, %get3A_601] {strides = array<i32>} : memref<512x64xf32, #tpu.memory_space<vmem>>, vector<16xf32>,
        tpu.vector_store_idx %arg17[%add3A_85, %add3A_435], %get3A_602 : memref<1024x64xf32, #tpu.memory_space<vmem>>[vector<16xi32>, vector<16xi32>], vector<16xf32>,
        %add3A_603 = arith.constant 6 : i32
        %add3A_604 = arith.addi %mul3A_437, %add3A_603 : i32
        %get3A_605 = arith.index_cast %add3A_604 : i32 to index
        %get3A_606 = arith.constant 48 : index
        %get3A_607 = tpu.vector_load %arg16[%get3A_605, %get3A_606] {strides = array<i32>} : memref<512x64xf32, #tpu.memory_space<vmem>>, vector<16xf32>,
        tpu.vector_store_idx %arg17[%add3A_88, %add3A_435], %get3A_607 : memref<1024x64xf32, #tpu.memory_space<vmem>>[vector<16xi32>, vector<16xi32>], vector<16xf32>,
        %add3A_608 = arith.constant 6 : i32
        %add3A_609 = arith.addi %mul3A_437, %add3A_608 : i32
        %get3A_610 = arith.index_cast %add3A_609 : i32 to index
        %get3A_611 = arith.constant 0 : index
        %get3A_612 = tpu.vector_load %arg14[%get3A_610, %get3A_611] {strides = array<i32>} : memref<512x16xf32, #tpu.memory_space<vmem>>, vector<16xf32>,
        tpu.vector_store_idx %arg15[%iota3A, %broadcast_in_dim3A_209, %add3A_435], %get3A_612 masked %lt3A_4 : memref<3x16x64xf32, #tpu.memory_space<vmem>>[vector<16xi32>, vector<16xi32>, vector<16xi32>], vector<16xf32>, vector<16xi1>
        %add3A_613 = arith.constant 7 : i32
        %add3A_614 = arith.addi %mul3A_437, %add3A_613 : i32
        %get3A_615 = arith.index_cast %add3A_614 : i32 to index
        %get3A_616 = arith.constant 0 : index
        %get3A_617 = tpu.vector_load %arg16[%get3A_615, %get3A_616] {strides = array<i32>} : memref<512x64xf32, #tpu.memory_space<vmem>>, vector<16xf32>,
        tpu.vector_store_idx %arg17[%add3A_91, %add3A_435], %get3A_617 : memref<1024x64xf32, #tpu.memory_space<vmem>>[vector<16xi32>, vector<16xi32>], vector<16xf32>,
        %add3A_618 = arith.constant 7 : i32
        %add3A_619 = arith.addi %mul3A_437, %add3A_618 : i32
        %get3A_620 = arith.index_cast %add3A_619 : i32 to index
        %get3A_621 = arith.constant 16 : index
        %get3A_622 = tpu.vector_load %arg16[%get3A_620, %get3A_621] {strides = array<i32>} : memref<512x64xf32, #tpu.memory_space<vmem>>, vector<16xf32>,
        tpu.vector_store_idx %arg17[%add3A_94, %add3A_435], %get3A_622 : memref<1024x64xf32, #tpu.memory_space<vmem>>[vector<16xi32>, vector<16xi32>], vector<16xf32>,
        %add3A_623 = arith.constant 7 : i32
        %add3A_624 = arith.addi %mul3A_437, %add3A_623 : i32
        %get3A_625 = arith.index_cast %add3A_624 : i32 to index
        %get3A_626 = arith.constant 32 : index
        %get3A_627 = tpu.vector_load %arg16[%get3A_625, %get3A_626] {strides = array<i32>} : memref<512x64xf32, #tpu.memory_space<vmem>>, vector<16xf32>,
        tpu.vector_store_idx %arg17[%add3A_97, %add3A_435], %get3A_627 : memref<1024x64xf32, #tpu.memory_space<vmem>>[vector<16xi32>, vector<16xi32>], vector<16xf32>,
        %add3A_628 = arith.constant 7 : i32
        %add3A_629 = arith.addi %mul3A_437, %add3A_628 : i32
        %get3A_630 = arith.index_cast %add3A_629 : i32 to index
        %get3A_631 = arith.constant 48 : index
        %get3A_632 = tpu.vector_load %arg16[%get3A_630, %get3A_631] {strides = array<i32>} : memref<512x64xf32, #tpu.memory_space<vmem>>, vector<16xf32>,
        tpu.vector_store_idx %arg17[%add3A_100, %add3A_435], %get3A_632 : memref<1024x64xf32, #tpu.memory_space<vmem>>[vector<16xi32>, vector<16xi32>], vector<16xf32>,
        %add3A_633 = arith.constant 7 : i32
        %add3A_634 = arith.addi %mul3A_437, %add3A_633 : i32
        %get3A_635 = arith.index_cast %add3A_634 : i32 to index
        %get3A_636 = arith.constant 0 : index
        %get3A_637 = tpu.vector_load %arg14[%get3A_635, %get3A_636] {strides = array<i32>} : memref<512x16xf32, #tpu.memory_space<vmem>>, vector<16xf32>,
        tpu.vector_store_idx %arg15[%iota3A, %broadcast_in_dim3A_211, %add3A_435], %get3A_637 masked %lt3A_4 : memref<3x16x64xf32, #tpu.memory_space<vmem>>[vector<16xi32>, vector<16xi32>, vector<16xi32>], vector<16xf32>, vector<16xi1>
        %add3A_638 = arith.constant 8 : i32
        %add3A_639 = arith.addi %mul3A_437, %add3A_638 : i32
        %get3A_640 = arith.index_cast %add3A_639 : i32 to index
        %get3A_641 = arith.constant 0 : index
        %get3A_642 = tpu.vector_load %arg16[%get3A_640, %get3A_641] {strides = array<i32>} : memref<512x64xf32, #tpu.memory_space<vmem>>, vector<16xf32>,
        tpu.vector_store_idx %arg17[%add3A_103, %add3A_435], %get3A_642 : memref<1024x64xf32, #tpu.memory_space<vmem>>[vector<16xi32>, vector<16xi32>], vector<16xf32>,
        %add3A_643 = arith.constant 8 : i32
        %add3A_644 = arith.addi %mul3A_437, %add3A_643 : i32
        %get3A_645 = arith.index_cast %add3A_644 : i32 to index
        %get3A_646 = arith.constant 16 : index
        %get3A_647 = tpu.vector_load %arg16[%get3A_645, %get3A_646] {strides = array<i32>} : memref<512x64xf32, #tpu.memory_space<vmem>>, vector<16xf32>,
        tpu.vector_store_idx %arg17[%add3A_106, %add3A_435], %get3A_647 : memref<1024x64xf32, #tpu.memory_space<vmem>>[vector<16xi32>, vector<16xi32>], vector<16xf32>,
        %add3A_648 = arith.constant 8 : i32
        %add3A_649 = arith.addi %mul3A_437, %add3A_648 : i32
        %get3A_650 = arith.index_cast %add3A_649 : i32 to index
        %get3A_651 = arith.constant 32 : index
        %get3A_652 = tpu.vector_load %arg16[%get3A_650, %get3A_651] {strides = array<i32>} : memref<512x64xf32, #tpu.memory_space<vmem>>, vector<16xf32>,
        tpu.vector_store_idx %arg17[%add3A_109, %add3A_435], %get3A_652 : memref<1024x64xf32, #tpu.memory_space<vmem>>[vector<16xi32>, vector<16xi32>], vector<16xf32>,
        %add3A_653 = arith.constant 8 : i32
        %add3A_654 = arith.addi %mul3A_437, %add3A_653 : i32
        %get3A_655 = arith.index_cast %add3A_654 : i32 to index
        %get3A_656 = arith.constant 48 : index
        %get3A_657 = tpu.vector_load %arg16[%get3A_655, %get3A_656] {strides = array<i32>} : memref<512x64xf32, #tpu.memory_space<vmem>>, vector<16xf32>,
        tpu.vector_store_idx %arg17[%add3A_112, %add3A_435], %get3A_657 : memref<1024x64xf32, #tpu.memory_space<vmem>>[vector<16xi32>, vector<16xi32>], vector<16xf32>,
        %add3A_658 = arith.constant 8 : i32
        %add3A_659 = arith.addi %mul3A_437, %add3A_658 : i32
        %get3A_660 = arith.index_cast %add3A_659 : i32 to index
        %get3A_661 = arith.constant 0 : index
        %get3A_662 = tpu.vector_load %arg14[%get3A_660, %get3A_661] {strides = array<i32>} : memref<512x16xf32, #tpu.memory_space<vmem>>, vector<16xf32>,
        tpu.vector_store_idx %arg15[%iota3A, %broadcast_in_dim3A_213, %add3A_435], %get3A_662 masked %lt3A_4 : memref<3x16x64xf32, #tpu.memory_space<vmem>>[vector<16xi32>, vector<16xi32>, vector<16xi32>], vector<16xf32>, vector<16xi1>
        %add3A_663 = arith.constant 9 : i32
        %add3A_664 = arith.addi %mul3A_437, %add3A_663 : i32
        %get3A_665 = arith.index_cast %add3A_664 : i32 to index
        %get3A_666 = arith.constant 0 : index
        %get3A_667 = tpu.vector_load %arg16[%get3A_665, %get3A_666] {strides = array<i32>} : memref<512x64xf32, #tpu.memory_space<vmem>>, vector<16xf32>,
        tpu.vector_store_idx %arg17[%add3A_115, %add3A_435], %get3A_667 : memref<1024x64xf32, #tpu.memory_space<vmem>>[vector<16xi32>, vector<16xi32>], vector<16xf32>,
        %add3A_668 = arith.constant 9 : i32
        %add3A_669 = arith.addi %mul3A_437, %add3A_668 : i32
        %get3A_670 = arith.index_cast %add3A_669 : i32 to index
        %get3A_671 = arith.constant 16 : index
        %get3A_672 = tpu.vector_load %arg16[%get3A_670, %get3A_671] {strides = array<i32>} : memref<512x64xf32, #tpu.memory_space<vmem>>, vector<16xf32>,
        tpu.vector_store_idx %arg17[%add3A_118, %add3A_435], %get3A_672 : memref<1024x64xf32, #tpu.memory_space<vmem>>[vector<16xi32>, vector<16xi32>], vector<16xf32>,
        %add3A_673 = arith.constant 9 : i32
        %add3A_674 = arith.addi %mul3A_437, %add3A_673 : i32
        %get3A_675 = arith.index_cast %add3A_674 : i32 to index
        %get3A_676 = arith.constant 32 : index
        %get3A_677 = tpu.vector_load %arg16[%get3A_675, %get3A_676] {strides = array<i32>} : memref<512x64xf32, #tpu.memory_space<vmem>>, vector<16xf32>,
        tpu.vector_store_idx %arg17[%add3A_121, %add3A_435], %get3A_677 : memref<1024x64xf32, #tpu.memory_space<vmem>>[vector<16xi32>, vector<16xi32>], vector<16xf32>,
        %add3A_678 = arith.constant 9 : i32
        %add3A_679 = arith.addi %mul3A_437, %add3A_678 : i32
        %get3A_680 = arith.index_cast %add3A_679 : i32 to index
        %get3A_681 = arith.constant 48 : index
        %get3A_682 = tpu.vector_load %arg16[%get3A_680, %get3A_681] {strides = array<i32>} : memref<512x64xf32, #tpu.memory_space<vmem>>, vector<16xf32>,
        tpu.vector_store_idx %arg17[%add3A_124, %add3A_435], %get3A_682 : memref<1024x64xf32, #tpu.memory_space<vmem>>[vector<16xi32>, vector<16xi32>], vector<16xf32>,
        %add3A_683 = arith.constant 9 : i32
        %add3A_684 = arith.addi %mul3A_437, %add3A_683 : i32
        %get3A_685 = arith.index_cast %add3A_684 : i32 to index
        %get3A_686 = arith.constant 0 : index
        %get3A_687 = tpu.vector_load %arg14[%get3A_685, %get3A_686] {strides = array<i32>} : memref<512x16xf32, #tpu.memory_space<vmem>>, vector<16xf32>,
        tpu.vector_store_idx %arg15[%iota3A, %broadcast_in_dim3A_215, %add3A_435], %get3A_687 masked %lt3A_4 : memref<3x16x64xf32, #tpu.memory_space<vmem>>[vector<16xi32>, vector<16xi32>, vector<16xi32>], vector<16xf32>, vector<16xi1>
        %add3A_688 = arith.constant 10 : i32
        %add3A_689 = arith.addi %mul3A_437, %add3A_688 : i32
        %get3A_690 = arith.index_cast %add3A_689 : i32 to index
        %get3A_691 = arith.constant 0 : index
        %get3A_692 = tpu.vector_load %arg16[%get3A_690, %get3A_691] {strides = array<i32>} : memref<512x64xf32, #tpu.memory_space<vmem>>, vector<16xf32>,
        tpu.vector_store_idx %arg17[%add3A_127, %add3A_435], %get3A_692 : memref<1024x64xf32, #tpu.memory_space<vmem>>[vector<16xi32>, vector<16xi32>], vector<16xf32>,
        %add3A_693 = arith.constant 10 : i32
        %add3A_694 = arith.addi %mul3A_437, %add3A_693 : i32
        %get3A_695 = arith.index_cast %add3A_694 : i32 to index
        %get3A_696 = arith.constant 16 : index
        %get3A_697 = tpu.vector_load %arg16[%get3A_695, %get3A_696] {strides = array<i32>} : memref<512x64xf32, #tpu.memory_space<vmem>>, vector<16xf32>,
        tpu.vector_store_idx %arg17[%add3A_130, %add3A_435], %get3A_697 : memref<1024x64xf32, #tpu.memory_space<vmem>>[vector<16xi32>, vector<16xi32>], vector<16xf32>,
        %add3A_698 = arith.constant 10 : i32
        %add3A_699 = arith.addi %mul3A_437, %add3A_698 : i32
        %get3A_700 = arith.index_cast %add3A_699 : i32 to index
        %get3A_701 = arith.constant 32 : index
        %get3A_702 = tpu.vector_load %arg16[%get3A_700, %get3A_701] {strides = array<i32>} : memref<512x64xf32, #tpu.memory_space<vmem>>, vector<16xf32>,
        tpu.vector_store_idx %arg17[%add3A_133, %add3A_435], %get3A_702 : memref<1024x64xf32, #tpu.memory_space<vmem>>[vector<16xi32>, vector<16xi32>], vector<16xf32>,
        %add3A_703 = arith.constant 10 : i32
        %add3A_704 = arith.addi %mul3A_437, %add3A_703 : i32
        %get3A_705 = arith.index_cast %add3A_704 : i32 to index
        %get3A_706 = arith.constant 48 : index
        %get3A_707 = tpu.vector_load %arg16[%get3A_705, %get3A_706] {strides = array<i32>} : memref<512x64xf32, #tpu.memory_space<vmem>>, vector<16xf32>,
        tpu.vector_store_idx %arg17[%add3A_136, %add3A_435], %get3A_707 : memref<1024x64xf32, #tpu.memory_space<vmem>>[vector<16xi32>, vector<16xi32>], vector<16xf32>,
        %add3A_708 = arith.constant 10 : i32
        %add3A_709 = arith.addi %mul3A_437, %add3A_708 : i32
        %get3A_710 = arith.index_cast %add3A_709 : i32 to index
        %get3A_711 = arith.constant 0 : index
        %get3A_712 = tpu.vector_load %arg14[%get3A_710, %get3A_711] {strides = array<i32>} : memref<512x16xf32, #tpu.memory_space<vmem>>, vector<16xf32>,
        tpu.vector_store_idx %arg15[%iota3A, %broadcast_in_dim3A_217, %add3A_435], %get3A_712 masked %lt3A_4 : memref<3x16x64xf32, #tpu.memory_space<vmem>>[vector<16xi32>, vector<16xi32>, vector<16xi32>], vector<16xf32>, vector<16xi1>
        %add3A_713 = arith.constant 11 : i32
        %add3A_714 = arith.addi %mul3A_437, %add3A_713 : i32
        %get3A_715 = arith.index_cast %add3A_714 : i32 to index
        %get3A_716 = arith.constant 0 : index
        %get3A_717 = tpu.vector_load %arg16[%get3A_715, %get3A_716] {strides = array<i32>} : memref<512x64xf32, #tpu.memory_space<vmem>>, vector<16xf32>,
        tpu.vector_store_idx %arg17[%add3A_139, %add3A_435], %get3A_717 : memref<1024x64xf32, #tpu.memory_space<vmem>>[vector<16xi32>, vector<16xi32>], vector<16xf32>,
        %add3A_718 = arith.constant 11 : i32
        %add3A_719 = arith.addi %mul3A_437, %add3A_718 : i32
        %get3A_720 = arith.index_cast %add3A_719 : i32 to index
        %get3A_721 = arith.constant 16 : index
        %get3A_722 = tpu.vector_load %arg16[%get3A_720, %get3A_721] {strides = array<i32>} : memref<512x64xf32, #tpu.memory_space<vmem>>, vector<16xf32>,
        tpu.vector_store_idx %arg17[%add3A_142, %add3A_435], %get3A_722 : memref<1024x64xf32, #tpu.memory_space<vmem>>[vector<16xi32>, vector<16xi32>], vector<16xf32>,
        %add3A_723 = arith.constant 11 : i32
        %add3A_724 = arith.addi %mul3A_437, %add3A_723 : i32
        %get3A_725 = arith.index_cast %add3A_724 : i32 to index
        %get3A_726 = arith.constant 32 : index
        %get3A_727 = tpu.vector_load %arg16[%get3A_725, %get3A_726] {strides = array<i32>} : memref<512x64xf32, #tpu.memory_space<vmem>>, vector<16xf32>,
        tpu.vector_store_idx %arg17[%add3A_145, %add3A_435], %get3A_727 : memref<1024x64xf32, #tpu.memory_space<vmem>>[vector<16xi32>, vector<16xi32>], vector<16xf32>,
        %add3A_728 = arith.constant 11 : i32
        %add3A_729 = arith.addi %mul3A_437, %add3A_728 : i32
        %get3A_730 = arith.index_cast %add3A_729 : i32 to index
        %get3A_731 = arith.constant 48 : index
        %get3A_732 = tpu.vector_load %arg16[%get3A_730, %get3A_731] {strides = array<i32>} : memref<512x64xf32, #tpu.memory_space<vmem>>, vector<16xf32>,
        tpu.vector_store_idx %arg17[%add3A_148, %add3A_435], %get3A_732 : memref<1024x64xf32, #tpu.memory_space<vmem>>[vector<16xi32>, vector<16xi32>], vector<16xf32>,
        %add3A_733 = arith.constant 11 : i32
        %add3A_734 = arith.addi %mul3A_437, %add3A_733 : i32
        %get3A_735 = arith.index_cast %add3A_734 : i32 to index
        %get3A_736 = arith.constant 0 : index
        %get3A_737 = tpu.vector_load %arg14[%get3A_735, %get3A_736] {strides = array<i32>} : memref<512x16xf32, #tpu.memory_space<vmem>>, vector<16xf32>,
        tpu.vector_store_idx %arg15[%iota3A, %broadcast_in_dim3A_219, %add3A_435], %get3A_737 masked %lt3A_4 : memref<3x16x64xf32, #tpu.memory_space<vmem>>[vector<16xi32>, vector<16xi32>, vector<16xi32>], vector<16xf32>, vector<16xi1>
        %add3A_738 = arith.constant 12 : i32
        %add3A_739 = arith.addi %mul3A_437, %add3A_738 : i32
        %get3A_740 = arith.index_cast %add3A_739 : i32 to index
        %get3A_741 = arith.constant 0 : index
        %get3A_742 = tpu.vector_load %arg16[%get3A_740, %get3A_741] {strides = array<i32>} : memref<512x64xf32, #tpu.memory_space<vmem>>, vector<16xf32>,
        tpu.vector_store_idx %arg17[%add3A_151, %add3A_435], %get3A_742 : memref<1024x64xf32, #tpu.memory_space<vmem>>[vector<16xi32>, vector<16xi32>], vector<16xf32>,
        %add3A_743 = arith.constant 12 : i32
        %add3A_744 = arith.addi %mul3A_437, %add3A_743 : i32
        %get3A_745 = arith.index_cast %add3A_744 : i32 to index
        %get3A_746 = arith.constant 16 : index
        %get3A_747 = tpu.vector_load %arg16[%get3A_745, %get3A_746] {strides = array<i32>} : memref<512x64xf32, #tpu.memory_space<vmem>>, vector<16xf32>,
        tpu.vector_store_idx %arg17[%add3A_154, %add3A_435], %get3A_747 : memref<1024x64xf32, #tpu.memory_space<vmem>>[vector<16xi32>, vector<16xi32>], vector<16xf32>,
        %add3A_748 = arith.constant 12 : i32
        %add3A_749 = arith.addi %mul3A_437, %add3A_748 : i32
        %get3A_750 = arith.index_cast %add3A_749 : i32 to index
        %get3A_751 = arith.constant 32 : index
        %get3A_752 = tpu.vector_load %arg16[%get3A_750, %get3A_751] {strides = array<i32>} : memref<512x64xf32, #tpu.memory_space<vmem>>, vector<16xf32>,
        tpu.vector_store_idx %arg17[%add3A_157, %add3A_435], %get3A_752 : memref<1024x64xf32, #tpu.memory_space<vmem>>[vector<16xi32>, vector<16xi32>], vector<16xf32>,
        %add3A_753 = arith.constant 12 : i32
        %add3A_754 = arith.addi %mul3A_437, %add3A_753 : i32
        %get3A_755 = arith.index_cast %add3A_754 : i32 to index
        %get3A_756 = arith.constant 48 : index
        %get3A_757 = tpu.vector_load %arg16[%get3A_755, %get3A_756] {strides = array<i32>} : memref<512x64xf32, #tpu.memory_space<vmem>>, vector<16xf32>,
        tpu.vector_store_idx %arg17[%add3A_160, %add3A_435], %get3A_757 : memref<1024x64xf32, #tpu.memory_space<vmem>>[vector<16xi32>, vector<16xi32>], vector<16xf32>,
        %add3A_758 = arith.constant 12 : i32
        %add3A_759 = arith.addi %mul3A_437, %add3A_758 : i32
        %get3A_760 = arith.index_cast %add3A_759 : i32 to index
        %get3A_761 = arith.constant 0 : index
        %get3A_762 = tpu.vector_load %arg14[%get3A_760, %get3A_761] {strides = array<i32>} : memref<512x16xf32, #tpu.memory_space<vmem>>, vector<16xf32>,
        tpu.vector_store_idx %arg15[%iota3A, %broadcast_in_dim3A_221, %add3A_435], %get3A_762 masked %lt3A_4 : memref<3x16x64xf32, #tpu.memory_space<vmem>>[vector<16xi32>, vector<16xi32>, vector<16xi32>], vector<16xf32>, vector<16xi1>
        %add3A_763 = arith.constant 13 : i32
        %add3A_764 = arith.addi %mul3A_437, %add3A_763 : i32
        %get3A_765 = arith.index_cast %add3A_764 : i32 to index
        %get3A_766 = arith.constant 0 : index
        %get3A_767 = tpu.vector_load %arg16[%get3A_765, %get3A_766] {strides = array<i32>} : memref<512x64xf32, #tpu.memory_space<vmem>>, vector<16xf32>,
        tpu.vector_store_idx %arg17[%add3A_163, %add3A_435], %get3A_767 : memref<1024x64xf32, #tpu.memory_space<vmem>>[vector<16xi32>, vector<16xi32>], vector<16xf32>,
        %add3A_768 = arith.constant 13 : i32
        %add3A_769 = arith.addi %mul3A_437, %add3A_768 : i32
        %get3A_770 = arith.index_cast %add3A_769 : i32 to index
        %get3A_771 = arith.constant 16 : index
        %get3A_772 = tpu.vector_load %arg16[%get3A_770, %get3A_771] {strides = array<i32>} : memref<512x64xf32, #tpu.memory_space<vmem>>, vector<16xf32>,
        tpu.vector_store_idx %arg17[%add3A_166, %add3A_435], %get3A_772 : memref<1024x64xf32, #tpu.memory_space<vmem>>[vector<16xi32>, vector<16xi32>], vector<16xf32>,
        %add3A_773 = arith.constant 13 : i32
        %add3A_774 = arith.addi %mul3A_437, %add3A_773 : i32
        %get3A_775 = arith.index_cast %add3A_774 : i32 to index
        %get3A_776 = arith.constant 32 : index
        %get3A_777 = tpu.vector_load %arg16[%get3A_775, %get3A_776] {strides = array<i32>} : memref<512x64xf32, #tpu.memory_space<vmem>>, vector<16xf32>,
        tpu.vector_store_idx %arg17[%add3A_169, %add3A_435], %get3A_777 : memref<1024x64xf32, #tpu.memory_space<vmem>>[vector<16xi32>, vector<16xi32>], vector<16xf32>,
        %add3A_778 = arith.constant 13 : i32
        %add3A_779 = arith.addi %mul3A_437, %add3A_778 : i32
        %get3A_780 = arith.index_cast %add3A_779 : i32 to index
        %get3A_781 = arith.constant 48 : index
        %get3A_782 = tpu.vector_load %arg16[%get3A_780, %get3A_781] {strides = array<i32>} : memref<512x64xf32, #tpu.memory_space<vmem>>, vector<16xf32>,
        tpu.vector_store_idx %arg17[%add3A_172, %add3A_435], %get3A_782 : memref<1024x64xf32, #tpu.memory_space<vmem>>[vector<16xi32>, vector<16xi32>], vector<16xf32>,
        %add3A_783 = arith.constant 13 : i32
        %add3A_784 = arith.addi %mul3A_437, %add3A_783 : i32
        %get3A_785 = arith.index_cast %add3A_784 : i32 to index
        %get3A_786 = arith.constant 0 : index
        %get3A_787 = tpu.vector_load %arg14[%get3A_785, %get3A_786] {strides = array<i32>} : memref<512x16xf32, #tpu.memory_space<vmem>>, vector<16xf32>,
        tpu.vector_store_idx %arg15[%iota3A, %broadcast_in_dim3A_223, %add3A_435], %get3A_787 masked %lt3A_4 : memref<3x16x64xf32, #tpu.memory_space<vmem>>[vector<16xi32>, vector<16xi32>, vector<16xi32>], vector<16xf32>, vector<16xi1>
        %add3A_788 = arith.constant 14 : i32
        %add3A_789 = arith.addi %mul3A_437, %add3A_788 : i32
        %get3A_790 = arith.index_cast %add3A_789 : i32 to index
        %get3A_791 = arith.constant 0 : index
        %get3A_792 = tpu.vector_load %arg16[%get3A_790, %get3A_791] {strides = array<i32>} : memref<512x64xf32, #tpu.memory_space<vmem>>, vector<16xf32>,
        tpu.vector_store_idx %arg17[%add3A_175, %add3A_435], %get3A_792 : memref<1024x64xf32, #tpu.memory_space<vmem>>[vector<16xi32>, vector<16xi32>], vector<16xf32>,
        %add3A_793 = arith.constant 14 : i32
        %add3A_794 = arith.addi %mul3A_437, %add3A_793 : i32
        %get3A_795 = arith.index_cast %add3A_794 : i32 to index
        %get3A_796 = arith.constant 16 : index
        %get3A_797 = tpu.vector_load %arg16[%get3A_795, %get3A_796] {strides = array<i32>} : memref<512x64xf32, #tpu.memory_space<vmem>>, vector<16xf32>,
        tpu.vector_store_idx %arg17[%add3A_178, %add3A_435], %get3A_797 : memref<1024x64xf32, #tpu.memory_space<vmem>>[vector<16xi32>, vector<16xi32>], vector<16xf32>,
        %add3A_798 = arith.constant 14 : i32
        %add3A_799 = arith.addi %mul3A_437, %add3A_798 : i32
        %get3A_800 = arith.index_cast %add3A_799 : i32 to index
        %get3A_801 = arith.constant 32 : index
        %get3A_802 = tpu.vector_load %arg16[%get3A_800, %get3A_801] {strides = array<i32>} : memref<512x64xf32, #tpu.memory_space<vmem>>, vector<16xf32>,
        tpu.vector_store_idx %arg17[%add3A_181, %add3A_435], %get3A_802 : memref<1024x64xf32, #tpu.memory_space<vmem>>[vector<16xi32>, vector<16xi32>], vector<16xf32>,
        %add3A_803 = arith.constant 14 : i32
        %add3A_804 = arith.addi %mul3A_437, %add3A_803 : i32
        %get3A_805 = arith.index_cast %add3A_804 : i32 to index
        %get3A_806 = arith.constant 48 : index
        %get3A_807 = tpu.vector_load %arg16[%get3A_805, %get3A_806] {strides = array<i32>} : memref<512x64xf32, #tpu.memory_space<vmem>>, vector<16xf32>,
        tpu.vector_store_idx %arg17[%add3A_184, %add3A_435], %get3A_807 : memref<1024x64xf32, #tpu.memory_space<vmem>>[vector<16xi32>, vector<16xi32>], vector<16xf32>,
        %add3A_808 = arith.constant 14 : i32
        %add3A_809 = arith.addi %mul3A_437, %add3A_808 : i32
        %get3A_810 = arith.index_cast %add3A_809 : i32 to index
        %get3A_811 = arith.constant 0 : index
        %get3A_812 = tpu.vector_load %arg14[%get3A_810, %get3A_811] {strides = array<i32>} : memref<512x16xf32, #tpu.memory_space<vmem>>, vector<16xf32>,
        tpu.vector_store_idx %arg15[%iota3A, %broadcast_in_dim3A_225, %add3A_435], %get3A_812 masked %lt3A_4 : memref<3x16x64xf32, #tpu.memory_space<vmem>>[vector<16xi32>, vector<16xi32>, vector<16xi32>], vector<16xf32>, vector<16xi1>
        %add3A_813 = arith.constant 15 : i32
        %add3A_814 = arith.addi %mul3A_437, %add3A_813 : i32
        %get3A_815 = arith.index_cast %add3A_814 : i32 to index
        %get3A_816 = arith.constant 0 : index
        %get3A_817 = tpu.vector_load %arg16[%get3A_815, %get3A_816] {strides = array<i32>} : memref<512x64xf32, #tpu.memory_space<vmem>>, vector<16xf32>,
        tpu.vector_store_idx %arg17[%add3A_187, %add3A_435], %get3A_817 : memref<1024x64xf32, #tpu.memory_space<vmem>>[vector<16xi32>, vector<16xi32>], vector<16xf32>,
        %add3A_818 = arith.constant 15 : i32
        %add3A_819 = arith.addi %mul3A_437, %add3A_818 : i32
        %get3A_820 = arith.index_cast %add3A_819 : i32 to index
        %get3A_821 = arith.constant 16 : index
        %get3A_822 = tpu.vector_load %arg16[%get3A_820, %get3A_821] {strides = array<i32>} : memref<512x64xf32, #tpu.memory_space<vmem>>, vector<16xf32>,
        tpu.vector_store_idx %arg17[%add3A_190, %add3A_435], %get3A_822 : memref<1024x64xf32, #tpu.memory_space<vmem>>[vector<16xi32>, vector<16xi32>], vector<16xf32>,
        %add3A_823 = arith.constant 15 : i32
        %add3A_824 = arith.addi %mul3A_437, %add3A_823 : i32
        %get3A_825 = arith.index_cast %add3A_824 : i32 to index
        %get3A_826 = arith.constant 32 : index
        %get3A_827 = tpu.vector_load %arg16[%get3A_825, %get3A_826] {strides = array<i32>} : memref<512x64xf32, #tpu.memory_space<vmem>>, vector<16xf32>,
        tpu.vector_store_idx %arg17[%add3A_193, %add3A_435], %get3A_827 : memref<1024x64xf32, #tpu.memory_space<vmem>>[vector<16xi32>, vector<16xi32>], vector<16xf32>,
        %add3A_828 = arith.constant 15 : i32
        %add3A_829 = arith.addi %mul3A_437, %add3A_828 : i32
        %get3A_830 = arith.index_cast %add3A_829 : i32 to index
        %get3A_831 = arith.constant 48 : index
        %get3A_832 = tpu.vector_load %arg16[%get3A_830, %get3A_831] {strides = array<i32>} : memref<512x64xf32, #tpu.memory_space<vmem>>, vector<16xf32>,
        tpu.vector_store_idx %arg17[%add3A_196, %add3A_435], %get3A_832 : memref<1024x64xf32, #tpu.memory_space<vmem>>[vector<16xi32>, vector<16xi32>], vector<16xf32>,
        %add3A_833 = arith.constant 15 : i32
        %add3A_834 = arith.addi %mul3A_437, %add3A_833 : i32
        %get3A_835 = arith.index_cast %add3A_834 : i32 to index
        %get3A_836 = arith.constant 0 : index
        %get3A_837 = tpu.vector_load %arg14[%get3A_835, %get3A_836] {strides = array<i32>} : memref<512x16xf32, #tpu.memory_space<vmem>>, vector<16xf32>,
        tpu.vector_store_idx %arg15[%iota3A, %broadcast_in_dim3A_227, %add3A_435], %get3A_837 masked %lt3A_4 : memref<3x16x64xf32, #tpu.memory_space<vmem>>[vector<16xi32>, vector<16xi32>, vector<16xi32>], vector<16xf32>, vector<16xi1>
        %scan3A_838 = arith.constant 0 : i32
        scf.yield %scan3A_838 : i32
      }
      %scan3A_364 = arith.constant 32 : i32
      "tpu.region"() ({
        %run_scoped3A = tpu.sem_alloc : memref<!tpu.dma_semaphore, #tpu.memory_space<semaphore_mem>>
        %dma_start3A_430 = arith.constant 0 : i32
        %dma_start3A_431 = arith.constant 0 : i32
        %dma_start3A_432 = tpu.memref_slice %arg6[%scan3A_257, %dma_start3A_430, %dma_start3A_431] : memref<16x16x2048xi32, #tpu.memory_space<hbm>> -> memref<1x16x2048xi32, #tpu.memory_space<hbm>>
        %dma_start3A_433 = tpu.memref_squeeze %dma_start3A_432 : memref<1x16x2048xi32, #tpu.memory_space<hbm>> -> memref<16x2048xi32, #tpu.memory_space<hbm>>
        %dma_start3A_434 = arith.constant 0 : i32
        %dma_start3A_435 = tpu.memref_slice %dma_start3A_433[%dma_start3A_434, %mul3A_2] : memref<16x2048xi32, #tpu.memory_space<hbm>> -> memref<16x64xi32, #tpu.memory_space<hbm>>
        %dma_start3A_436 = arith.constant 0 : i32
        %dma_start3A_437 = arith.constant 0 : i32
        %dma_start3A_438 = tpu.memref_slice %arg6[%scan3A_257, %dma_start3A_436, %dma_start3A_437] : memref<16x16x2048xi32, #tpu.memory_space<hbm>> -> memref<1x16x2048xi32, #tpu.memory_space<hbm>>
        %dma_start3A_439 = tpu.memref_squeeze %dma_start3A_438 : memref<1x16x2048xi32, #tpu.memory_space<hbm>> -> memref<16x2048xi32, #tpu.memory_space<hbm>>
        %dma_start3A_440 = arith.constant 0 : i32
        %dma_start3A_441 = tpu.memref_slice %dma_start3A_439[%dma_start3A_440, %mul3A_2] : memref<16x2048xi32, #tpu.memory_space<hbm>> -> memref<16x64xi32, #tpu.memory_space<hbm>>
        tpu.enqueue_dma source(%arg13 : memref<16x64xi32, #tpu.memory_space<vmem>>) target(%dma_start3A_441 : memref<16x64xi32, #tpu.memory_space<hbm>>) target_semaphore(%run_scoped3A : memref<!tpu.dma_semaphore, #tpu.memory_space<semaphore_mem>>)
        %dma_wait3A_442 = arith.constant 0 : i32
        %dma_wait3A_443 = arith.constant 0 : i32
        %dma_wait3A_444 = tpu.memref_slice %arg6[%scan3A_257, %dma_wait3A_442, %dma_wait3A_443] : memref<16x16x2048xi32, #tpu.memory_space<hbm>> -> memref<1x16x2048xi32, #tpu.memory_space<hbm>>
        %dma_wait3A_445 = tpu.memref_squeeze %dma_wait3A_444 : memref<1x16x2048xi32, #tpu.memory_space<hbm>> -> memref<16x2048xi32, #tpu.memory_space<hbm>>
        %dma_wait3A_446 = arith.constant 0 : i32
        %dma_wait3A_447 = tpu.memref_slice %dma_wait3A_445[%dma_wait3A_446, %mul3A_2] : memref<16x2048xi32, #tpu.memory_space<hbm>> -> memref<16x64xi32, #tpu.memory_space<hbm>>
        %dma_wait3A_448 = arith.constant 0 : i32
        %dma_wait3A_449 = arith.constant 0 : i32
        %dma_wait3A_450 = tpu.memref_slice %arg6[%scan3A_257, %dma_wait3A_448, %dma_wait3A_449] : memref<16x16x2048xi32, #tpu.memory_space<hbm>> -> memref<1x16x2048xi32, #tpu.memory_space<hbm>>
        %dma_wait3A_451 = tpu.memref_squeeze %dma_wait3A_450 : memref<1x16x2048xi32, #tpu.memory_space<hbm>> -> memref<16x2048xi32, #tpu.memory_space<hbm>>
        %dma_wait3A_452 = arith.constant 0 : i32
        %dma_wait3A_453 = tpu.memref_slice %dma_wait3A_451[%dma_wait3A_452, %mul3A_2] : memref<16x2048xi32, #tpu.memory_space<hbm>> -> memref<16x64xi32, #tpu.memory_space<hbm>>
        tpu.wait_dma2 semaphore(%run_scoped3A : memref<!tpu.dma_semaphore, #tpu.memory_space<semaphore_mem>>) src(%arg13 : memref<16x64xi32, #tpu.memory_space<vmem>>) dst(%dma_wait3A_453 : memref<16x64xi32, #tpu.memory_space<hbm>>)
        tpu.yield
      }) : () -> ()
      %mul3A_365 = arith.constant 16 : i32
      %mul3A_366 = arith.muli %scan3A_257, %mul3A_365 : i32
      %add3A_367 = arith.constant 0 : i32
      %add3A_368 = arith.addi %mul3A_366, %add3A_367 : i32
      "tpu.region"() ({
        %run_scoped3A = tpu.sem_alloc : memref<!tpu.dma_semaphore, #tpu.memory_space<semaphore_mem>>
        %dma_start3A_430 = arith.constant 0 : i32
        %dma_start3A_431 = arith.constant 0 : i32
        %dma_start3A_432 = tpu.memref_slice %arg17[%dma_start3A_430, %dma_start3A_431] : memref<1024x64xf32, #tpu.memory_space<vmem>> -> memref<64x64xf32, #tpu.memory_space<vmem>>
        %dma_start3A_433 = arith.constant 0 : i32
        %dma_start3A_434 = arith.constant 0 : i32
        %dma_start3A_435 = tpu.memref_slice %arg8[%add3A_368, %dma_start3A_433, %dma_start3A_434] : memref<256x64x2048xf32, #tpu.memory_space<hbm>> -> memref<1x64x2048xf32, #tpu.memory_space<hbm>>
        %dma_start3A_436 = tpu.memref_squeeze %dma_start3A_435 : memref<1x64x2048xf32, #tpu.memory_space<hbm>> -> memref<64x2048xf32, #tpu.memory_space<hbm>>
        %dma_start3A_437 = arith.constant 0 : i32
        %dma_start3A_438 = tpu.memref_slice %dma_start3A_436[%dma_start3A_437, %mul3A_2] : memref<64x2048xf32, #tpu.memory_space<hbm>> -> memref<64x64xf32, #tpu.memory_space<hbm>>
        %dma_start3A_439 = arith.constant 0 : i32
        %dma_start3A_440 = arith.constant 0 : i32
        %dma_start3A_441 = tpu.memref_slice %arg8[%add3A_368, %dma_start3A_439, %dma_start3A_440] : memref<256x64x2048xf32, #tpu.memory_space<hbm>> -> memref<1x64x2048xf32, #tpu.memory_space<hbm>>
        %dma_start3A_442 = tpu.memref_squeeze %dma_start3A_441 : memref<1x64x2048xf32, #tpu.memory_space<hbm>> -> memref<64x2048xf32, #tpu.memory_space<hbm>>
        %dma_start3A_443 = arith.constant 0 : i32
        %dma_start3A_444 = tpu.memref_slice %dma_start3A_442[%dma_start3A_443, %mul3A_2] : memref<64x2048xf32, #tpu.memory_space<hbm>> -> memref<64x64xf32, #tpu.memory_space<hbm>>
        %dma_start3A_445 = arith.constant 0 : i32
        %dma_start3A_446 = arith.constant 0 : i32
        %dma_start3A_447 = tpu.memref_slice %arg17[%dma_start3A_445, %dma_start3A_446] : memref<1024x64xf32, #tpu.memory_space<vmem>> -> memref<64x64xf32, #tpu.memory_space<vmem>>
        tpu.enqueue_dma source(%dma_start3A_447 : memref<64x64xf32, #tpu.memory_space<vmem>>) target(%dma_start3A_444 : memref<64x64xf32, #tpu.memory_space<hbm>>) target_semaphore(%run_scoped3A : memref<!tpu.dma_semaphore, #tpu.memory_space<semaphore_mem>>)
        %dma_wait3A_448 = arith.constant 0 : i32
        %dma_wait3A_449 = arith.constant 0 : i32
        %dma_wait3A_450 = tpu.memref_slice %arg17[%dma_wait3A_448, %dma_wait3A_449] : memref<1024x64xf32, #tpu.memory_space<vmem>> -> memref<64x64xf32, #tpu.memory_space<vmem>>
        %dma_wait3A_451 = arith.constant 0 : i32
        %dma_wait3A_452 = arith.constant 0 : i32
        %dma_wait3A_453 = tpu.memref_slice %arg8[%add3A_368, %dma_wait3A_451, %dma_wait3A_452] : memref<256x64x2048xf32, #tpu.memory_space<hbm>> -> memref<1x64x2048xf32, #tpu.memory_space<hbm>>
        %dma_wait3A_454 = tpu.memref_squeeze %dma_wait3A_453 : memref<1x64x2048xf32, #tpu.memory_space<hbm>> -> memref<64x2048xf32, #tpu.memory_space<hbm>>
        %dma_wait3A_455 = arith.constant 0 : i32
        %dma_wait3A_456 = tpu.memref_slice %dma_wait3A_454[%dma_wait3A_455, %mul3A_2] : memref<64x2048xf32, #tpu.memory_space<hbm>> -> memref<64x64xf32, #tpu.memory_space<hbm>>
        %dma_wait3A_457 = arith.constant 0 : i32
        %dma_wait3A_458 = arith.constant 0 : i32
        %dma_wait3A_459 = tpu.memref_slice %arg8[%add3A_368, %dma_wait3A_457, %dma_wait3A_458] : memref<256x64x2048xf32, #tpu.memory_space<hbm>> -> memref<1x64x2048xf32, #tpu.memory_space<hbm>>
        %dma_wait3A_460 = tpu.memref_squeeze %dma_wait3A_459 : memref<1x64x2048xf32, #tpu.memory_space<hbm>> -> memref<64x2048xf32, #tpu.memory_space<hbm>>
        %dma_wait3A_461 = arith.constant 0 : i32
        %dma_wait3A_462 = tpu.memref_slice %dma_wait3A_460[%dma_wait3A_461, %mul3A_2] : memref<64x2048xf32, #tpu.memory_space<hbm>> -> memref<64x64xf32, #tpu.memory_space<hbm>>
        %dma_wait3A_463 = arith.constant 0 : i32
        %dma_wait3A_464 = arith.constant 0 : i32
        %dma_wait3A_465 = tpu.memref_slice %arg17[%dma_wait3A_463, %dma_wait3A_464] : memref<1024x64xf32, #tpu.memory_space<vmem>> -> memref<64x64xf32, #tpu.memory_space<vmem>>
        tpu.wait_dma2 semaphore(%run_scoped3A : memref<!tpu.dma_semaphore, #tpu.memory_space<semaphore_mem>>) src(%dma_wait3A_465 : memref<64x64xf32, #tpu.memory_space<vmem>>) dst(%dma_wait3A_462 : memref<64x64xf32, #tpu.memory_space<hbm>>)
        tpu.yield
      }) : () -> ()
      %mul3A_369 = arith.constant 16 : i32
      %mul3A_370 = arith.muli %scan3A_257, %mul3A_369 : i32
      %add3A_371 = arith.constant 1 : i32
      %add3A_372 = arith.addi %mul3A_370, %add3A_371 : i32
      "tpu.region"() ({
        %run_scoped3A = tpu.sem_alloc : memref<!tpu.dma_semaphore, #tpu.memory_space<semaphore_mem>>
        %dma_start3A_430 = arith.constant 64 : i32
        %dma_start3A_431 = arith.constant 0 : i32
        %dma_start3A_432 = tpu.memref_slice %arg17[%dma_start3A_430, %dma_start3A_431] : memref<1024x64xf32, #tpu.memory_space<vmem>> -> memref<64x64xf32, #tpu.memory_space<vmem>>
        %dma_start3A_433 = arith.constant 0 : i32
        %dma_start3A_434 = arith.constant 0 : i32
        %dma_start3A_435 = tpu.memref_slice %arg8[%add3A_372, %dma_start3A_433, %dma_start3A_434] : memref<256x64x2048xf32, #tpu.memory_space<hbm>> -> memref<1x64x2048xf32, #tpu.memory_space<hbm>>
        %dma_start3A_436 = tpu.memref_squeeze %dma_start3A_435 : memref<1x64x2048xf32, #tpu.memory_space<hbm>> -> memref<64x2048xf32, #tpu.memory_space<hbm>>
        %dma_start3A_437 = arith.constant 0 : i32
        %dma_start3A_438 = tpu.memref_slice %dma_start3A_436[%dma_start3A_437, %mul3A_2] : memref<64x2048xf32, #tpu.memory_space<hbm>> -> memref<64x64xf32, #tpu.memory_space<hbm>>
        %dma_start3A_439 = arith.constant 0 : i32
        %dma_start3A_440 = arith.constant 0 : i32
        %dma_start3A_441 = tpu.memref_slice %arg8[%add3A_372, %dma_start3A_439, %dma_start3A_440] : memref<256x64x2048xf32, #tpu.memory_space<hbm>> -> memref<1x64x2048xf32, #tpu.memory_space<hbm>>
        %dma_start3A_442 = tpu.memref_squeeze %dma_start3A_441 : memref<1x64x2048xf32, #tpu.memory_space<hbm>> -> memref<64x2048xf32, #tpu.memory_space<hbm>>
        %dma_start3A_443 = arith.constant 0 : i32
        %dma_start3A_444 = tpu.memref_slice %dma_start3A_442[%dma_start3A_443, %mul3A_2] : memref<64x2048xf32, #tpu.memory_space<hbm>> -> memref<64x64xf32, #tpu.memory_space<hbm>>
        %dma_start3A_445 = arith.constant 64 : i32
        %dma_start3A_446 = arith.constant 0 : i32
        %dma_start3A_447 = tpu.memref_slice %arg17[%dma_start3A_445, %dma_start3A_446] : memref<1024x64xf32, #tpu.memory_space<vmem>> -> memref<64x64xf32, #tpu.memory_space<vmem>>
        tpu.enqueue_dma source(%dma_start3A_447 : memref<64x64xf32, #tpu.memory_space<vmem>>) target(%dma_start3A_444 : memref<64x64xf32, #tpu.memory_space<hbm>>) target_semaphore(%run_scoped3A : memref<!tpu.dma_semaphore, #tpu.memory_space<semaphore_mem>>)
        %dma_wait3A_448 = arith.constant 64 : i32
        %dma_wait3A_449 = arith.constant 0 : i32
        %dma_wait3A_450 = tpu.memref_slice %arg17[%dma_wait3A_448, %dma_wait3A_449] : memref<1024x64xf32, #tpu.memory_space<vmem>> -> memref<64x64xf32, #tpu.memory_space<vmem>>
        %dma_wait3A_451 = arith.constant 0 : i32
        %dma_wait3A_452 = arith.constant 0 : i32
        %dma_wait3A_453 = tpu.memref_slice %arg8[%add3A_372, %dma_wait3A_451, %dma_wait3A_452] : memref<256x64x2048xf32, #tpu.memory_space<hbm>> -> memref<1x64x2048xf32, #tpu.memory_space<hbm>>
        %dma_wait3A_454 = tpu.memref_squeeze %dma_wait3A_453 : memref<1x64x2048xf32, #tpu.memory_space<hbm>> -> memref<64x2048xf32, #tpu.memory_space<hbm>>
        %dma_wait3A_455 = arith.constant 0 : i32
        %dma_wait3A_456 = tpu.memref_slice %dma_wait3A_454[%dma_wait3A_455, %mul3A_2] : memref<64x2048xf32, #tpu.memory_space<hbm>> -> memref<64x64xf32, #tpu.memory_space<hbm>>
        %dma_wait3A_457 = arith.constant 0 : i32
        %dma_wait3A_458 = arith.constant 0 : i32
        %dma_wait3A_459 = tpu.memref_slice %arg8[%add3A_372, %dma_wait3A_457, %dma_wait3A_458] : memref<256x64x2048xf32, #tpu.memory_space<hbm>> -> memref<1x64x2048xf32, #tpu.memory_space<hbm>>
        %dma_wait3A_460 = tpu.memref_squeeze %dma_wait3A_459 : memref<1x64x2048xf32, #tpu.memory_space<hbm>> -> memref<64x2048xf32, #tpu.memory_space<hbm>>
        %dma_wait3A_461 = arith.constant 0 : i32
        %dma_wait3A_462 = tpu.memref_slice %dma_wait3A_460[%dma_wait3A_461, %mul3A_2] : memref<64x2048xf32, #tpu.memory_space<hbm>> -> memref<64x64xf32, #tpu.memory_space<hbm>>
        %dma_wait3A_463 = arith.constant 64 : i32
        %dma_wait3A_464 = arith.constant 0 : i32
        %dma_wait3A_465 = tpu.memref_slice %arg17[%dma_wait3A_463, %dma_wait3A_464] : memref<1024x64xf32, #tpu.memory_space<vmem>> -> memref<64x64xf32, #tpu.memory_space<vmem>>
        tpu.wait_dma2 semaphore(%run_scoped3A : memref<!tpu.dma_semaphore, #tpu.memory_space<semaphore_mem>>) src(%dma_wait3A_465 : memref<64x64xf32, #tpu.memory_space<vmem>>) dst(%dma_wait3A_462 : memref<64x64xf32, #tpu.memory_space<hbm>>)
        tpu.yield
      }) : () -> ()
      %mul3A_373 = arith.constant 16 : i32
      %mul3A_374 = arith.muli %scan3A_257, %mul3A_373 : i32
      %add3A_375 = arith.constant 2 : i32
      %add3A_376 = arith.addi %mul3A_374, %add3A_375 : i32
      "tpu.region"() ({
        %run_scoped3A = tpu.sem_alloc : memref<!tpu.dma_semaphore, #tpu.memory_space<semaphore_mem>>
        %dma_start3A_430 = arith.constant 128 : i32
        %dma_start3A_431 = arith.constant 0 : i32
        %dma_start3A_432 = tpu.memref_slice %arg17[%dma_start3A_430, %dma_start3A_431] : memref<1024x64xf32, #tpu.memory_space<vmem>> -> memref<64x64xf32, #tpu.memory_space<vmem>>
        %dma_start3A_433 = arith.constant 0 : i32
        %dma_start3A_434 = arith.constant 0 : i32
        %dma_start3A_435 = tpu.memref_slice %arg8[%add3A_376, %dma_start3A_433, %dma_start3A_434] : memref<256x64x2048xf32, #tpu.memory_space<hbm>> -> memref<1x64x2048xf32, #tpu.memory_space<hbm>>
        %dma_start3A_436 = tpu.memref_squeeze %dma_start3A_435 : memref<1x64x2048xf32, #tpu.memory_space<hbm>> -> memref<64x2048xf32, #tpu.memory_space<hbm>>
        %dma_start3A_437 = arith.constant 0 : i32
        %dma_start3A_438 = tpu.memref_slice %dma_start3A_436[%dma_start3A_437, %mul3A_2] : memref<64x2048xf32, #tpu.memory_space<hbm>> -> memref<64x64xf32, #tpu.memory_space<hbm>>
        %dma_start3A_439 = arith.constant 0 : i32
        %dma_start3A_440 = arith.constant 0 : i32
        %dma_start3A_441 = tpu.memref_slice %arg8[%add3A_376, %dma_start3A_439, %dma_start3A_440] : memref<256x64x2048xf32, #tpu.memory_space<hbm>> -> memref<1x64x2048xf32, #tpu.memory_space<hbm>>
        %dma_start3A_442 = tpu.memref_squeeze %dma_start3A_441 : memref<1x64x2048xf32, #tpu.memory_space<hbm>> -> memref<64x2048xf32, #tpu.memory_space<hbm>>
        %dma_start3A_443 = arith.constant 0 : i32
        %dma_start3A_444 = tpu.memref_slice %dma_start3A_442[%dma_start3A_443, %mul3A_2] : memref<64x2048xf32, #tpu.memory_space<hbm>> -> memref<64x64xf32, #tpu.memory_space<hbm>>
        %dma_start3A_445 = arith.constant 128 : i32
        %dma_start3A_446 = arith.constant 0 : i32
        %dma_start3A_447 = tpu.memref_slice %arg17[%dma_start3A_445, %dma_start3A_446] : memref<1024x64xf32, #tpu.memory_space<vmem>> -> memref<64x64xf32, #tpu.memory_space<vmem>>
        tpu.enqueue_dma source(%dma_start3A_447 : memref<64x64xf32, #tpu.memory_space<vmem>>) target(%dma_start3A_444 : memref<64x64xf32, #tpu.memory_space<hbm>>) target_semaphore(%run_scoped3A : memref<!tpu.dma_semaphore, #tpu.memory_space<semaphore_mem>>)
        %dma_wait3A_448 = arith.constant 128 : i32
        %dma_wait3A_449 = arith.constant 0 : i32
        %dma_wait3A_450 = tpu.memref_slice %arg17[%dma_wait3A_448, %dma_wait3A_449] : memref<1024x64xf32, #tpu.memory_space<vmem>> -> memref<64x64xf32, #tpu.memory_space<vmem>>
        %dma_wait3A_451 = arith.constant 0 : i32
        %dma_wait3A_452 = arith.constant 0 : i32
        %dma_wait3A_453 = tpu.memref_slice %arg8[%add3A_376, %dma_wait3A_451, %dma_wait3A_452] : memref<256x64x2048xf32, #tpu.memory_space<hbm>> -> memref<1x64x2048xf32, #tpu.memory_space<hbm>>
        %dma_wait3A_454 = tpu.memref_squeeze %dma_wait3A_453 : memref<1x64x2048xf32, #tpu.memory_space<hbm>> -> memref<64x2048xf32, #tpu.memory_space<hbm>>
        %dma_wait3A_455 = arith.constant 0 : i32
        %dma_wait3A_456 = tpu.memref_slice %dma_wait3A_454[%dma_wait3A_455, %mul3A_2] : memref<64x2048xf32, #tpu.memory_space<hbm>> -> memref<64x64xf32, #tpu.memory_space<hbm>>
        %dma_wait3A_457 = arith.constant 0 : i32
        %dma_wait3A_458 = arith.constant 0 : i32
        %dma_wait3A_459 = tpu.memref_slice %arg8[%add3A_376, %dma_wait3A_457, %dma_wait3A_458] : memref<256x64x2048xf32, #tpu.memory_space<hbm>> -> memref<1x64x2048xf32, #tpu.memory_space<hbm>>
        %dma_wait3A_460 = tpu.memref_squeeze %dma_wait3A_459 : memref<1x64x2048xf32, #tpu.memory_space<hbm>> -> memref<64x2048xf32, #tpu.memory_space<hbm>>
        %dma_wait3A_461 = arith.constant 0 : i32
        %dma_wait3A_462 = tpu.memref_slice %dma_wait3A_460[%dma_wait3A_461, %mul3A_2] : memref<64x2048xf32, #tpu.memory_space<hbm>> -> memref<64x64xf32, #tpu.memory_space<hbm>>
        %dma_wait3A_463 = arith.constant 128 : i32
        %dma_wait3A_464 = arith.constant 0 : i32
        %dma_wait3A_465 = tpu.memref_slice %arg17[%dma_wait3A_463, %dma_wait3A_464] : memref<1024x64xf32, #tpu.memory_space<vmem>> -> memref<64x64xf32, #tpu.memory_space<vmem>>
        tpu.wait_dma2 semaphore(%run_scoped3A : memref<!tpu.dma_semaphore, #tpu.memory_space<semaphore_mem>>) src(%dma_wait3A_465 : memref<64x64xf32, #tpu.memory_space<vmem>>) dst(%dma_wait3A_462 : memref<64x64xf32, #tpu.memory_space<hbm>>)
        tpu.yield
      }) : () -> ()
      %mul3A_377 = arith.constant 16 : i32
      %mul3A_378 = arith.muli %scan3A_257, %mul3A_377 : i32
      %add3A_379 = arith.constant 3 : i32
      %add3A_380 = arith.addi %mul3A_378, %add3A_379 : i32
      "tpu.region"() ({
        %run_scoped3A = tpu.sem_alloc : memref<!tpu.dma_semaphore, #tpu.memory_space<semaphore_mem>>
        %dma_start3A_430 = arith.constant 192 : i32
        %dma_start3A_431 = arith.constant 0 : i32
        %dma_start3A_432 = tpu.memref_slice %arg17[%dma_start3A_430, %dma_start3A_431] : memref<1024x64xf32, #tpu.memory_space<vmem>> -> memref<64x64xf32, #tpu.memory_space<vmem>>
        %dma_start3A_433 = arith.constant 0 : i32
        %dma_start3A_434 = arith.constant 0 : i32
        %dma_start3A_435 = tpu.memref_slice %arg8[%add3A_380, %dma_start3A_433, %dma_start3A_434] : memref<256x64x2048xf32, #tpu.memory_space<hbm>> -> memref<1x64x2048xf32, #tpu.memory_space<hbm>>
        %dma_start3A_436 = tpu.memref_squeeze %dma_start3A_435 : memref<1x64x2048xf32, #tpu.memory_space<hbm>> -> memref<64x2048xf32, #tpu.memory_space<hbm>>
        %dma_start3A_437 = arith.constant 0 : i32
        %dma_start3A_438 = tpu.memref_slice %dma_start3A_436[%dma_start3A_437, %mul3A_2] : memref<64x2048xf32, #tpu.memory_space<hbm>> -> memref<64x64xf32, #tpu.memory_space<hbm>>
        %dma_start3A_439 = arith.constant 0 : i32
        %dma_start3A_440 = arith.constant 0 : i32
        %dma_start3A_441 = tpu.memref_slice %arg8[%add3A_380, %dma_start3A_439, %dma_start3A_440] : memref<256x64x2048xf32, #tpu.memory_space<hbm>> -> memref<1x64x2048xf32, #tpu.memory_space<hbm>>
        %dma_start3A_442 = tpu.memref_squeeze %dma_start3A_441 : memref<1x64x2048xf32, #tpu.memory_space<hbm>> -> memref<64x2048xf32, #tpu.memory_space<hbm>>
        %dma_start3A_443 = arith.constant 0 : i32
        %dma_start3A_444 = tpu.memref_slice %dma_start3A_442[%dma_start3A_443, %mul3A_2] : memref<64x2048xf32, #tpu.memory_space<hbm>> -> memref<64x64xf32, #tpu.memory_space<hbm>>
        %dma_start3A_445 = arith.constant 192 : i32
        %dma_start3A_446 = arith.constant 0 : i32
        %dma_start3A_447 = tpu.memref_slice %arg17[%dma_start3A_445, %dma_start3A_446] : memref<1024x64xf32, #tpu.memory_space<vmem>> -> memref<64x64xf32, #tpu.memory_space<vmem>>
        tpu.enqueue_dma source(%dma_start3A_447 : memref<64x64xf32, #tpu.memory_space<vmem>>) target(%dma_start3A_444 : memref<64x64xf32, #tpu.memory_space<hbm>>) target_semaphore(%run_scoped3A : memref<!tpu.dma_semaphore, #tpu.memory_space<semaphore_mem>>)
        %dma_wait3A_448 = arith.constant 192 : i32
        %dma_wait3A_449 = arith.constant 0 : i32
        %dma_wait3A_450 = tpu.memref_slice %arg17[%dma_wait3A_448, %dma_wait3A_449] : memref<1024x64xf32, #tpu.memory_space<vmem>> -> memref<64x64xf32, #tpu.memory_space<vmem>>
        %dma_wait3A_451 = arith.constant 0 : i32
        %dma_wait3A_452 = arith.constant 0 : i32
        %dma_wait3A_453 = tpu.memref_slice %arg8[%add3A_380, %dma_wait3A_451, %dma_wait3A_452] : memref<256x64x2048xf32, #tpu.memory_space<hbm>> -> memref<1x64x2048xf32, #tpu.memory_space<hbm>>
        %dma_wait3A_454 = tpu.memref_squeeze %dma_wait3A_453 : memref<1x64x2048xf32, #tpu.memory_space<hbm>> -> memref<64x2048xf32, #tpu.memory_space<hbm>>
        %dma_wait3A_455 = arith.constant 0 : i32
        %dma_wait3A_456 = tpu.memref_slice %dma_wait3A_454[%dma_wait3A_455, %mul3A_2] : memref<64x2048xf32, #tpu.memory_space<hbm>> -> memref<64x64xf32, #tpu.memory_space<hbm>>
        %dma_wait3A_457 = arith.constant 0 : i32
        %dma_wait3A_458 = arith.constant 0 : i32
        %dma_wait3A_459 = tpu.memref_slice %arg8[%add3A_380, %dma_wait3A_457, %dma_wait3A_458] : memref<256x64x2048xf32, #tpu.memory_space<hbm>> -> memref<1x64x2048xf32, #tpu.memory_space<hbm>>
        %dma_wait3A_460 = tpu.memref_squeeze %dma_wait3A_459 : memref<1x64x2048xf32, #tpu.memory_space<hbm>> -> memref<64x2048xf32, #tpu.memory_space<hbm>>
        %dma_wait3A_461 = arith.constant 0 : i32
        %dma_wait3A_462 = tpu.memref_slice %dma_wait3A_460[%dma_wait3A_461, %mul3A_2] : memref<64x2048xf32, #tpu.memory_space<hbm>> -> memref<64x64xf32, #tpu.memory_space<hbm>>
        %dma_wait3A_463 = arith.constant 192 : i32
        %dma_wait3A_464 = arith.constant 0 : i32
        %dma_wait3A_465 = tpu.memref_slice %arg17[%dma_wait3A_463, %dma_wait3A_464] : memref<1024x64xf32, #tpu.memory_space<vmem>> -> memref<64x64xf32, #tpu.memory_space<vmem>>
        tpu.wait_dma2 semaphore(%run_scoped3A : memref<!tpu.dma_semaphore, #tpu.memory_space<semaphore_mem>>) src(%dma_wait3A_465 : memref<64x64xf32, #tpu.memory_space<vmem>>) dst(%dma_wait3A_462 : memref<64x64xf32, #tpu.memory_space<hbm>>)
        tpu.yield
      }) : () -> ()
      %mul3A_381 = arith.constant 16 : i32
      %mul3A_382 = arith.muli %scan3A_257, %mul3A_381 : i32
      %add3A_383 = arith.constant 4 : i32
      %add3A_384 = arith.addi %mul3A_382, %add3A_383 : i32
      "tpu.region"() ({
        %run_scoped3A = tpu.sem_alloc : memref<!tpu.dma_semaphore, #tpu.memory_space<semaphore_mem>>
        %dma_start3A_430 = arith.constant 256 : i32
        %dma_start3A_431 = arith.constant 0 : i32
        %dma_start3A_432 = tpu.memref_slice %arg17[%dma_start3A_430, %dma_start3A_431] : memref<1024x64xf32, #tpu.memory_space<vmem>> -> memref<64x64xf32, #tpu.memory_space<vmem>>
        %dma_start3A_433 = arith.constant 0 : i32
        %dma_start3A_434 = arith.constant 0 : i32
        %dma_start3A_435 = tpu.memref_slice %arg8[%add3A_384, %dma_start3A_433, %dma_start3A_434] : memref<256x64x2048xf32, #tpu.memory_space<hbm>> -> memref<1x64x2048xf32, #tpu.memory_space<hbm>>
        %dma_start3A_436 = tpu.memref_squeeze %dma_start3A_435 : memref<1x64x2048xf32, #tpu.memory_space<hbm>> -> memref<64x2048xf32, #tpu.memory_space<hbm>>
        %dma_start3A_437 = arith.constant 0 : i32
        %dma_start3A_438 = tpu.memref_slice %dma_start3A_436[%dma_start3A_437, %mul3A_2] : memref<64x2048xf32, #tpu.memory_space<hbm>> -> memref<64x64xf32, #tpu.memory_space<hbm>>
        %dma_start3A_439 = arith.constant 0 : i32
        %dma_start3A_440 = arith.constant 0 : i32
        %dma_start3A_441 = tpu.memref_slice %arg8[%add3A_384, %dma_start3A_439, %dma_start3A_440] : memref<256x64x2048xf32, #tpu.memory_space<hbm>> -> memref<1x64x2048xf32, #tpu.memory_space<hbm>>
        %dma_start3A_442 = tpu.memref_squeeze %dma_start3A_441 : memref<1x64x2048xf32, #tpu.memory_space<hbm>> -> memref<64x2048xf32, #tpu.memory_space<hbm>>
        %dma_start3A_443 = arith.constant 0 : i32
        %dma_start3A_444 = tpu.memref_slice %dma_start3A_442[%dma_start3A_443, %mul3A_2] : memref<64x2048xf32, #tpu.memory_space<hbm>> -> memref<64x64xf32, #tpu.memory_space<hbm>>
        %dma_start3A_445 = arith.constant 256 : i32
        %dma_start3A_446 = arith.constant 0 : i32
        %dma_start3A_447 = tpu.memref_slice %arg17[%dma_start3A_445, %dma_start3A_446] : memref<1024x64xf32, #tpu.memory_space<vmem>> -> memref<64x64xf32, #tpu.memory_space<vmem>>
        tpu.enqueue_dma source(%dma_start3A_447 : memref<64x64xf32, #tpu.memory_space<vmem>>) target(%dma_start3A_444 : memref<64x64xf32, #tpu.memory_space<hbm>>) target_semaphore(%run_scoped3A : memref<!tpu.dma_semaphore, #tpu.memory_space<semaphore_mem>>)
        %dma_wait3A_448 = arith.constant 256 : i32
        %dma_wait3A_449 = arith.constant 0 : i32
        %dma_wait3A_450 = tpu.memref_slice %arg17[%dma_wait3A_448, %dma_wait3A_449] : memref<1024x64xf32, #tpu.memory_space<vmem>> -> memref<64x64xf32, #tpu.memory_space<vmem>>
        %dma_wait3A_451 = arith.constant 0 : i32
        %dma_wait3A_452 = arith.constant 0 : i32
        %dma_wait3A_453 = tpu.memref_slice %arg8[%add3A_384, %dma_wait3A_451, %dma_wait3A_452] : memref<256x64x2048xf32, #tpu.memory_space<hbm>> -> memref<1x64x2048xf32, #tpu.memory_space<hbm>>
        %dma_wait3A_454 = tpu.memref_squeeze %dma_wait3A_453 : memref<1x64x2048xf32, #tpu.memory_space<hbm>> -> memref<64x2048xf32, #tpu.memory_space<hbm>>
        %dma_wait3A_455 = arith.constant 0 : i32
        %dma_wait3A_456 = tpu.memref_slice %dma_wait3A_454[%dma_wait3A_455, %mul3A_2] : memref<64x2048xf32, #tpu.memory_space<hbm>> -> memref<64x64xf32, #tpu.memory_space<hbm>>
        %dma_wait3A_457 = arith.constant 0 : i32
        %dma_wait3A_458 = arith.constant 0 : i32
        %dma_wait3A_459 = tpu.memref_slice %arg8[%add3A_384, %dma_wait3A_457, %dma_wait3A_458] : memref<256x64x2048xf32, #tpu.memory_space<hbm>> -> memref<1x64x2048xf32, #tpu.memory_space<hbm>>
        %dma_wait3A_460 = tpu.memref_squeeze %dma_wait3A_459 : memref<1x64x2048xf32, #tpu.memory_space<hbm>> -> memref<64x2048xf32, #tpu.memory_space<hbm>>
        %dma_wait3A_461 = arith.constant 0 : i32
        %dma_wait3A_462 = tpu.memref_slice %dma_wait3A_460[%dma_wait3A_461, %mul3A_2] : memref<64x2048xf32, #tpu.memory_space<hbm>> -> memref<64x64xf32, #tpu.memory_space<hbm>>
        %dma_wait3A_463 = arith.constant 256 : i32
        %dma_wait3A_464 = arith.constant 0 : i32
        %dma_wait3A_465 = tpu.memref_slice %arg17[%dma_wait3A_463, %dma_wait3A_464] : memref<1024x64xf32, #tpu.memory_space<vmem>> -> memref<64x64xf32, #tpu.memory_space<vmem>>
        tpu.wait_dma2 semaphore(%run_scoped3A : memref<!tpu.dma_semaphore, #tpu.memory_space<semaphore_mem>>) src(%dma_wait3A_465 : memref<64x64xf32, #tpu.memory_space<vmem>>) dst(%dma_wait3A_462 : memref<64x64xf32, #tpu.memory_space<hbm>>)
        tpu.yield
      }) : () -> ()
      %mul3A_385 = arith.constant 16 : i32
      %mul3A_386 = arith.muli %scan3A_257, %mul3A_385 : i32
      %add3A_387 = arith.constant 5 : i32
      %add3A_388 = arith.addi %mul3A_386, %add3A_387 : i32
      "tpu.region"() ({
        %run_scoped3A = tpu.sem_alloc : memref<!tpu.dma_semaphore, #tpu.memory_space<semaphore_mem>>
        %dma_start3A_430 = arith.constant 320 : i32
        %dma_start3A_431 = arith.constant 0 : i32
        %dma_start3A_432 = tpu.memref_slice %arg17[%dma_start3A_430, %dma_start3A_431] : memref<1024x64xf32, #tpu.memory_space<vmem>> -> memref<64x64xf32, #tpu.memory_space<vmem>>
        %dma_start3A_433 = arith.constant 0 : i32
        %dma_start3A_434 = arith.constant 0 : i32
        %dma_start3A_435 = tpu.memref_slice %arg8[%add3A_388, %dma_start3A_433, %dma_start3A_434] : memref<256x64x2048xf32, #tpu.memory_space<hbm>> -> memref<1x64x2048xf32, #tpu.memory_space<hbm>>
        %dma_start3A_436 = tpu.memref_squeeze %dma_start3A_435 : memref<1x64x2048xf32, #tpu.memory_space<hbm>> -> memref<64x2048xf32, #tpu.memory_space<hbm>>
        %dma_start3A_437 = arith.constant 0 : i32
        %dma_start3A_438 = tpu.memref_slice %dma_start3A_436[%dma_start3A_437, %mul3A_2] : memref<64x2048xf32, #tpu.memory_space<hbm>> -> memref<64x64xf32, #tpu.memory_space<hbm>>
        %dma_start3A_439 = arith.constant 0 : i32
        %dma_start3A_440 = arith.constant 0 : i32
        %dma_start3A_441 = tpu.memref_slice %arg8[%add3A_388, %dma_start3A_439, %dma_start3A_440] : memref<256x64x2048xf32, #tpu.memory_space<hbm>> -> memref<1x64x2048xf32, #tpu.memory_space<hbm>>
        %dma_start3A_442 = tpu.memref_squeeze %dma_start3A_441 : memref<1x64x2048xf32, #tpu.memory_space<hbm>> -> memref<64x2048xf32, #tpu.memory_space<hbm>>
        %dma_start3A_443 = arith.constant 0 : i32
        %dma_start3A_444 = tpu.memref_slice %dma_start3A_442[%dma_start3A_443, %mul3A_2] : memref<64x2048xf32, #tpu.memory_space<hbm>> -> memref<64x64xf32, #tpu.memory_space<hbm>>
        %dma_start3A_445 = arith.constant 320 : i32
        %dma_start3A_446 = arith.constant 0 : i32
        %dma_start3A_447 = tpu.memref_slice %arg17[%dma_start3A_445, %dma_start3A_446] : memref<1024x64xf32, #tpu.memory_space<vmem>> -> memref<64x64xf32, #tpu.memory_space<vmem>>
        tpu.enqueue_dma source(%dma_start3A_447 : memref<64x64xf32, #tpu.memory_space<vmem>>) target(%dma_start3A_444 : memref<64x64xf32, #tpu.memory_space<hbm>>) target_semaphore(%run_scoped3A : memref<!tpu.dma_semaphore, #tpu.memory_space<semaphore_mem>>)
        %dma_wait3A_448 = arith.constant 320 : i32
        %dma_wait3A_449 = arith.constant 0 : i32
        %dma_wait3A_450 = tpu.memref_slice %arg17[%dma_wait3A_448, %dma_wait3A_449] : memref<1024x64xf32, #tpu.memory_space<vmem>> -> memref<64x64xf32, #tpu.memory_space<vmem>>
        %dma_wait3A_451 = arith.constant 0 : i32
        %dma_wait3A_452 = arith.constant 0 : i32
        %dma_wait3A_453 = tpu.memref_slice %arg8[%add3A_388, %dma_wait3A_451, %dma_wait3A_452] : memref<256x64x2048xf32, #tpu.memory_space<hbm>> -> memref<1x64x2048xf32, #tpu.memory_space<hbm>>
        %dma_wait3A_454 = tpu.memref_squeeze %dma_wait3A_453 : memref<1x64x2048xf32, #tpu.memory_space<hbm>> -> memref<64x2048xf32, #tpu.memory_space<hbm>>
        %dma_wait3A_455 = arith.constant 0 : i32
        %dma_wait3A_456 = tpu.memref_slice %dma_wait3A_454[%dma_wait3A_455, %mul3A_2] : memref<64x2048xf32, #tpu.memory_space<hbm>> -> memref<64x64xf32, #tpu.memory_space<hbm>>
        %dma_wait3A_457 = arith.constant 0 : i32
        %dma_wait3A_458 = arith.constant 0 : i32
        %dma_wait3A_459 = tpu.memref_slice %arg8[%add3A_388, %dma_wait3A_457, %dma_wait3A_458] : memref<256x64x2048xf32, #tpu.memory_space<hbm>> -> memref<1x64x2048xf32, #tpu.memory_space<hbm>>
        %dma_wait3A_460 = tpu.memref_squeeze %dma_wait3A_459 : memref<1x64x2048xf32, #tpu.memory_space<hbm>> -> memref<64x2048xf32, #tpu.memory_space<hbm>>
        %dma_wait3A_461 = arith.constant 0 : i32
        %dma_wait3A_462 = tpu.memref_slice %dma_wait3A_460[%dma_wait3A_461, %mul3A_2] : memref<64x2048xf32, #tpu.memory_space<hbm>> -> memref<64x64xf32, #tpu.memory_space<hbm>>
        %dma_wait3A_463 = arith.constant 320 : i32
        %dma_wait3A_464 = arith.constant 0 : i32
        %dma_wait3A_465 = tpu.memref_slice %arg17[%dma_wait3A_463, %dma_wait3A_464] : memref<1024x64xf32, #tpu.memory_space<vmem>> -> memref<64x64xf32, #tpu.memory_space<vmem>>
        tpu.wait_dma2 semaphore(%run_scoped3A : memref<!tpu.dma_semaphore, #tpu.memory_space<semaphore_mem>>) src(%dma_wait3A_465 : memref<64x64xf32, #tpu.memory_space<vmem>>) dst(%dma_wait3A_462 : memref<64x64xf32, #tpu.memory_space<hbm>>)
        tpu.yield
      }) : () -> ()
      %mul3A_389 = arith.constant 16 : i32
      %mul3A_390 = arith.muli %scan3A_257, %mul3A_389 : i32
      %add3A_391 = arith.constant 6 : i32
      %add3A_392 = arith.addi %mul3A_390, %add3A_391 : i32
      "tpu.region"() ({
        %run_scoped3A = tpu.sem_alloc : memref<!tpu.dma_semaphore, #tpu.memory_space<semaphore_mem>>
        %dma_start3A_430 = arith.constant 384 : i32
        %dma_start3A_431 = arith.constant 0 : i32
        %dma_start3A_432 = tpu.memref_slice %arg17[%dma_start3A_430, %dma_start3A_431] : memref<1024x64xf32, #tpu.memory_space<vmem>> -> memref<64x64xf32, #tpu.memory_space<vmem>>
        %dma_start3A_433 = arith.constant 0 : i32
        %dma_start3A_434 = arith.constant 0 : i32
        %dma_start3A_435 = tpu.memref_slice %arg8[%add3A_392, %dma_start3A_433, %dma_start3A_434] : memref<256x64x2048xf32, #tpu.memory_space<hbm>> -> memref<1x64x2048xf32, #tpu.memory_space<hbm>>
        %dma_start3A_436 = tpu.memref_squeeze %dma_start3A_435 : memref<1x64x2048xf32, #tpu.memory_space<hbm>> -> memref<64x2048xf32, #tpu.memory_space<hbm>>
        %dma_start3A_437 = arith.constant 0 : i32
        %dma_start3A_438 = tpu.memref_slice %dma_start3A_436[%dma_start3A_437, %mul3A_2] : memref<64x2048xf32, #tpu.memory_space<hbm>> -> memref<64x64xf32, #tpu.memory_space<hbm>>
        %dma_start3A_439 = arith.constant 0 : i32
        %dma_start3A_440 = arith.constant 0 : i32
        %dma_start3A_441 = tpu.memref_slice %arg8[%add3A_392, %dma_start3A_439, %dma_start3A_440] : memref<256x64x2048xf32, #tpu.memory_space<hbm>> -> memref<1x64x2048xf32, #tpu.memory_space<hbm>>
        %dma_start3A_442 = tpu.memref_squeeze %dma_start3A_441 : memref<1x64x2048xf32, #tpu.memory_space<hbm>> -> memref<64x2048xf32, #tpu.memory_space<hbm>>
        %dma_start3A_443 = arith.constant 0 : i32
        %dma_start3A_444 = tpu.memref_slice %dma_start3A_442[%dma_start3A_443, %mul3A_2] : memref<64x2048xf32, #tpu.memory_space<hbm>> -> memref<64x64xf32, #tpu.memory_space<hbm>>
        %dma_start3A_445 = arith.constant 384 : i32
        %dma_start3A_446 = arith.constant 0 : i32
        %dma_start3A_447 = tpu.memref_slice %arg17[%dma_start3A_445, %dma_start3A_446] : memref<1024x64xf32, #tpu.memory_space<vmem>> -> memref<64x64xf32, #tpu.memory_space<vmem>>
        tpu.enqueue_dma source(%dma_start3A_447 : memref<64x64xf32, #tpu.memory_space<vmem>>) target(%dma_start3A_444 : memref<64x64xf32, #tpu.memory_space<hbm>>) target_semaphore(%run_scoped3A : memref<!tpu.dma_semaphore, #tpu.memory_space<semaphore_mem>>)
        %dma_wait3A_448 = arith.constant 384 : i32
        %dma_wait3A_449 = arith.constant 0 : i32
        %dma_wait3A_450 = tpu.memref_slice %arg17[%dma_wait3A_448, %dma_wait3A_449] : memref<1024x64xf32, #tpu.memory_space<vmem>> -> memref<64x64xf32, #tpu.memory_space<vmem>>
        %dma_wait3A_451 = arith.constant 0 : i32
        %dma_wait3A_452 = arith.constant 0 : i32
        %dma_wait3A_453 = tpu.memref_slice %arg8[%add3A_392, %dma_wait3A_451, %dma_wait3A_452] : memref<256x64x2048xf32, #tpu.memory_space<hbm>> -> memref<1x64x2048xf32, #tpu.memory_space<hbm>>
        %dma_wait3A_454 = tpu.memref_squeeze %dma_wait3A_453 : memref<1x64x2048xf32, #tpu.memory_space<hbm>> -> memref<64x2048xf32, #tpu.memory_space<hbm>>
        %dma_wait3A_455 = arith.constant 0 : i32
        %dma_wait3A_456 = tpu.memref_slice %dma_wait3A_454[%dma_wait3A_455, %mul3A_2] : memref<64x2048xf32, #tpu.memory_space<hbm>> -> memref<64x64xf32, #tpu.memory_space<hbm>>
        %dma_wait3A_457 = arith.constant 0 : i32
        %dma_wait3A_458 = arith.constant 0 : i32
        %dma_wait3A_459 = tpu.memref_slice %arg8[%add3A_392, %dma_wait3A_457, %dma_wait3A_458] : memref<256x64x2048xf32, #tpu.memory_space<hbm>> -> memref<1x64x2048xf32, #tpu.memory_space<hbm>>
        %dma_wait3A_460 = tpu.memref_squeeze %dma_wait3A_459 : memref<1x64x2048xf32, #tpu.memory_space<hbm>> -> memref<64x2048xf32, #tpu.memory_space<hbm>>
        %dma_wait3A_461 = arith.constant 0 : i32
        %dma_wait3A_462 = tpu.memref_slice %dma_wait3A_460[%dma_wait3A_461, %mul3A_2] : memref<64x2048xf32, #tpu.memory_space<hbm>> -> memref<64x64xf32, #tpu.memory_space<hbm>>
        %dma_wait3A_463 = arith.constant 384 : i32
        %dma_wait3A_464 = arith.constant 0 : i32
        %dma_wait3A_465 = tpu.memref_slice %arg17[%dma_wait3A_463, %dma_wait3A_464] : memref<1024x64xf32, #tpu.memory_space<vmem>> -> memref<64x64xf32, #tpu.memory_space<vmem>>
        tpu.wait_dma2 semaphore(%run_scoped3A : memref<!tpu.dma_semaphore, #tpu.memory_space<semaphore_mem>>) src(%dma_wait3A_465 : memref<64x64xf32, #tpu.memory_space<vmem>>) dst(%dma_wait3A_462 : memref<64x64xf32, #tpu.memory_space<hbm>>)
        tpu.yield
      }) : () -> ()
      %mul3A_393 = arith.constant 16 : i32
      %mul3A_394 = arith.muli %scan3A_257, %mul3A_393 : i32
      %add3A_395 = arith.constant 7 : i32
      %add3A_396 = arith.addi %mul3A_394, %add3A_395 : i32
      "tpu.region"() ({
        %run_scoped3A = tpu.sem_alloc : memref<!tpu.dma_semaphore, #tpu.memory_space<semaphore_mem>>
        %dma_start3A_430 = arith.constant 448 : i32
        %dma_start3A_431 = arith.constant 0 : i32
        %dma_start3A_432 = tpu.memref_slice %arg17[%dma_start3A_430, %dma_start3A_431] : memref<1024x64xf32, #tpu.memory_space<vmem>> -> memref<64x64xf32, #tpu.memory_space<vmem>>
        %dma_start3A_433 = arith.constant 0 : i32
        %dma_start3A_434 = arith.constant 0 : i32
        %dma_start3A_435 = tpu.memref_slice %arg8[%add3A_396, %dma_start3A_433, %dma_start3A_434] : memref<256x64x2048xf32, #tpu.memory_space<hbm>> -> memref<1x64x2048xf32, #tpu.memory_space<hbm>>
        %dma_start3A_436 = tpu.memref_squeeze %dma_start3A_435 : memref<1x64x2048xf32, #tpu.memory_space<hbm>> -> memref<64x2048xf32, #tpu.memory_space<hbm>>
        %dma_start3A_437 = arith.constant 0 : i32
        %dma_start3A_438 = tpu.memref_slice %dma_start3A_436[%dma_start3A_437, %mul3A_2] : memref<64x2048xf32, #tpu.memory_space<hbm>> -> memref<64x64xf32, #tpu.memory_space<hbm>>
        %dma_start3A_439 = arith.constant 0 : i32
        %dma_start3A_440 = arith.constant 0 : i32
        %dma_start3A_441 = tpu.memref_slice %arg8[%add3A_396, %dma_start3A_439, %dma_start3A_440] : memref<256x64x2048xf32, #tpu.memory_space<hbm>> -> memref<1x64x2048xf32, #tpu.memory_space<hbm>>
        %dma_start3A_442 = tpu.memref_squeeze %dma_start3A_441 : memref<1x64x2048xf32, #tpu.memory_space<hbm>> -> memref<64x2048xf32, #tpu.memory_space<hbm>>
        %dma_start3A_443 = arith.constant 0 : i32
        %dma_start3A_444 = tpu.memref_slice %dma_start3A_442[%dma_start3A_443, %mul3A_2] : memref<64x2048xf32, #tpu.memory_space<hbm>> -> memref<64x64xf32, #tpu.memory_space<hbm>>
        %dma_start3A_445 = arith.constant 448 : i32
        %dma_start3A_446 = arith.constant 0 : i32
        %dma_start3A_447 = tpu.memref_slice %arg17[%dma_start3A_445, %dma_start3A_446] : memref<1024x64xf32, #tpu.memory_space<vmem>> -> memref<64x64xf32, #tpu.memory_space<vmem>>
        tpu.enqueue_dma source(%dma_start3A_447 : memref<64x64xf32, #tpu.memory_space<vmem>>) target(%dma_start3A_444 : memref<64x64xf32, #tpu.memory_space<hbm>>) target_semaphore(%run_scoped3A : memref<!tpu.dma_semaphore, #tpu.memory_space<semaphore_mem>>)
        %dma_wait3A_448 = arith.constant 448 : i32
        %dma_wait3A_449 = arith.constant 0 : i32
        %dma_wait3A_450 = tpu.memref_slice %arg17[%dma_wait3A_448, %dma_wait3A_449] : memref<1024x64xf32, #tpu.memory_space<vmem>> -> memref<64x64xf32, #tpu.memory_space<vmem>>
        %dma_wait3A_451 = arith.constant 0 : i32
        %dma_wait3A_452 = arith.constant 0 : i32
        %dma_wait3A_453 = tpu.memref_slice %arg8[%add3A_396, %dma_wait3A_451, %dma_wait3A_452] : memref<256x64x2048xf32, #tpu.memory_space<hbm>> -> memref<1x64x2048xf32, #tpu.memory_space<hbm>>
        %dma_wait3A_454 = tpu.memref_squeeze %dma_wait3A_453 : memref<1x64x2048xf32, #tpu.memory_space<hbm>> -> memref<64x2048xf32, #tpu.memory_space<hbm>>
        %dma_wait3A_455 = arith.constant 0 : i32
        %dma_wait3A_456 = tpu.memref_slice %dma_wait3A_454[%dma_wait3A_455, %mul3A_2] : memref<64x2048xf32, #tpu.memory_space<hbm>> -> memref<64x64xf32, #tpu.memory_space<hbm>>
        %dma_wait3A_457 = arith.constant 0 : i32
        %dma_wait3A_458 = arith.constant 0 : i32
        %dma_wait3A_459 = tpu.memref_slice %arg8[%add3A_396, %dma_wait3A_457, %dma_wait3A_458] : memref<256x64x2048xf32, #tpu.memory_space<hbm>> -> memref<1x64x2048xf32, #tpu.memory_space<hbm>>
        %dma_wait3A_460 = tpu.memref_squeeze %dma_wait3A_459 : memref<1x64x2048xf32, #tpu.memory_space<hbm>> -> memref<64x2048xf32, #tpu.memory_space<hbm>>
        %dma_wait3A_461 = arith.constant 0 : i32
        %dma_wait3A_462 = tpu.memref_slice %dma_wait3A_460[%dma_wait3A_461, %mul3A_2] : memref<64x2048xf32, #tpu.memory_space<hbm>> -> memref<64x64xf32, #tpu.memory_space<hbm>>
        %dma_wait3A_463 = arith.constant 448 : i32
        %dma_wait3A_464 = arith.constant 0 : i32
        %dma_wait3A_465 = tpu.memref_slice %arg17[%dma_wait3A_463, %dma_wait3A_464] : memref<1024x64xf32, #tpu.memory_space<vmem>> -> memref<64x64xf32, #tpu.memory_space<vmem>>
        tpu.wait_dma2 semaphore(%run_scoped3A : memref<!tpu.dma_semaphore, #tpu.memory_space<semaphore_mem>>) src(%dma_wait3A_465 : memref<64x64xf32, #tpu.memory_space<vmem>>) dst(%dma_wait3A_462 : memref<64x64xf32, #tpu.memory_space<hbm>>)
        tpu.yield
      }) : () -> ()
      %mul3A_397 = arith.constant 16 : i32
      %mul3A_398 = arith.muli %scan3A_257, %mul3A_397 : i32
      %add3A_399 = arith.constant 8 : i32
      %add3A_400 = arith.addi %mul3A_398, %add3A_399 : i32
      "tpu.region"() ({
        %run_scoped3A = tpu.sem_alloc : memref<!tpu.dma_semaphore, #tpu.memory_space<semaphore_mem>>
        %dma_start3A_430 = arith.constant 512 : i32
        %dma_start3A_431 = arith.constant 0 : i32
        %dma_start3A_432 = tpu.memref_slice %arg17[%dma_start3A_430, %dma_start3A_431] : memref<1024x64xf32, #tpu.memory_space<vmem>> -> memref<64x64xf32, #tpu.memory_space<vmem>>
        %dma_start3A_433 = arith.constant 0 : i32
        %dma_start3A_434 = arith.constant 0 : i32
        %dma_start3A_435 = tpu.memref_slice %arg8[%add3A_400, %dma_start3A_433, %dma_start3A_434] : memref<256x64x2048xf32, #tpu.memory_space<hbm>> -> memref<1x64x2048xf32, #tpu.memory_space<hbm>>
        %dma_start3A_436 = tpu.memref_squeeze %dma_start3A_435 : memref<1x64x2048xf32, #tpu.memory_space<hbm>> -> memref<64x2048xf32, #tpu.memory_space<hbm>>
        %dma_start3A_437 = arith.constant 0 : i32
        %dma_start3A_438 = tpu.memref_slice %dma_start3A_436[%dma_start3A_437, %mul3A_2] : memref<64x2048xf32, #tpu.memory_space<hbm>> -> memref<64x64xf32, #tpu.memory_space<hbm>>
        %dma_start3A_439 = arith.constant 0 : i32
        %dma_start3A_440 = arith.constant 0 : i32
        %dma_start3A_441 = tpu.memref_slice %arg8[%add3A_400, %dma_start3A_439, %dma_start3A_440] : memref<256x64x2048xf32, #tpu.memory_space<hbm>> -> memref<1x64x2048xf32, #tpu.memory_space<hbm>>
        %dma_start3A_442 = tpu.memref_squeeze %dma_start3A_441 : memref<1x64x2048xf32, #tpu.memory_space<hbm>> -> memref<64x2048xf32, #tpu.memory_space<hbm>>
        %dma_start3A_443 = arith.constant 0 : i32
        %dma_start3A_444 = tpu.memref_slice %dma_start3A_442[%dma_start3A_443, %mul3A_2] : memref<64x2048xf32, #tpu.memory_space<hbm>> -> memref<64x64xf32, #tpu.memory_space<hbm>>
        %dma_start3A_445 = arith.constant 512 : i32
        %dma_start3A_446 = arith.constant 0 : i32
        %dma_start3A_447 = tpu.memref_slice %arg17[%dma_start3A_445, %dma_start3A_446] : memref<1024x64xf32, #tpu.memory_space<vmem>> -> memref<64x64xf32, #tpu.memory_space<vmem>>
        tpu.enqueue_dma source(%dma_start3A_447 : memref<64x64xf32, #tpu.memory_space<vmem>>) target(%dma_start3A_444 : memref<64x64xf32, #tpu.memory_space<hbm>>) target_semaphore(%run_scoped3A : memref<!tpu.dma_semaphore, #tpu.memory_space<semaphore_mem>>)
        %dma_wait3A_448 = arith.constant 512 : i32
        %dma_wait3A_449 = arith.constant 0 : i32
        %dma_wait3A_450 = tpu.memref_slice %arg17[%dma_wait3A_448, %dma_wait3A_449] : memref<1024x64xf32, #tpu.memory_space<vmem>> -> memref<64x64xf32, #tpu.memory_space<vmem>>
        %dma_wait3A_451 = arith.constant 0 : i32
        %dma_wait3A_452 = arith.constant 0 : i32
        %dma_wait3A_453 = tpu.memref_slice %arg8[%add3A_400, %dma_wait3A_451, %dma_wait3A_452] : memref<256x64x2048xf32, #tpu.memory_space<hbm>> -> memref<1x64x2048xf32, #tpu.memory_space<hbm>>
        %dma_wait3A_454 = tpu.memref_squeeze %dma_wait3A_453 : memref<1x64x2048xf32, #tpu.memory_space<hbm>> -> memref<64x2048xf32, #tpu.memory_space<hbm>>
        %dma_wait3A_455 = arith.constant 0 : i32
        %dma_wait3A_456 = tpu.memref_slice %dma_wait3A_454[%dma_wait3A_455, %mul3A_2] : memref<64x2048xf32, #tpu.memory_space<hbm>> -> memref<64x64xf32, #tpu.memory_space<hbm>>
        %dma_wait3A_457 = arith.constant 0 : i32
        %dma_wait3A_458 = arith.constant 0 : i32
        %dma_wait3A_459 = tpu.memref_slice %arg8[%add3A_400, %dma_wait3A_457, %dma_wait3A_458] : memref<256x64x2048xf32, #tpu.memory_space<hbm>> -> memref<1x64x2048xf32, #tpu.memory_space<hbm>>
        %dma_wait3A_460 = tpu.memref_squeeze %dma_wait3A_459 : memref<1x64x2048xf32, #tpu.memory_space<hbm>> -> memref<64x2048xf32, #tpu.memory_space<hbm>>
        %dma_wait3A_461 = arith.constant 0 : i32
        %dma_wait3A_462 = tpu.memref_slice %dma_wait3A_460[%dma_wait3A_461, %mul3A_2] : memref<64x2048xf32, #tpu.memory_space<hbm>> -> memref<64x64xf32, #tpu.memory_space<hbm>>
        %dma_wait3A_463 = arith.constant 512 : i32
        %dma_wait3A_464 = arith.constant 0 : i32
        %dma_wait3A_465 = tpu.memref_slice %arg17[%dma_wait3A_463, %dma_wait3A_464] : memref<1024x64xf32, #tpu.memory_space<vmem>> -> memref<64x64xf32, #tpu.memory_space<vmem>>
        tpu.wait_dma2 semaphore(%run_scoped3A : memref<!tpu.dma_semaphore, #tpu.memory_space<semaphore_mem>>) src(%dma_wait3A_465 : memref<64x64xf32, #tpu.memory_space<vmem>>) dst(%dma_wait3A_462 : memref<64x64xf32, #tpu.memory_space<hbm>>)
        tpu.yield
      }) : () -> ()
      %mul3A_401 = arith.constant 16 : i32
      %mul3A_402 = arith.muli %scan3A_257, %mul3A_401 : i32
      %add3A_403 = arith.constant 9 : i32
      %add3A_404 = arith.addi %mul3A_402, %add3A_403 : i32
      "tpu.region"() ({
        %run_scoped3A = tpu.sem_alloc : memref<!tpu.dma_semaphore, #tpu.memory_space<semaphore_mem>>
        %dma_start3A_430 = arith.constant 576 : i32
        %dma_start3A_431 = arith.constant 0 : i32
        %dma_start3A_432 = tpu.memref_slice %arg17[%dma_start3A_430, %dma_start3A_431] : memref<1024x64xf32, #tpu.memory_space<vmem>> -> memref<64x64xf32, #tpu.memory_space<vmem>>
        %dma_start3A_433 = arith.constant 0 : i32
        %dma_start3A_434 = arith.constant 0 : i32
        %dma_start3A_435 = tpu.memref_slice %arg8[%add3A_404, %dma_start3A_433, %dma_start3A_434] : memref<256x64x2048xf32, #tpu.memory_space<hbm>> -> memref<1x64x2048xf32, #tpu.memory_space<hbm>>
        %dma_start3A_436 = tpu.memref_squeeze %dma_start3A_435 : memref<1x64x2048xf32, #tpu.memory_space<hbm>> -> memref<64x2048xf32, #tpu.memory_space<hbm>>
        %dma_start3A_437 = arith.constant 0 : i32
        %dma_start3A_438 = tpu.memref_slice %dma_start3A_436[%dma_start3A_437, %mul3A_2] : memref<64x2048xf32, #tpu.memory_space<hbm>> -> memref<64x64xf32, #tpu.memory_space<hbm>>
        %dma_start3A_439 = arith.constant 0 : i32
        %dma_start3A_440 = arith.constant 0 : i32
        %dma_start3A_441 = tpu.memref_slice %arg8[%add3A_404, %dma_start3A_439, %dma_start3A_440] : memref<256x64x2048xf32, #tpu.memory_space<hbm>> -> memref<1x64x2048xf32, #tpu.memory_space<hbm>>
        %dma_start3A_442 = tpu.memref_squeeze %dma_start3A_441 : memref<1x64x2048xf32, #tpu.memory_space<hbm>> -> memref<64x2048xf32, #tpu.memory_space<hbm>>
        %dma_start3A_443 = arith.constant 0 : i32
        %dma_start3A_444 = tpu.memref_slice %dma_start3A_442[%dma_start3A_443, %mul3A_2] : memref<64x2048xf32, #tpu.memory_space<hbm>> -> memref<64x64xf32, #tpu.memory_space<hbm>>
        %dma_start3A_445 = arith.constant 576 : i32
        %dma_start3A_446 = arith.constant 0 : i32
        %dma_start3A_447 = tpu.memref_slice %arg17[%dma_start3A_445, %dma_start3A_446] : memref<1024x64xf32, #tpu.memory_space<vmem>> -> memref<64x64xf32, #tpu.memory_space<vmem>>
        tpu.enqueue_dma source(%dma_start3A_447 : memref<64x64xf32, #tpu.memory_space<vmem>>) target(%dma_start3A_444 : memref<64x64xf32, #tpu.memory_space<hbm>>) target_semaphore(%run_scoped3A : memref<!tpu.dma_semaphore, #tpu.memory_space<semaphore_mem>>)
        %dma_wait3A_448 = arith.constant 576 : i32
        %dma_wait3A_449 = arith.constant 0 : i32
        %dma_wait3A_450 = tpu.memref_slice %arg17[%dma_wait3A_448, %dma_wait3A_449] : memref<1024x64xf32, #tpu.memory_space<vmem>> -> memref<64x64xf32, #tpu.memory_space<vmem>>
        %dma_wait3A_451 = arith.constant 0 : i32
        %dma_wait3A_452 = arith.constant 0 : i32
        %dma_wait3A_453 = tpu.memref_slice %arg8[%add3A_404, %dma_wait3A_451, %dma_wait3A_452] : memref<256x64x2048xf32, #tpu.memory_space<hbm>> -> memref<1x64x2048xf32, #tpu.memory_space<hbm>>
        %dma_wait3A_454 = tpu.memref_squeeze %dma_wait3A_453 : memref<1x64x2048xf32, #tpu.memory_space<hbm>> -> memref<64x2048xf32, #tpu.memory_space<hbm>>
        %dma_wait3A_455 = arith.constant 0 : i32
        %dma_wait3A_456 = tpu.memref_slice %dma_wait3A_454[%dma_wait3A_455, %mul3A_2] : memref<64x2048xf32, #tpu.memory_space<hbm>> -> memref<64x64xf32, #tpu.memory_space<hbm>>
        %dma_wait3A_457 = arith.constant 0 : i32
        %dma_wait3A_458 = arith.constant 0 : i32
        %dma_wait3A_459 = tpu.memref_slice %arg8[%add3A_404, %dma_wait3A_457, %dma_wait3A_458] : memref<256x64x2048xf32, #tpu.memory_space<hbm>> -> memref<1x64x2048xf32, #tpu.memory_space<hbm>>
        %dma_wait3A_460 = tpu.memref_squeeze %dma_wait3A_459 : memref<1x64x2048xf32, #tpu.memory_space<hbm>> -> memref<64x2048xf32, #tpu.memory_space<hbm>>
        %dma_wait3A_461 = arith.constant 0 : i32
        %dma_wait3A_462 = tpu.memref_slice %dma_wait3A_460[%dma_wait3A_461, %mul3A_2] : memref<64x2048xf32, #tpu.memory_space<hbm>> -> memref<64x64xf32, #tpu.memory_space<hbm>>
        %dma_wait3A_463 = arith.constant 576 : i32
        %dma_wait3A_464 = arith.constant 0 : i32
        %dma_wait3A_465 = tpu.memref_slice %arg17[%dma_wait3A_463, %dma_wait3A_464] : memref<1024x64xf32, #tpu.memory_space<vmem>> -> memref<64x64xf32, #tpu.memory_space<vmem>>
        tpu.wait_dma2 semaphore(%run_scoped3A : memref<!tpu.dma_semaphore, #tpu.memory_space<semaphore_mem>>) src(%dma_wait3A_465 : memref<64x64xf32, #tpu.memory_space<vmem>>) dst(%dma_wait3A_462 : memref<64x64xf32, #tpu.memory_space<hbm>>)
        tpu.yield
      }) : () -> ()
      %mul3A_405 = arith.constant 16 : i32
      %mul3A_406 = arith.muli %scan3A_257, %mul3A_405 : i32
      %add3A_407 = arith.constant 10 : i32
      %add3A_408 = arith.addi %mul3A_406, %add3A_407 : i32
      "tpu.region"() ({
        %run_scoped3A = tpu.sem_alloc : memref<!tpu.dma_semaphore, #tpu.memory_space<semaphore_mem>>
        %dma_start3A_430 = arith.constant 640 : i32
        %dma_start3A_431 = arith.constant 0 : i32
        %dma_start3A_432 = tpu.memref_slice %arg17[%dma_start3A_430, %dma_start3A_431] : memref<1024x64xf32, #tpu.memory_space<vmem>> -> memref<64x64xf32, #tpu.memory_space<vmem>>
        %dma_start3A_433 = arith.constant 0 : i32
        %dma_start3A_434 = arith.constant 0 : i32
        %dma_start3A_435 = tpu.memref_slice %arg8[%add3A_408, %dma_start3A_433, %dma_start3A_434] : memref<256x64x2048xf32, #tpu.memory_space<hbm>> -> memref<1x64x2048xf32, #tpu.memory_space<hbm>>
        %dma_start3A_436 = tpu.memref_squeeze %dma_start3A_435 : memref<1x64x2048xf32, #tpu.memory_space<hbm>> -> memref<64x2048xf32, #tpu.memory_space<hbm>>
        %dma_start3A_437 = arith.constant 0 : i32
        %dma_start3A_438 = tpu.memref_slice %dma_start3A_436[%dma_start3A_437, %mul3A_2] : memref<64x2048xf32, #tpu.memory_space<hbm>> -> memref<64x64xf32, #tpu.memory_space<hbm>>
        %dma_start3A_439 = arith.constant 0 : i32
        %dma_start3A_440 = arith.constant 0 : i32
        %dma_start3A_441 = tpu.memref_slice %arg8[%add3A_408, %dma_start3A_439, %dma_start3A_440] : memref<256x64x2048xf32, #tpu.memory_space<hbm>> -> memref<1x64x2048xf32, #tpu.memory_space<hbm>>
        %dma_start3A_442 = tpu.memref_squeeze %dma_start3A_441 : memref<1x64x2048xf32, #tpu.memory_space<hbm>> -> memref<64x2048xf32, #tpu.memory_space<hbm>>
        %dma_start3A_443 = arith.constant 0 : i32
        %dma_start3A_444 = tpu.memref_slice %dma_start3A_442[%dma_start3A_443, %mul3A_2] : memref<64x2048xf32, #tpu.memory_space<hbm>> -> memref<64x64xf32, #tpu.memory_space<hbm>>
        %dma_start3A_445 = arith.constant 640 : i32
        %dma_start3A_446 = arith.constant 0 : i32
        %dma_start3A_447 = tpu.memref_slice %arg17[%dma_start3A_445, %dma_start3A_446] : memref<1024x64xf32, #tpu.memory_space<vmem>> -> memref<64x64xf32, #tpu.memory_space<vmem>>
        tpu.enqueue_dma source(%dma_start3A_447 : memref<64x64xf32, #tpu.memory_space<vmem>>) target(%dma_start3A_444 : memref<64x64xf32, #tpu.memory_space<hbm>>) target_semaphore(%run_scoped3A : memref<!tpu.dma_semaphore, #tpu.memory_space<semaphore_mem>>)
        %dma_wait3A_448 = arith.constant 640 : i32
        %dma_wait3A_449 = arith.constant 0 : i32
        %dma_wait3A_450 = tpu.memref_slice %arg17[%dma_wait3A_448, %dma_wait3A_449] : memref<1024x64xf32, #tpu.memory_space<vmem>> -> memref<64x64xf32, #tpu.memory_space<vmem>>
        %dma_wait3A_451 = arith.constant 0 : i32
        %dma_wait3A_452 = arith.constant 0 : i32
        %dma_wait3A_453 = tpu.memref_slice %arg8[%add3A_408, %dma_wait3A_451, %dma_wait3A_452] : memref<256x64x2048xf32, #tpu.memory_space<hbm>> -> memref<1x64x2048xf32, #tpu.memory_space<hbm>>
        %dma_wait3A_454 = tpu.memref_squeeze %dma_wait3A_453 : memref<1x64x2048xf32, #tpu.memory_space<hbm>> -> memref<64x2048xf32, #tpu.memory_space<hbm>>
        %dma_wait3A_455 = arith.constant 0 : i32
        %dma_wait3A_456 = tpu.memref_slice %dma_wait3A_454[%dma_wait3A_455, %mul3A_2] : memref<64x2048xf32, #tpu.memory_space<hbm>> -> memref<64x64xf32, #tpu.memory_space<hbm>>
        %dma_wait3A_457 = arith.constant 0 : i32
        %dma_wait3A_458 = arith.constant 0 : i32
        %dma_wait3A_459 = tpu.memref_slice %arg8[%add3A_408, %dma_wait3A_457, %dma_wait3A_458] : memref<256x64x2048xf32, #tpu.memory_space<hbm>> -> memref<1x64x2048xf32, #tpu.memory_space<hbm>>
        %dma_wait3A_460 = tpu.memref_squeeze %dma_wait3A_459 : memref<1x64x2048xf32, #tpu.memory_space<hbm>> -> memref<64x2048xf32, #tpu.memory_space<hbm>>
        %dma_wait3A_461 = arith.constant 0 : i32
        %dma_wait3A_462 = tpu.memref_slice %dma_wait3A_460[%dma_wait3A_461, %mul3A_2] : memref<64x2048xf32, #tpu.memory_space<hbm>> -> memref<64x64xf32, #tpu.memory_space<hbm>>
        %dma_wait3A_463 = arith.constant 640 : i32
        %dma_wait3A_464 = arith.constant 0 : i32
        %dma_wait3A_465 = tpu.memref_slice %arg17[%dma_wait3A_463, %dma_wait3A_464] : memref<1024x64xf32, #tpu.memory_space<vmem>> -> memref<64x64xf32, #tpu.memory_space<vmem>>
        tpu.wait_dma2 semaphore(%run_scoped3A : memref<!tpu.dma_semaphore, #tpu.memory_space<semaphore_mem>>) src(%dma_wait3A_465 : memref<64x64xf32, #tpu.memory_space<vmem>>) dst(%dma_wait3A_462 : memref<64x64xf32, #tpu.memory_space<hbm>>)
        tpu.yield
      }) : () -> ()
      %mul3A_409 = arith.constant 16 : i32
      %mul3A_410 = arith.muli %scan3A_257, %mul3A_409 : i32
      %add3A_411 = arith.constant 11 : i32
      %add3A_412 = arith.addi %mul3A_410, %add3A_411 : i32
      "tpu.region"() ({
        %run_scoped3A = tpu.sem_alloc : memref<!tpu.dma_semaphore, #tpu.memory_space<semaphore_mem>>
        %dma_start3A_430 = arith.constant 704 : i32
        %dma_start3A_431 = arith.constant 0 : i32
        %dma_start3A_432 = tpu.memref_slice %arg17[%dma_start3A_430, %dma_start3A_431] : memref<1024x64xf32, #tpu.memory_space<vmem>> -> memref<64x64xf32, #tpu.memory_space<vmem>>
        %dma_start3A_433 = arith.constant 0 : i32
        %dma_start3A_434 = arith.constant 0 : i32
        %dma_start3A_435 = tpu.memref_slice %arg8[%add3A_412, %dma_start3A_433, %dma_start3A_434] : memref<256x64x2048xf32, #tpu.memory_space<hbm>> -> memref<1x64x2048xf32, #tpu.memory_space<hbm>>
        %dma_start3A_436 = tpu.memref_squeeze %dma_start3A_435 : memref<1x64x2048xf32, #tpu.memory_space<hbm>> -> memref<64x2048xf32, #tpu.memory_space<hbm>>
        %dma_start3A_437 = arith.constant 0 : i32
        %dma_start3A_438 = tpu.memref_slice %dma_start3A_436[%dma_start3A_437, %mul3A_2] : memref<64x2048xf32, #tpu.memory_space<hbm>> -> memref<64x64xf32, #tpu.memory_space<hbm>>
        %dma_start3A_439 = arith.constant 0 : i32
        %dma_start3A_440 = arith.constant 0 : i32
        %dma_start3A_441 = tpu.memref_slice %arg8[%add3A_412, %dma_start3A_439, %dma_start3A_440] : memref<256x64x2048xf32, #tpu.memory_space<hbm>> -> memref<1x64x2048xf32, #tpu.memory_space<hbm>>
        %dma_start3A_442 = tpu.memref_squeeze %dma_start3A_441 : memref<1x64x2048xf32, #tpu.memory_space<hbm>> -> memref<64x2048xf32, #tpu.memory_space<hbm>>
        %dma_start3A_443 = arith.constant 0 : i32
        %dma_start3A_444 = tpu.memref_slice %dma_start3A_442[%dma_start3A_443, %mul3A_2] : memref<64x2048xf32, #tpu.memory_space<hbm>> -> memref<64x64xf32, #tpu.memory_space<hbm>>
        %dma_start3A_445 = arith.constant 704 : i32
        %dma_start3A_446 = arith.constant 0 : i32
        %dma_start3A_447 = tpu.memref_slice %arg17[%dma_start3A_445, %dma_start3A_446] : memref<1024x64xf32, #tpu.memory_space<vmem>> -> memref<64x64xf32, #tpu.memory_space<vmem>>
        tpu.enqueue_dma source(%dma_start3A_447 : memref<64x64xf32, #tpu.memory_space<vmem>>) target(%dma_start3A_444 : memref<64x64xf32, #tpu.memory_space<hbm>>) target_semaphore(%run_scoped3A : memref<!tpu.dma_semaphore, #tpu.memory_space<semaphore_mem>>)
        %dma_wait3A_448 = arith.constant 704 : i32
        %dma_wait3A_449 = arith.constant 0 : i32
        %dma_wait3A_450 = tpu.memref_slice %arg17[%dma_wait3A_448, %dma_wait3A_449] : memref<1024x64xf32, #tpu.memory_space<vmem>> -> memref<64x64xf32, #tpu.memory_space<vmem>>
        %dma_wait3A_451 = arith.constant 0 : i32
        %dma_wait3A_452 = arith.constant 0 : i32
        %dma_wait3A_453 = tpu.memref_slice %arg8[%add3A_412, %dma_wait3A_451, %dma_wait3A_452] : memref<256x64x2048xf32, #tpu.memory_space<hbm>> -> memref<1x64x2048xf32, #tpu.memory_space<hbm>>
        %dma_wait3A_454 = tpu.memref_squeeze %dma_wait3A_453 : memref<1x64x2048xf32, #tpu.memory_space<hbm>> -> memref<64x2048xf32, #tpu.memory_space<hbm>>
        %dma_wait3A_455 = arith.constant 0 : i32
        %dma_wait3A_456 = tpu.memref_slice %dma_wait3A_454[%dma_wait3A_455, %mul3A_2] : memref<64x2048xf32, #tpu.memory_space<hbm>> -> memref<64x64xf32, #tpu.memory_space<hbm>>
        %dma_wait3A_457 = arith.constant 0 : i32
        %dma_wait3A_458 = arith.constant 0 : i32
        %dma_wait3A_459 = tpu.memref_slice %arg8[%add3A_412, %dma_wait3A_457, %dma_wait3A_458] : memref<256x64x2048xf32, #tpu.memory_space<hbm>> -> memref<1x64x2048xf32, #tpu.memory_space<hbm>>
        %dma_wait3A_460 = tpu.memref_squeeze %dma_wait3A_459 : memref<1x64x2048xf32, #tpu.memory_space<hbm>> -> memref<64x2048xf32, #tpu.memory_space<hbm>>
        %dma_wait3A_461 = arith.constant 0 : i32
        %dma_wait3A_462 = tpu.memref_slice %dma_wait3A_460[%dma_wait3A_461, %mul3A_2] : memref<64x2048xf32, #tpu.memory_space<hbm>> -> memref<64x64xf32, #tpu.memory_space<hbm>>
        %dma_wait3A_463 = arith.constant 704 : i32
        %dma_wait3A_464 = arith.constant 0 : i32
        %dma_wait3A_465 = tpu.memref_slice %arg17[%dma_wait3A_463, %dma_wait3A_464] : memref<1024x64xf32, #tpu.memory_space<vmem>> -> memref<64x64xf32, #tpu.memory_space<vmem>>
        tpu.wait_dma2 semaphore(%run_scoped3A : memref<!tpu.dma_semaphore, #tpu.memory_space<semaphore_mem>>) src(%dma_wait3A_465 : memref<64x64xf32, #tpu.memory_space<vmem>>) dst(%dma_wait3A_462 : memref<64x64xf32, #tpu.memory_space<hbm>>)
        tpu.yield
      }) : () -> ()
      %mul3A_413 = arith.constant 16 : i32
      %mul3A_414 = arith.muli %scan3A_257, %mul3A_413 : i32
      %add3A_415 = arith.constant 12 : i32
      %add3A_416 = arith.addi %mul3A_414, %add3A_415 : i32
      "tpu.region"() ({
        %run_scoped3A = tpu.sem_alloc : memref<!tpu.dma_semaphore, #tpu.memory_space<semaphore_mem>>
        %dma_start3A_430 = arith.constant 768 : i32
        %dma_start3A_431 = arith.constant 0 : i32
        %dma_start3A_432 = tpu.memref_slice %arg17[%dma_start3A_430, %dma_start3A_431] : memref<1024x64xf32, #tpu.memory_space<vmem>> -> memref<64x64xf32, #tpu.memory_space<vmem>>
        %dma_start3A_433 = arith.constant 0 : i32
        %dma_start3A_434 = arith.constant 0 : i32
        %dma_start3A_435 = tpu.memref_slice %arg8[%add3A_416, %dma_start3A_433, %dma_start3A_434] : memref<256x64x2048xf32, #tpu.memory_space<hbm>> -> memref<1x64x2048xf32, #tpu.memory_space<hbm>>
        %dma_start3A_436 = tpu.memref_squeeze %dma_start3A_435 : memref<1x64x2048xf32, #tpu.memory_space<hbm>> -> memref<64x2048xf32, #tpu.memory_space<hbm>>
        %dma_start3A_437 = arith.constant 0 : i32
        %dma_start3A_438 = tpu.memref_slice %dma_start3A_436[%dma_start3A_437, %mul3A_2] : memref<64x2048xf32, #tpu.memory_space<hbm>> -> memref<64x64xf32, #tpu.memory_space<hbm>>
        %dma_start3A_439 = arith.constant 0 : i32
        %dma_start3A_440 = arith.constant 0 : i32
        %dma_start3A_441 = tpu.memref_slice %arg8[%add3A_416, %dma_start3A_439, %dma_start3A_440] : memref<256x64x2048xf32, #tpu.memory_space<hbm>> -> memref<1x64x2048xf32, #tpu.memory_space<hbm>>
        %dma_start3A_442 = tpu.memref_squeeze %dma_start3A_441 : memref<1x64x2048xf32, #tpu.memory_space<hbm>> -> memref<64x2048xf32, #tpu.memory_space<hbm>>
        %dma_start3A_443 = arith.constant 0 : i32
        %dma_start3A_444 = tpu.memref_slice %dma_start3A_442[%dma_start3A_443, %mul3A_2] : memref<64x2048xf32, #tpu.memory_space<hbm>> -> memref<64x64xf32, #tpu.memory_space<hbm>>
        %dma_start3A_445 = arith.constant 768 : i32
        %dma_start3A_446 = arith.constant 0 : i32
        %dma_start3A_447 = tpu.memref_slice %arg17[%dma_start3A_445, %dma_start3A_446] : memref<1024x64xf32, #tpu.memory_space<vmem>> -> memref<64x64xf32, #tpu.memory_space<vmem>>
        tpu.enqueue_dma source(%dma_start3A_447 : memref<64x64xf32, #tpu.memory_space<vmem>>) target(%dma_start3A_444 : memref<64x64xf32, #tpu.memory_space<hbm>>) target_semaphore(%run_scoped3A : memref<!tpu.dma_semaphore, #tpu.memory_space<semaphore_mem>>)
        %dma_wait3A_448 = arith.constant 768 : i32
        %dma_wait3A_449 = arith.constant 0 : i32
        %dma_wait3A_450 = tpu.memref_slice %arg17[%dma_wait3A_448, %dma_wait3A_449] : memref<1024x64xf32, #tpu.memory_space<vmem>> -> memref<64x64xf32, #tpu.memory_space<vmem>>
        %dma_wait3A_451 = arith.constant 0 : i32
        %dma_wait3A_452 = arith.constant 0 : i32
        %dma_wait3A_453 = tpu.memref_slice %arg8[%add3A_416, %dma_wait3A_451, %dma_wait3A_452] : memref<256x64x2048xf32, #tpu.memory_space<hbm>> -> memref<1x64x2048xf32, #tpu.memory_space<hbm>>
        %dma_wait3A_454 = tpu.memref_squeeze %dma_wait3A_453 : memref<1x64x2048xf32, #tpu.memory_space<hbm>> -> memref<64x2048xf32, #tpu.memory_space<hbm>>
        %dma_wait3A_455 = arith.constant 0 : i32
        %dma_wait3A_456 = tpu.memref_slice %dma_wait3A_454[%dma_wait3A_455, %mul3A_2] : memref<64x2048xf32, #tpu.memory_space<hbm>> -> memref<64x64xf32, #tpu.memory_space<hbm>>
        %dma_wait3A_457 = arith.constant 0 : i32
        %dma_wait3A_458 = arith.constant 0 : i32
        %dma_wait3A_459 = tpu.memref_slice %arg8[%add3A_416, %dma_wait3A_457, %dma_wait3A_458] : memref<256x64x2048xf32, #tpu.memory_space<hbm>> -> memref<1x64x2048xf32, #tpu.memory_space<hbm>>
        %dma_wait3A_460 = tpu.memref_squeeze %dma_wait3A_459 : memref<1x64x2048xf32, #tpu.memory_space<hbm>> -> memref<64x2048xf32, #tpu.memory_space<hbm>>
        %dma_wait3A_461 = arith.constant 0 : i32
        %dma_wait3A_462 = tpu.memref_slice %dma_wait3A_460[%dma_wait3A_461, %mul3A_2] : memref<64x2048xf32, #tpu.memory_space<hbm>> -> memref<64x64xf32, #tpu.memory_space<hbm>>
        %dma_wait3A_463 = arith.constant 768 : i32
        %dma_wait3A_464 = arith.constant 0 : i32
        %dma_wait3A_465 = tpu.memref_slice %arg17[%dma_wait3A_463, %dma_wait3A_464] : memref<1024x64xf32, #tpu.memory_space<vmem>> -> memref<64x64xf32, #tpu.memory_space<vmem>>
        tpu.wait_dma2 semaphore(%run_scoped3A : memref<!tpu.dma_semaphore, #tpu.memory_space<semaphore_mem>>) src(%dma_wait3A_465 : memref<64x64xf32, #tpu.memory_space<vmem>>) dst(%dma_wait3A_462 : memref<64x64xf32, #tpu.memory_space<hbm>>)
        tpu.yield
      }) : () -> ()
      %mul3A_417 = arith.constant 16 : i32
      %mul3A_418 = arith.muli %scan3A_257, %mul3A_417 : i32
      %add3A_419 = arith.constant 13 : i32
      %add3A_420 = arith.addi %mul3A_418, %add3A_419 : i32
      "tpu.region"() ({
        %run_scoped3A = tpu.sem_alloc : memref<!tpu.dma_semaphore, #tpu.memory_space<semaphore_mem>>
        %dma_start3A_430 = arith.constant 832 : i32
        %dma_start3A_431 = arith.constant 0 : i32
        %dma_start3A_432 = tpu.memref_slice %arg17[%dma_start3A_430, %dma_start3A_431] : memref<1024x64xf32, #tpu.memory_space<vmem>> -> memref<64x64xf32, #tpu.memory_space<vmem>>
        %dma_start3A_433 = arith.constant 0 : i32
        %dma_start3A_434 = arith.constant 0 : i32
        %dma_start3A_435 = tpu.memref_slice %arg8[%add3A_420, %dma_start3A_433, %dma_start3A_434] : memref<256x64x2048xf32, #tpu.memory_space<hbm>> -> memref<1x64x2048xf32, #tpu.memory_space<hbm>>
        %dma_start3A_436 = tpu.memref_squeeze %dma_start3A_435 : memref<1x64x2048xf32, #tpu.memory_space<hbm>> -> memref<64x2048xf32, #tpu.memory_space<hbm>>
        %dma_start3A_437 = arith.constant 0 : i32
        %dma_start3A_438 = tpu.memref_slice %dma_start3A_436[%dma_start3A_437, %mul3A_2] : memref<64x2048xf32, #tpu.memory_space<hbm>> -> memref<64x64xf32, #tpu.memory_space<hbm>>
        %dma_start3A_439 = arith.constant 0 : i32
        %dma_start3A_440 = arith.constant 0 : i32
        %dma_start3A_441 = tpu.memref_slice %arg8[%add3A_420, %dma_start3A_439, %dma_start3A_440] : memref<256x64x2048xf32, #tpu.memory_space<hbm>> -> memref<1x64x2048xf32, #tpu.memory_space<hbm>>
        %dma_start3A_442 = tpu.memref_squeeze %dma_start3A_441 : memref<1x64x2048xf32, #tpu.memory_space<hbm>> -> memref<64x2048xf32, #tpu.memory_space<hbm>>
        %dma_start3A_443 = arith.constant 0 : i32
        %dma_start3A_444 = tpu.memref_slice %dma_start3A_442[%dma_start3A_443, %mul3A_2] : memref<64x2048xf32, #tpu.memory_space<hbm>> -> memref<64x64xf32, #tpu.memory_space<hbm>>
        %dma_start3A_445 = arith.constant 832 : i32
        %dma_start3A_446 = arith.constant 0 : i32
        %dma_start3A_447 = tpu.memref_slice %arg17[%dma_start3A_445, %dma_start3A_446] : memref<1024x64xf32, #tpu.memory_space<vmem>> -> memref<64x64xf32, #tpu.memory_space<vmem>>
        tpu.enqueue_dma source(%dma_start3A_447 : memref<64x64xf32, #tpu.memory_space<vmem>>) target(%dma_start3A_444 : memref<64x64xf32, #tpu.memory_space<hbm>>) target_semaphore(%run_scoped3A : memref<!tpu.dma_semaphore, #tpu.memory_space<semaphore_mem>>)
        %dma_wait3A_448 = arith.constant 832 : i32
        %dma_wait3A_449 = arith.constant 0 : i32
        %dma_wait3A_450 = tpu.memref_slice %arg17[%dma_wait3A_448, %dma_wait3A_449] : memref<1024x64xf32, #tpu.memory_space<vmem>> -> memref<64x64xf32, #tpu.memory_space<vmem>>
        %dma_wait3A_451 = arith.constant 0 : i32
        %dma_wait3A_452 = arith.constant 0 : i32
        %dma_wait3A_453 = tpu.memref_slice %arg8[%add3A_420, %dma_wait3A_451, %dma_wait3A_452] : memref<256x64x2048xf32, #tpu.memory_space<hbm>> -> memref<1x64x2048xf32, #tpu.memory_space<hbm>>
        %dma_wait3A_454 = tpu.memref_squeeze %dma_wait3A_453 : memref<1x64x2048xf32, #tpu.memory_space<hbm>> -> memref<64x2048xf32, #tpu.memory_space<hbm>>
        %dma_wait3A_455 = arith.constant 0 : i32
        %dma_wait3A_456 = tpu.memref_slice %dma_wait3A_454[%dma_wait3A_455, %mul3A_2] : memref<64x2048xf32, #tpu.memory_space<hbm>> -> memref<64x64xf32, #tpu.memory_space<hbm>>
        %dma_wait3A_457 = arith.constant 0 : i32
        %dma_wait3A_458 = arith.constant 0 : i32
        %dma_wait3A_459 = tpu.memref_slice %arg8[%add3A_420, %dma_wait3A_457, %dma_wait3A_458] : memref<256x64x2048xf32, #tpu.memory_space<hbm>> -> memref<1x64x2048xf32, #tpu.memory_space<hbm>>
        %dma_wait3A_460 = tpu.memref_squeeze %dma_wait3A_459 : memref<1x64x2048xf32, #tpu.memory_space<hbm>> -> memref<64x2048xf32, #tpu.memory_space<hbm>>
        %dma_wait3A_461 = arith.constant 0 : i32
        %dma_wait3A_462 = tpu.memref_slice %dma_wait3A_460[%dma_wait3A_461, %mul3A_2] : memref<64x2048xf32, #tpu.memory_space<hbm>> -> memref<64x64xf32, #tpu.memory_space<hbm>>
        %dma_wait3A_463 = arith.constant 832 : i32
        %dma_wait3A_464 = arith.constant 0 : i32
        %dma_wait3A_465 = tpu.memref_slice %arg17[%dma_wait3A_463, %dma_wait3A_464] : memref<1024x64xf32, #tpu.memory_space<vmem>> -> memref<64x64xf32, #tpu.memory_space<vmem>>
        tpu.wait_dma2 semaphore(%run_scoped3A : memref<!tpu.dma_semaphore, #tpu.memory_space<semaphore_mem>>) src(%dma_wait3A_465 : memref<64x64xf32, #tpu.memory_space<vmem>>) dst(%dma_wait3A_462 : memref<64x64xf32, #tpu.memory_space<hbm>>)
        tpu.yield
      }) : () -> ()
      %mul3A_421 = arith.constant 16 : i32
      %mul3A_422 = arith.muli %scan3A_257, %mul3A_421 : i32
      %add3A_423 = arith.constant 14 : i32
      %add3A_424 = arith.addi %mul3A_422, %add3A_423 : i32
      "tpu.region"() ({
        %run_scoped3A = tpu.sem_alloc : memref<!tpu.dma_semaphore, #tpu.memory_space<semaphore_mem>>
        %dma_start3A_430 = arith.constant 896 : i32
        %dma_start3A_431 = arith.constant 0 : i32
        %dma_start3A_432 = tpu.memref_slice %arg17[%dma_start3A_430, %dma_start3A_431] : memref<1024x64xf32, #tpu.memory_space<vmem>> -> memref<64x64xf32, #tpu.memory_space<vmem>>
        %dma_start3A_433 = arith.constant 0 : i32
        %dma_start3A_434 = arith.constant 0 : i32
        %dma_start3A_435 = tpu.memref_slice %arg8[%add3A_424, %dma_start3A_433, %dma_start3A_434] : memref<256x64x2048xf32, #tpu.memory_space<hbm>> -> memref<1x64x2048xf32, #tpu.memory_space<hbm>>
        %dma_start3A_436 = tpu.memref_squeeze %dma_start3A_435 : memref<1x64x2048xf32, #tpu.memory_space<hbm>> -> memref<64x2048xf32, #tpu.memory_space<hbm>>
        %dma_start3A_437 = arith.constant 0 : i32
        %dma_start3A_438 = tpu.memref_slice %dma_start3A_436[%dma_start3A_437, %mul3A_2] : memref<64x2048xf32, #tpu.memory_space<hbm>> -> memref<64x64xf32, #tpu.memory_space<hbm>>
        %dma_start3A_439 = arith.constant 0 : i32
        %dma_start3A_440 = arith.constant 0 : i32
        %dma_start3A_441 = tpu.memref_slice %arg8[%add3A_424, %dma_start3A_439, %dma_start3A_440] : memref<256x64x2048xf32, #tpu.memory_space<hbm>> -> memref<1x64x2048xf32, #tpu.memory_space<hbm>>
        %dma_start3A_442 = tpu.memref_squeeze %dma_start3A_441 : memref<1x64x2048xf32, #tpu.memory_space<hbm>> -> memref<64x2048xf32, #tpu.memory_space<hbm>>
        %dma_start3A_443 = arith.constant 0 : i32
        %dma_start3A_444 = tpu.memref_slice %dma_start3A_442[%dma_start3A_443, %mul3A_2] : memref<64x2048xf32, #tpu.memory_space<hbm>> -> memref<64x64xf32, #tpu.memory_space<hbm>>
        %dma_start3A_445 = arith.constant 896 : i32
        %dma_start3A_446 = arith.constant 0 : i32
        %dma_start3A_447 = tpu.memref_slice %arg17[%dma_start3A_445, %dma_start3A_446] : memref<1024x64xf32, #tpu.memory_space<vmem>> -> memref<64x64xf32, #tpu.memory_space<vmem>>
        tpu.enqueue_dma source(%dma_start3A_447 : memref<64x64xf32, #tpu.memory_space<vmem>>) target(%dma_start3A_444 : memref<64x64xf32, #tpu.memory_space<hbm>>) target_semaphore(%run_scoped3A : memref<!tpu.dma_semaphore, #tpu.memory_space<semaphore_mem>>)
        %dma_wait3A_448 = arith.constant 896 : i32
        %dma_wait3A_449 = arith.constant 0 : i32
        %dma_wait3A_450 = tpu.memref_slice %arg17[%dma_wait3A_448, %dma_wait3A_449] : memref<1024x64xf32, #tpu.memory_space<vmem>> -> memref<64x64xf32, #tpu.memory_space<vmem>>
        %dma_wait3A_451 = arith.constant 0 : i32
        %dma_wait3A_452 = arith.constant 0 : i32
        %dma_wait3A_453 = tpu.memref_slice %arg8[%add3A_424, %dma_wait3A_451, %dma_wait3A_452] : memref<256x64x2048xf32, #tpu.memory_space<hbm>> -> memref<1x64x2048xf32, #tpu.memory_space<hbm>>
        %dma_wait3A_454 = tpu.memref_squeeze %dma_wait3A_453 : memref<1x64x2048xf32, #tpu.memory_space<hbm>> -> memref<64x2048xf32, #tpu.memory_space<hbm>>
        %dma_wait3A_455 = arith.constant 0 : i32
        %dma_wait3A_456 = tpu.memref_slice %dma_wait3A_454[%dma_wait3A_455, %mul3A_2] : memref<64x2048xf32, #tpu.memory_space<hbm>> -> memref<64x64xf32, #tpu.memory_space<hbm>>
        %dma_wait3A_457 = arith.constant 0 : i32
        %dma_wait3A_458 = arith.constant 0 : i32
        %dma_wait3A_459 = tpu.memref_slice %arg8[%add3A_424, %dma_wait3A_457, %dma_wait3A_458] : memref<256x64x2048xf32, #tpu.memory_space<hbm>> -> memref<1x64x2048xf32, #tpu.memory_space<hbm>>
        %dma_wait3A_460 = tpu.memref_squeeze %dma_wait3A_459 : memref<1x64x2048xf32, #tpu.memory_space<hbm>> -> memref<64x2048xf32, #tpu.memory_space<hbm>>
        %dma_wait3A_461 = arith.constant 0 : i32
        %dma_wait3A_462 = tpu.memref_slice %dma_wait3A_460[%dma_wait3A_461, %mul3A_2] : memref<64x2048xf32, #tpu.memory_space<hbm>> -> memref<64x64xf32, #tpu.memory_space<hbm>>
        %dma_wait3A_463 = arith.constant 896 : i32
        %dma_wait3A_464 = arith.constant 0 : i32
        %dma_wait3A_465 = tpu.memref_slice %arg17[%dma_wait3A_463, %dma_wait3A_464] : memref<1024x64xf32, #tpu.memory_space<vmem>> -> memref<64x64xf32, #tpu.memory_space<vmem>>
        tpu.wait_dma2 semaphore(%run_scoped3A : memref<!tpu.dma_semaphore, #tpu.memory_space<semaphore_mem>>) src(%dma_wait3A_465 : memref<64x64xf32, #tpu.memory_space<vmem>>) dst(%dma_wait3A_462 : memref<64x64xf32, #tpu.memory_space<hbm>>)
        tpu.yield
      }) : () -> ()
      %mul3A_425 = arith.constant 16 : i32
      %mul3A_426 = arith.muli %scan3A_257, %mul3A_425 : i32
      %add3A_427 = arith.constant 15 : i32
      %add3A_428 = arith.addi %mul3A_426, %add3A_427 : i32
      "tpu.region"() ({
        %run_scoped3A = tpu.sem_alloc : memref<!tpu.dma_semaphore, #tpu.memory_space<semaphore_mem>>
        %dma_start3A_430 = arith.constant 960 : i32
        %dma_start3A_431 = arith.constant 0 : i32
        %dma_start3A_432 = tpu.memref_slice %arg17[%dma_start3A_430, %dma_start3A_431] : memref<1024x64xf32, #tpu.memory_space<vmem>> -> memref<64x64xf32, #tpu.memory_space<vmem>>
        %dma_start3A_433 = arith.constant 0 : i32
        %dma_start3A_434 = arith.constant 0 : i32
        %dma_start3A_435 = tpu.memref_slice %arg8[%add3A_428, %dma_start3A_433, %dma_start3A_434] : memref<256x64x2048xf32, #tpu.memory_space<hbm>> -> memref<1x64x2048xf32, #tpu.memory_space<hbm>>
        %dma_start3A_436 = tpu.memref_squeeze %dma_start3A_435 : memref<1x64x2048xf32, #tpu.memory_space<hbm>> -> memref<64x2048xf32, #tpu.memory_space<hbm>>
        %dma_start3A_437 = arith.constant 0 : i32
        %dma_start3A_438 = tpu.memref_slice %dma_start3A_436[%dma_start3A_437, %mul3A_2] : memref<64x2048xf32, #tpu.memory_space<hbm>> -> memref<64x64xf32, #tpu.memory_space<hbm>>
        %dma_start3A_439 = arith.constant 0 : i32
        %dma_start3A_440 = arith.constant 0 : i32
        %dma_start3A_441 = tpu.memref_slice %arg8[%add3A_428, %dma_start3A_439, %dma_start3A_440] : memref<256x64x2048xf32, #tpu.memory_space<hbm>> -> memref<1x64x2048xf32, #tpu.memory_space<hbm>>
        %dma_start3A_442 = tpu.memref_squeeze %dma_start3A_441 : memref<1x64x2048xf32, #tpu.memory_space<hbm>> -> memref<64x2048xf32, #tpu.memory_space<hbm>>
        %dma_start3A_443 = arith.constant 0 : i32
        %dma_start3A_444 = tpu.memref_slice %dma_start3A_442[%dma_start3A_443, %mul3A_2] : memref<64x2048xf32, #tpu.memory_space<hbm>> -> memref<64x64xf32, #tpu.memory_space<hbm>>
        %dma_start3A_445 = arith.constant 960 : i32
        %dma_start3A_446 = arith.constant 0 : i32
        %dma_start3A_447 = tpu.memref_slice %arg17[%dma_start3A_445, %dma_start3A_446] : memref<1024x64xf32, #tpu.memory_space<vmem>> -> memref<64x64xf32, #tpu.memory_space<vmem>>
        tpu.enqueue_dma source(%dma_start3A_447 : memref<64x64xf32, #tpu.memory_space<vmem>>) target(%dma_start3A_444 : memref<64x64xf32, #tpu.memory_space<hbm>>) target_semaphore(%run_scoped3A : memref<!tpu.dma_semaphore, #tpu.memory_space<semaphore_mem>>)
        %dma_wait3A_448 = arith.constant 960 : i32
        %dma_wait3A_449 = arith.constant 0 : i32
        %dma_wait3A_450 = tpu.memref_slice %arg17[%dma_wait3A_448, %dma_wait3A_449] : memref<1024x64xf32, #tpu.memory_space<vmem>> -> memref<64x64xf32, #tpu.memory_space<vmem>>
        %dma_wait3A_451 = arith.constant 0 : i32
        %dma_wait3A_452 = arith.constant 0 : i32
        %dma_wait3A_453 = tpu.memref_slice %arg8[%add3A_428, %dma_wait3A_451, %dma_wait3A_452] : memref<256x64x2048xf32, #tpu.memory_space<hbm>> -> memref<1x64x2048xf32, #tpu.memory_space<hbm>>
        %dma_wait3A_454 = tpu.memref_squeeze %dma_wait3A_453 : memref<1x64x2048xf32, #tpu.memory_space<hbm>> -> memref<64x2048xf32, #tpu.memory_space<hbm>>
        %dma_wait3A_455 = arith.constant 0 : i32
        %dma_wait3A_456 = tpu.memref_slice %dma_wait3A_454[%dma_wait3A_455, %mul3A_2] : memref<64x2048xf32, #tpu.memory_space<hbm>> -> memref<64x64xf32, #tpu.memory_space<hbm>>
        %dma_wait3A_457 = arith.constant 0 : i32
        %dma_wait3A_458 = arith.constant 0 : i32
        %dma_wait3A_459 = tpu.memref_slice %arg8[%add3A_428, %dma_wait3A_457, %dma_wait3A_458] : memref<256x64x2048xf32, #tpu.memory_space<hbm>> -> memref<1x64x2048xf32, #tpu.memory_space<hbm>>
        %dma_wait3A_460 = tpu.memref_squeeze %dma_wait3A_459 : memref<1x64x2048xf32, #tpu.memory_space<hbm>> -> memref<64x2048xf32, #tpu.memory_space<hbm>>
        %dma_wait3A_461 = arith.constant 0 : i32
        %dma_wait3A_462 = tpu.memref_slice %dma_wait3A_460[%dma_wait3A_461, %mul3A_2] : memref<64x2048xf32, #tpu.memory_space<hbm>> -> memref<64x64xf32, #tpu.memory_space<hbm>>
        %dma_wait3A_463 = arith.constant 960 : i32
        %dma_wait3A_464 = arith.constant 0 : i32
        %dma_wait3A_465 = tpu.memref_slice %arg17[%dma_wait3A_463, %dma_wait3A_464] : memref<1024x64xf32, #tpu.memory_space<vmem>> -> memref<64x64xf32, #tpu.memory_space<vmem>>
        tpu.wait_dma2 semaphore(%run_scoped3A : memref<!tpu.dma_semaphore, #tpu.memory_space<semaphore_mem>>) src(%dma_wait3A_465 : memref<64x64xf32, #tpu.memory_space<vmem>>) dst(%dma_wait3A_462 : memref<64x64xf32, #tpu.memory_space<hbm>>)
        tpu.yield
      }) : () -> ()
      "tpu.region"() ({
        %run_scoped3A = tpu.sem_alloc : memref<!tpu.dma_semaphore, #tpu.memory_space<semaphore_mem>>
        %dma_start3A_430 = arith.constant 0 : i32
        %dma_start3A_431 = arith.constant 0 : i32
        %dma_start3A_432 = arith.constant 0 : i32
        %dma_start3A_433 = tpu.memref_slice %arg7[%scan3A_257, %dma_start3A_430, %dma_start3A_431, %dma_start3A_432] : memref<16x3x16x2048xf32, #tpu.memory_space<hbm>> -> memref<1x3x16x2048xf32, #tpu.memory_space<hbm>>
        %dma_start3A_434 = tpu.memref_squeeze %dma_start3A_433 : memref<1x3x16x2048xf32, #tpu.memory_space<hbm>> -> memref<3x16x2048xf32, #tpu.memory_space<hbm>>
        %dma_start3A_435 = arith.constant 0 : i32
        %dma_start3A_436 = arith.constant 0 : i32
        %dma_start3A_437 = tpu.memref_slice %dma_start3A_434[%dma_start3A_435, %dma_start3A_436, %mul3A_2] : memref<3x16x2048xf32, #tpu.memory_space<hbm>> -> memref<3x16x64xf32, #tpu.memory_space<hbm>>
        %dma_start3A_438 = arith.constant 0 : i32
        %dma_start3A_439 = arith.constant 0 : i32
        %dma_start3A_440 = arith.constant 0 : i32
        %dma_start3A_441 = tpu.memref_slice %arg7[%scan3A_257, %dma_start3A_438, %dma_start3A_439, %dma_start3A_440] : memref<16x3x16x2048xf32, #tpu.memory_space<hbm>> -> memref<1x3x16x2048xf32, #tpu.memory_space<hbm>>
        %dma_start3A_442 = tpu.memref_squeeze %dma_start3A_441 : memref<1x3x16x2048xf32, #tpu.memory_space<hbm>> -> memref<3x16x2048xf32, #tpu.memory_space<hbm>>
        %dma_start3A_443 = arith.constant 0 : i32
        %dma_start3A_444 = arith.constant 0 : i32
        %dma_start3A_445 = tpu.memref_slice %dma_start3A_442[%dma_start3A_443, %dma_start3A_444, %mul3A_2] : memref<3x16x2048xf32, #tpu.memory_space<hbm>> -> memref<3x16x64xf32, #tpu.memory_space<hbm>>
        tpu.enqueue_dma source(%arg15 : memref<3x16x64xf32, #tpu.memory_space<vmem>>) target(%dma_start3A_445 : memref<3x16x64xf32, #tpu.memory_space<hbm>>) target_semaphore(%run_scoped3A : memref<!tpu.dma_semaphore, #tpu.memory_space<semaphore_mem>>)
        %dma_wait3A_446 = arith.constant 0 : i32
        %dma_wait3A_447 = arith.constant 0 : i32
        %dma_wait3A_448 = arith.constant 0 : i32
        %dma_wait3A_449 = tpu.memref_slice %arg7[%scan3A_257, %dma_wait3A_446, %dma_wait3A_447, %dma_wait3A_448] : memref<16x3x16x2048xf32, #tpu.memory_space<hbm>> -> memref<1x3x16x2048xf32, #tpu.memory_space<hbm>>
        %dma_wait3A_450 = tpu.memref_squeeze %dma_wait3A_449 : memref<1x3x16x2048xf32, #tpu.memory_space<hbm>> -> memref<3x16x2048xf32, #tpu.memory_space<hbm>>
        %dma_wait3A_451 = arith.constant 0 : i32
        %dma_wait3A_452 = arith.constant 0 : i32
        %dma_wait3A_453 = tpu.memref_slice %dma_wait3A_450[%dma_wait3A_451, %dma_wait3A_452, %mul3A_2] : memref<3x16x2048xf32, #tpu.memory_space<hbm>> -> memref<3x16x64xf32, #tpu.memory_space<hbm>>
        %dma_wait3A_454 = arith.constant 0 : i32
        %dma_wait3A_455 = arith.constant 0 : i32
        %dma_wait3A_456 = arith.constant 0 : i32
        %dma_wait3A_457 = tpu.memref_slice %arg7[%scan3A_257, %dma_wait3A_454, %dma_wait3A_455, %dma_wait3A_456] : memref<16x3x16x2048xf32, #tpu.memory_space<hbm>> -> memref<1x3x16x2048xf32, #tpu.memory_space<hbm>>
        %dma_wait3A_458 = tpu.memref_squeeze %dma_wait3A_457 : memref<1x3x16x2048xf32, #tpu.memory_space<hbm>> -> memref<3x16x2048xf32, #tpu.memory_space<hbm>>
        %dma_wait3A_459 = arith.constant 0 : i32
        %dma_wait3A_460 = arith.constant 0 : i32
        %dma_wait3A_461 = tpu.memref_slice %dma_wait3A_458[%dma_wait3A_459, %dma_wait3A_460, %mul3A_2] : memref<3x16x2048xf32, #tpu.memory_space<hbm>> -> memref<3x16x64xf32, #tpu.memory_space<hbm>>
        tpu.wait_dma2 semaphore(%run_scoped3A : memref<!tpu.dma_semaphore, #tpu.memory_space<semaphore_mem>>) src(%arg15 : memref<3x16x64xf32, #tpu.memory_space<vmem>>) dst(%dma_wait3A_461 : memref<3x16x64xf32, #tpu.memory_space<hbm>>)
        tpu.yield
      }) : () -> ()
      %scan3A_429 = arith.constant 0 : i32
      scf.yield %scan3A_429 : i32
    }
    %scan3A_256 = arith.constant 16 : i32
    return
  }
}

module attributes {stable_mosaic.version = 14 : i64} {
  func.func @_knn_tc_kernel(%arg0: i32, %arg1: i32, %arg2: memref<1x256x3xf32, #tpu.memory_space<vmem>>, %arg3: memref<1x3x2048xf32, #tpu.memory_space<vmem>>, %arg4: memref<1x256x16xf32, #tpu.memory_space<vmem>>, %arg5: memref<1x256x16xi32, #tpu.memory_space<vmem>>) attributes {dimension_semantics = [#tpu.dimension_semantics<arbitrary>, #tpu.dimension_semantics<arbitrary>], iteration_bounds = array<i64: 16, 8>, scalar_prefetch = 0 : i64, scratch_operands = 0 : i64, tpu.core_type = #tpu.core_type<tc>, window_params = [{transform_indices = @transform_0, window_bounds = array<i64: 1, 256, 3>}, {transform_indices = @transform_1, window_bounds = array<i64: 1, 3, 2048>}, {transform_indices = @transform_2, window_bounds = array<i64: 1, 256, 16>}, {transform_indices = @transform_3, window_bounds = array<i64: 1, 256, 16>}]} {
    %get3A = arith.constant 0 : index
    %get3A_0 = arith.constant 0 : index
    %get3A_1 = arith.constant 0 : index
    %get3A_2 = vector.load %arg2[%get3A, %get3A_0, %get3A_1] : memref<1x256x3xf32, #tpu.memory_space<vmem>>, vector<1x256x3xf32>
    %get3A_3 = vector.shape_cast %get3A_2 : vector<1x256x3xf32> to vector<256x3xf32>
    %get3A_4 = arith.constant 0 : index
    %get3A_5 = arith.constant 0 : index
    %get3A_6 = arith.constant 0 : index
    %get3A_7 = vector.load %arg3[%get3A_4, %get3A_5, %get3A_6] : memref<1x3x2048xf32, #tpu.memory_space<vmem>>, vector<1x3x2048xf32>
    %get3A_8 = vector.shape_cast %get3A_7 : vector<1x3x2048xf32> to vector<3x2048xf32>
    %mul3A = arith.mulf %get3A_3, %get3A_3 : vector<256x3xf32>
    %reduce_sum3A = arith.constant dense<0.000000e+00> : vector<256xf32>
    %reduce_sum3A_9 = vector.multi_reduction <add>, %mul3A, %reduce_sum3A [1] : vector<256x3xf32> to vector<256xf32>
    %broadcast_in_dim3A = vector.shape_cast %reduce_sum3A_9 : vector<256xf32> to vector<256x1xf32>
    %mul3A_10 = arith.mulf %get3A_8, %get3A_8 : vector<3x2048xf32>
    %reduce_sum3A_11 = arith.constant dense<0.000000e+00> : vector<2048xf32>
    %reduce_sum3A_12 = vector.multi_reduction <add>, %mul3A_10, %reduce_sum3A_11 [0] : vector<3x2048xf32> to vector<2048xf32>
    %broadcast_in_dim3A_13 = vector.shape_cast %reduce_sum3A_12 : vector<2048xf32> to vector<1x2048xf32>
    %dot_general3A = arith.constant dense<0.000000e+00> : vector<256x2048xf32>
    %dot_general3A_14 = tpu.matmul %get3A_3, %get3A_8, %dot_general3A {dimension_numbers = #tpu.dot_dimension_numbers<[1], [0], [0], [1], [0, 0, 1, 1], [], []>, transpose_lhs_hint = false} : vector<256x3xf32>, vector<3x2048xf32>, vector<256x2048xf32> -> vector<256x2048xf32>
    %add3A = vector.broadcast %broadcast_in_dim3A : vector<256x1xf32> to vector<256x2048xf32>
    %add3A_15 = vector.broadcast %broadcast_in_dim3A_13 : vector<1x2048xf32> to vector<256x2048xf32>
    %add3A_16 = arith.addf %add3A, %add3A_15 : vector<256x2048xf32>
    %mul3A_17 = arith.constant 2.000000e+00 : f32
    %mul3A_18 = vector.broadcast %mul3A_17 : f32 to vector<256x2048xf32>
    %mul3A_19 = arith.mulf %mul3A_18, %dot_general3A_14 : vector<256x2048xf32>
    %sub3A = arith.subf %add3A_16, %mul3A_19 : vector<256x2048xf32>
    %iota3A = tpu.iota {dimensions = array<i32: 1>} : vector<256x2048xi32>
    %reduce_min3A = arith.constant dense<0x7F800000> : vector<256xf32>
    %reduce_min3A_20 = vector.multi_reduction <minimumf>, %sub3A, %reduce_min3A [1] : vector<256x2048xf32> to vector<256xf32>
    %broadcast_in_dim3A_21 = vector.shape_cast %reduce_min3A_20 : vector<256xf32> to vector<256x1xf32>
    %eq3A = vector.broadcast %broadcast_in_dim3A_21 : vector<256x1xf32> to vector<256x2048xf32>
    %eq3A_22 = arith.cmpf oeq, %sub3A, %eq3A : vector<256x2048xf32>
    %jit3A = arith.constant 2048 : i32
    %broadcast_in_dim3A_23 = vector.broadcast %jit3A : i32 to vector<256x2048xi32>
    %select_n3A = arith.select %eq3A_22, %iota3A, %broadcast_in_dim3A_23 : vector<256x2048xi1>, vector<256x2048xi32>
    %reduce_min3A_24 = arith.constant dense<2147483647> : vector<256xi32>
    %reduce_min3A_25 = vector.multi_reduction <minsi>, %select_n3A, %reduce_min3A_24 [1] : vector<256x2048xi32> to vector<256xi32>
    %broadcast_in_dim3A_26 = vector.shape_cast %reduce_min3A_25 : vector<256xi32> to vector<256x1xi32>
    %eq3A_27 = vector.broadcast %broadcast_in_dim3A_26 : vector<256x1xi32> to vector<256x2048xi32>
    %eq3A_28 = arith.cmpi eq, %iota3A, %eq3A_27 : vector<256x2048xi32>
    %jit3A_29 = arith.constant 0x7F800000 : f32
    %broadcast_in_dim3A_30 = vector.broadcast %jit3A_29 : f32 to vector<256x2048xf32>
    %select_n3A_31 = arith.select %eq3A_28, %broadcast_in_dim3A_30, %sub3A : vector<256x2048xi1>, vector<256x2048xf32>
    %reduce_min3A_32 = arith.constant dense<0x7F800000> : vector<256xf32>
    %reduce_min3A_33 = vector.multi_reduction <minimumf>, %select_n3A_31, %reduce_min3A_32 [1] : vector<256x2048xf32> to vector<256xf32>
    %broadcast_in_dim3A_34 = vector.shape_cast %reduce_min3A_33 : vector<256xf32> to vector<256x1xf32>
    %eq3A_35 = vector.broadcast %broadcast_in_dim3A_34 : vector<256x1xf32> to vector<256x2048xf32>
    %eq3A_36 = arith.cmpf oeq, %select_n3A_31, %eq3A_35 : vector<256x2048xf32>
    %jit3A_37 = arith.constant 2048 : i32
    %broadcast_in_dim3A_38 = vector.broadcast %jit3A_37 : i32 to vector<256x2048xi32>
    %select_n3A_39 = arith.select %eq3A_36, %iota3A, %broadcast_in_dim3A_38 : vector<256x2048xi1>, vector<256x2048xi32>
    %reduce_min3A_40 = arith.constant dense<2147483647> : vector<256xi32>
    %reduce_min3A_41 = vector.multi_reduction <minsi>, %select_n3A_39, %reduce_min3A_40 [1] : vector<256x2048xi32> to vector<256xi32>
    %broadcast_in_dim3A_42 = vector.shape_cast %reduce_min3A_41 : vector<256xi32> to vector<256x1xi32>
    %eq3A_43 = vector.broadcast %broadcast_in_dim3A_42 : vector<256x1xi32> to vector<256x2048xi32>
    %eq3A_44 = arith.cmpi eq, %iota3A, %eq3A_43 : vector<256x2048xi32>
    %jit3A_45 = arith.constant 0x7F800000 : f32
    %broadcast_in_dim3A_46 = vector.broadcast %jit3A_45 : f32 to vector<256x2048xf32>
    %select_n3A_47 = arith.select %eq3A_44, %broadcast_in_dim3A_46, %select_n3A_31 : vector<256x2048xi1>, vector<256x2048xf32>
    %reduce_min3A_48 = arith.constant dense<0x7F800000> : vector<256xf32>
    %reduce_min3A_49 = vector.multi_reduction <minimumf>, %select_n3A_47, %reduce_min3A_48 [1] : vector<256x2048xf32> to vector<256xf32>
    %broadcast_in_dim3A_50 = vector.shape_cast %reduce_min3A_49 : vector<256xf32> to vector<256x1xf32>
    %eq3A_51 = vector.broadcast %broadcast_in_dim3A_50 : vector<256x1xf32> to vector<256x2048xf32>
    %eq3A_52 = arith.cmpf oeq, %select_n3A_47, %eq3A_51 : vector<256x2048xf32>
    %jit3A_53 = arith.constant 2048 : i32
    %broadcast_in_dim3A_54 = vector.broadcast %jit3A_53 : i32 to vector<256x2048xi32>
    %select_n3A_55 = arith.select %eq3A_52, %iota3A, %broadcast_in_dim3A_54 : vector<256x2048xi1>, vector<256x2048xi32>
    %reduce_min3A_56 = arith.constant dense<2147483647> : vector<256xi32>
    %reduce_min3A_57 = vector.multi_reduction <minsi>, %select_n3A_55, %reduce_min3A_56 [1] : vector<256x2048xi32> to vector<256xi32>
    %broadcast_in_dim3A_58 = vector.shape_cast %reduce_min3A_57 : vector<256xi32> to vector<256x1xi32>
    %eq3A_59 = vector.broadcast %broadcast_in_dim3A_58 : vector<256x1xi32> to vector<256x2048xi32>
    %eq3A_60 = arith.cmpi eq, %iota3A, %eq3A_59 : vector<256x2048xi32>
    %jit3A_61 = arith.constant 0x7F800000 : f32
    %broadcast_in_dim3A_62 = vector.broadcast %jit3A_61 : f32 to vector<256x2048xf32>
    %select_n3A_63 = arith.select %eq3A_60, %broadcast_in_dim3A_62, %select_n3A_47 : vector<256x2048xi1>, vector<256x2048xf32>
    %reduce_min3A_64 = arith.constant dense<0x7F800000> : vector<256xf32>
    %reduce_min3A_65 = vector.multi_reduction <minimumf>, %select_n3A_63, %reduce_min3A_64 [1] : vector<256x2048xf32> to vector<256xf32>
    %broadcast_in_dim3A_66 = vector.shape_cast %reduce_min3A_65 : vector<256xf32> to vector<256x1xf32>
    %eq3A_67 = vector.broadcast %broadcast_in_dim3A_66 : vector<256x1xf32> to vector<256x2048xf32>
    %eq3A_68 = arith.cmpf oeq, %select_n3A_63, %eq3A_67 : vector<256x2048xf32>
    %jit3A_69 = arith.constant 2048 : i32
    %broadcast_in_dim3A_70 = vector.broadcast %jit3A_69 : i32 to vector<256x2048xi32>
    %select_n3A_71 = arith.select %eq3A_68, %iota3A, %broadcast_in_dim3A_70 : vector<256x2048xi1>, vector<256x2048xi32>
    %reduce_min3A_72 = arith.constant dense<2147483647> : vector<256xi32>
    %reduce_min3A_73 = vector.multi_reduction <minsi>, %select_n3A_71, %reduce_min3A_72 [1] : vector<256x2048xi32> to vector<256xi32>
    %broadcast_in_dim3A_74 = vector.shape_cast %reduce_min3A_73 : vector<256xi32> to vector<256x1xi32>
    %eq3A_75 = vector.broadcast %broadcast_in_dim3A_74 : vector<256x1xi32> to vector<256x2048xi32>
    %eq3A_76 = arith.cmpi eq, %iota3A, %eq3A_75 : vector<256x2048xi32>
    %jit3A_77 = arith.constant 0x7F800000 : f32
    %broadcast_in_dim3A_78 = vector.broadcast %jit3A_77 : f32 to vector<256x2048xf32>
    %select_n3A_79 = arith.select %eq3A_76, %broadcast_in_dim3A_78, %select_n3A_63 : vector<256x2048xi1>, vector<256x2048xf32>
    %reduce_min3A_80 = arith.constant dense<0x7F800000> : vector<256xf32>
    %reduce_min3A_81 = vector.multi_reduction <minimumf>, %select_n3A_79, %reduce_min3A_80 [1] : vector<256x2048xf32> to vector<256xf32>
    %broadcast_in_dim3A_82 = vector.shape_cast %reduce_min3A_81 : vector<256xf32> to vector<256x1xf32>
    %eq3A_83 = vector.broadcast %broadcast_in_dim3A_82 : vector<256x1xf32> to vector<256x2048xf32>
    %eq3A_84 = arith.cmpf oeq, %select_n3A_79, %eq3A_83 : vector<256x2048xf32>
    %jit3A_85 = arith.constant 2048 : i32
    %broadcast_in_dim3A_86 = vector.broadcast %jit3A_85 : i32 to vector<256x2048xi32>
    %select_n3A_87 = arith.select %eq3A_84, %iota3A, %broadcast_in_dim3A_86 : vector<256x2048xi1>, vector<256x2048xi32>
    %reduce_min3A_88 = arith.constant dense<2147483647> : vector<256xi32>
    %reduce_min3A_89 = vector.multi_reduction <minsi>, %select_n3A_87, %reduce_min3A_88 [1] : vector<256x2048xi32> to vector<256xi32>
    %broadcast_in_dim3A_90 = vector.shape_cast %reduce_min3A_89 : vector<256xi32> to vector<256x1xi32>
    %eq3A_91 = vector.broadcast %broadcast_in_dim3A_90 : vector<256x1xi32> to vector<256x2048xi32>
    %eq3A_92 = arith.cmpi eq, %iota3A, %eq3A_91 : vector<256x2048xi32>
    %jit3A_93 = arith.constant 0x7F800000 : f32
    %broadcast_in_dim3A_94 = vector.broadcast %jit3A_93 : f32 to vector<256x2048xf32>
    %select_n3A_95 = arith.select %eq3A_92, %broadcast_in_dim3A_94, %select_n3A_79 : vector<256x2048xi1>, vector<256x2048xf32>
    %reduce_min3A_96 = arith.constant dense<0x7F800000> : vector<256xf32>
    %reduce_min3A_97 = vector.multi_reduction <minimumf>, %select_n3A_95, %reduce_min3A_96 [1] : vector<256x2048xf32> to vector<256xf32>
    %broadcast_in_dim3A_98 = vector.shape_cast %reduce_min3A_97 : vector<256xf32> to vector<256x1xf32>
    %eq3A_99 = vector.broadcast %broadcast_in_dim3A_98 : vector<256x1xf32> to vector<256x2048xf32>
    %eq3A_100 = arith.cmpf oeq, %select_n3A_95, %eq3A_99 : vector<256x2048xf32>
    %jit3A_101 = arith.constant 2048 : i32
    %broadcast_in_dim3A_102 = vector.broadcast %jit3A_101 : i32 to vector<256x2048xi32>
    %select_n3A_103 = arith.select %eq3A_100, %iota3A, %broadcast_in_dim3A_102 : vector<256x2048xi1>, vector<256x2048xi32>
    %reduce_min3A_104 = arith.constant dense<2147483647> : vector<256xi32>
    %reduce_min3A_105 = vector.multi_reduction <minsi>, %select_n3A_103, %reduce_min3A_104 [1] : vector<256x2048xi32> to vector<256xi32>
    %broadcast_in_dim3A_106 = vector.shape_cast %reduce_min3A_105 : vector<256xi32> to vector<256x1xi32>
    %eq3A_107 = vector.broadcast %broadcast_in_dim3A_106 : vector<256x1xi32> to vector<256x2048xi32>
    %eq3A_108 = arith.cmpi eq, %iota3A, %eq3A_107 : vector<256x2048xi32>
    %jit3A_109 = arith.constant 0x7F800000 : f32
    %broadcast_in_dim3A_110 = vector.broadcast %jit3A_109 : f32 to vector<256x2048xf32>
    %select_n3A_111 = arith.select %eq3A_108, %broadcast_in_dim3A_110, %select_n3A_95 : vector<256x2048xi1>, vector<256x2048xf32>
    %reduce_min3A_112 = arith.constant dense<0x7F800000> : vector<256xf32>
    %reduce_min3A_113 = vector.multi_reduction <minimumf>, %select_n3A_111, %reduce_min3A_112 [1] : vector<256x2048xf32> to vector<256xf32>
    %broadcast_in_dim3A_114 = vector.shape_cast %reduce_min3A_113 : vector<256xf32> to vector<256x1xf32>
    %eq3A_115 = vector.broadcast %broadcast_in_dim3A_114 : vector<256x1xf32> to vector<256x2048xf32>
    %eq3A_116 = arith.cmpf oeq, %select_n3A_111, %eq3A_115 : vector<256x2048xf32>
    %jit3A_117 = arith.constant 2048 : i32
    %broadcast_in_dim3A_118 = vector.broadcast %jit3A_117 : i32 to vector<256x2048xi32>
    %select_n3A_119 = arith.select %eq3A_116, %iota3A, %broadcast_in_dim3A_118 : vector<256x2048xi1>, vector<256x2048xi32>
    %reduce_min3A_120 = arith.constant dense<2147483647> : vector<256xi32>
    %reduce_min3A_121 = vector.multi_reduction <minsi>, %select_n3A_119, %reduce_min3A_120 [1] : vector<256x2048xi32> to vector<256xi32>
    %broadcast_in_dim3A_122 = vector.shape_cast %reduce_min3A_121 : vector<256xi32> to vector<256x1xi32>
    %eq3A_123 = vector.broadcast %broadcast_in_dim3A_122 : vector<256x1xi32> to vector<256x2048xi32>
    %eq3A_124 = arith.cmpi eq, %iota3A, %eq3A_123 : vector<256x2048xi32>
    %jit3A_125 = arith.constant 0x7F800000 : f32
    %broadcast_in_dim3A_126 = vector.broadcast %jit3A_125 : f32 to vector<256x2048xf32>
    %select_n3A_127 = arith.select %eq3A_124, %broadcast_in_dim3A_126, %select_n3A_111 : vector<256x2048xi1>, vector<256x2048xf32>
    %reduce_min3A_128 = arith.constant dense<0x7F800000> : vector<256xf32>
    %reduce_min3A_129 = vector.multi_reduction <minimumf>, %select_n3A_127, %reduce_min3A_128 [1] : vector<256x2048xf32> to vector<256xf32>
    %broadcast_in_dim3A_130 = vector.shape_cast %reduce_min3A_129 : vector<256xf32> to vector<256x1xf32>
    %eq3A_131 = vector.broadcast %broadcast_in_dim3A_130 : vector<256x1xf32> to vector<256x2048xf32>
    %eq3A_132 = arith.cmpf oeq, %select_n3A_127, %eq3A_131 : vector<256x2048xf32>
    %jit3A_133 = arith.constant 2048 : i32
    %broadcast_in_dim3A_134 = vector.broadcast %jit3A_133 : i32 to vector<256x2048xi32>
    %select_n3A_135 = arith.select %eq3A_132, %iota3A, %broadcast_in_dim3A_134 : vector<256x2048xi1>, vector<256x2048xi32>
    %reduce_min3A_136 = arith.constant dense<2147483647> : vector<256xi32>
    %reduce_min3A_137 = vector.multi_reduction <minsi>, %select_n3A_135, %reduce_min3A_136 [1] : vector<256x2048xi32> to vector<256xi32>
    %broadcast_in_dim3A_138 = vector.shape_cast %reduce_min3A_137 : vector<256xi32> to vector<256x1xi32>
    %eq3A_139 = vector.broadcast %broadcast_in_dim3A_138 : vector<256x1xi32> to vector<256x2048xi32>
    %eq3A_140 = arith.cmpi eq, %iota3A, %eq3A_139 : vector<256x2048xi32>
    %jit3A_141 = arith.constant 0x7F800000 : f32
    %broadcast_in_dim3A_142 = vector.broadcast %jit3A_141 : f32 to vector<256x2048xf32>
    %select_n3A_143 = arith.select %eq3A_140, %broadcast_in_dim3A_142, %select_n3A_127 : vector<256x2048xi1>, vector<256x2048xf32>
    %reduce_min3A_144 = arith.constant dense<0x7F800000> : vector<256xf32>
    %reduce_min3A_145 = vector.multi_reduction <minimumf>, %select_n3A_143, %reduce_min3A_144 [1] : vector<256x2048xf32> to vector<256xf32>
    %broadcast_in_dim3A_146 = vector.shape_cast %reduce_min3A_145 : vector<256xf32> to vector<256x1xf32>
    %eq3A_147 = vector.broadcast %broadcast_in_dim3A_146 : vector<256x1xf32> to vector<256x2048xf32>
    %eq3A_148 = arith.cmpf oeq, %select_n3A_143, %eq3A_147 : vector<256x2048xf32>
    %jit3A_149 = arith.constant 2048 : i32
    %broadcast_in_dim3A_150 = vector.broadcast %jit3A_149 : i32 to vector<256x2048xi32>
    %select_n3A_151 = arith.select %eq3A_148, %iota3A, %broadcast_in_dim3A_150 : vector<256x2048xi1>, vector<256x2048xi32>
    %reduce_min3A_152 = arith.constant dense<2147483647> : vector<256xi32>
    %reduce_min3A_153 = vector.multi_reduction <minsi>, %select_n3A_151, %reduce_min3A_152 [1] : vector<256x2048xi32> to vector<256xi32>
    %broadcast_in_dim3A_154 = vector.shape_cast %reduce_min3A_153 : vector<256xi32> to vector<256x1xi32>
    %eq3A_155 = vector.broadcast %broadcast_in_dim3A_154 : vector<256x1xi32> to vector<256x2048xi32>
    %eq3A_156 = arith.cmpi eq, %iota3A, %eq3A_155 : vector<256x2048xi32>
    %jit3A_157 = arith.constant 0x7F800000 : f32
    %broadcast_in_dim3A_158 = vector.broadcast %jit3A_157 : f32 to vector<256x2048xf32>
    %select_n3A_159 = arith.select %eq3A_156, %broadcast_in_dim3A_158, %select_n3A_143 : vector<256x2048xi1>, vector<256x2048xf32>
    %reduce_min3A_160 = arith.constant dense<0x7F800000> : vector<256xf32>
    %reduce_min3A_161 = vector.multi_reduction <minimumf>, %select_n3A_159, %reduce_min3A_160 [1] : vector<256x2048xf32> to vector<256xf32>
    %broadcast_in_dim3A_162 = vector.shape_cast %reduce_min3A_161 : vector<256xf32> to vector<256x1xf32>
    %eq3A_163 = vector.broadcast %broadcast_in_dim3A_162 : vector<256x1xf32> to vector<256x2048xf32>
    %eq3A_164 = arith.cmpf oeq, %select_n3A_159, %eq3A_163 : vector<256x2048xf32>
    %jit3A_165 = arith.constant 2048 : i32
    %broadcast_in_dim3A_166 = vector.broadcast %jit3A_165 : i32 to vector<256x2048xi32>
    %select_n3A_167 = arith.select %eq3A_164, %iota3A, %broadcast_in_dim3A_166 : vector<256x2048xi1>, vector<256x2048xi32>
    %reduce_min3A_168 = arith.constant dense<2147483647> : vector<256xi32>
    %reduce_min3A_169 = vector.multi_reduction <minsi>, %select_n3A_167, %reduce_min3A_168 [1] : vector<256x2048xi32> to vector<256xi32>
    %broadcast_in_dim3A_170 = vector.shape_cast %reduce_min3A_169 : vector<256xi32> to vector<256x1xi32>
    %eq3A_171 = vector.broadcast %broadcast_in_dim3A_170 : vector<256x1xi32> to vector<256x2048xi32>
    %eq3A_172 = arith.cmpi eq, %iota3A, %eq3A_171 : vector<256x2048xi32>
    %jit3A_173 = arith.constant 0x7F800000 : f32
    %broadcast_in_dim3A_174 = vector.broadcast %jit3A_173 : f32 to vector<256x2048xf32>
    %select_n3A_175 = arith.select %eq3A_172, %broadcast_in_dim3A_174, %select_n3A_159 : vector<256x2048xi1>, vector<256x2048xf32>
    %reduce_min3A_176 = arith.constant dense<0x7F800000> : vector<256xf32>
    %reduce_min3A_177 = vector.multi_reduction <minimumf>, %select_n3A_175, %reduce_min3A_176 [1] : vector<256x2048xf32> to vector<256xf32>
    %broadcast_in_dim3A_178 = vector.shape_cast %reduce_min3A_177 : vector<256xf32> to vector<256x1xf32>
    %eq3A_179 = vector.broadcast %broadcast_in_dim3A_178 : vector<256x1xf32> to vector<256x2048xf32>
    %eq3A_180 = arith.cmpf oeq, %select_n3A_175, %eq3A_179 : vector<256x2048xf32>
    %jit3A_181 = arith.constant 2048 : i32
    %broadcast_in_dim3A_182 = vector.broadcast %jit3A_181 : i32 to vector<256x2048xi32>
    %select_n3A_183 = arith.select %eq3A_180, %iota3A, %broadcast_in_dim3A_182 : vector<256x2048xi1>, vector<256x2048xi32>
    %reduce_min3A_184 = arith.constant dense<2147483647> : vector<256xi32>
    %reduce_min3A_185 = vector.multi_reduction <minsi>, %select_n3A_183, %reduce_min3A_184 [1] : vector<256x2048xi32> to vector<256xi32>
    %broadcast_in_dim3A_186 = vector.shape_cast %reduce_min3A_185 : vector<256xi32> to vector<256x1xi32>
    %eq3A_187 = vector.broadcast %broadcast_in_dim3A_186 : vector<256x1xi32> to vector<256x2048xi32>
    %eq3A_188 = arith.cmpi eq, %iota3A, %eq3A_187 : vector<256x2048xi32>
    %jit3A_189 = arith.constant 0x7F800000 : f32
    %broadcast_in_dim3A_190 = vector.broadcast %jit3A_189 : f32 to vector<256x2048xf32>
    %select_n3A_191 = arith.select %eq3A_188, %broadcast_in_dim3A_190, %select_n3A_175 : vector<256x2048xi1>, vector<256x2048xf32>
    %reduce_min3A_192 = arith.constant dense<0x7F800000> : vector<256xf32>
    %reduce_min3A_193 = vector.multi_reduction <minimumf>, %select_n3A_191, %reduce_min3A_192 [1] : vector<256x2048xf32> to vector<256xf32>
    %broadcast_in_dim3A_194 = vector.shape_cast %reduce_min3A_193 : vector<256xf32> to vector<256x1xf32>
    %eq3A_195 = vector.broadcast %broadcast_in_dim3A_194 : vector<256x1xf32> to vector<256x2048xf32>
    %eq3A_196 = arith.cmpf oeq, %select_n3A_191, %eq3A_195 : vector<256x2048xf32>
    %jit3A_197 = arith.constant 2048 : i32
    %broadcast_in_dim3A_198 = vector.broadcast %jit3A_197 : i32 to vector<256x2048xi32>
    %select_n3A_199 = arith.select %eq3A_196, %iota3A, %broadcast_in_dim3A_198 : vector<256x2048xi1>, vector<256x2048xi32>
    %reduce_min3A_200 = arith.constant dense<2147483647> : vector<256xi32>
    %reduce_min3A_201 = vector.multi_reduction <minsi>, %select_n3A_199, %reduce_min3A_200 [1] : vector<256x2048xi32> to vector<256xi32>
    %broadcast_in_dim3A_202 = vector.shape_cast %reduce_min3A_201 : vector<256xi32> to vector<256x1xi32>
    %eq3A_203 = vector.broadcast %broadcast_in_dim3A_202 : vector<256x1xi32> to vector<256x2048xi32>
    %eq3A_204 = arith.cmpi eq, %iota3A, %eq3A_203 : vector<256x2048xi32>
    %jit3A_205 = arith.constant 0x7F800000 : f32
    %broadcast_in_dim3A_206 = vector.broadcast %jit3A_205 : f32 to vector<256x2048xf32>
    %select_n3A_207 = arith.select %eq3A_204, %broadcast_in_dim3A_206, %select_n3A_191 : vector<256x2048xi1>, vector<256x2048xf32>
    %reduce_min3A_208 = arith.constant dense<0x7F800000> : vector<256xf32>
    %reduce_min3A_209 = vector.multi_reduction <minimumf>, %select_n3A_207, %reduce_min3A_208 [1] : vector<256x2048xf32> to vector<256xf32>
    %broadcast_in_dim3A_210 = vector.shape_cast %reduce_min3A_209 : vector<256xf32> to vector<256x1xf32>
    %eq3A_211 = vector.broadcast %broadcast_in_dim3A_210 : vector<256x1xf32> to vector<256x2048xf32>
    %eq3A_212 = arith.cmpf oeq, %select_n3A_207, %eq3A_211 : vector<256x2048xf32>
    %jit3A_213 = arith.constant 2048 : i32
    %broadcast_in_dim3A_214 = vector.broadcast %jit3A_213 : i32 to vector<256x2048xi32>
    %select_n3A_215 = arith.select %eq3A_212, %iota3A, %broadcast_in_dim3A_214 : vector<256x2048xi1>, vector<256x2048xi32>
    %reduce_min3A_216 = arith.constant dense<2147483647> : vector<256xi32>
    %reduce_min3A_217 = vector.multi_reduction <minsi>, %select_n3A_215, %reduce_min3A_216 [1] : vector<256x2048xi32> to vector<256xi32>
    %broadcast_in_dim3A_218 = vector.shape_cast %reduce_min3A_217 : vector<256xi32> to vector<256x1xi32>
    %eq3A_219 = vector.broadcast %broadcast_in_dim3A_218 : vector<256x1xi32> to vector<256x2048xi32>
    %eq3A_220 = arith.cmpi eq, %iota3A, %eq3A_219 : vector<256x2048xi32>
    %jit3A_221 = arith.constant 0x7F800000 : f32
    %broadcast_in_dim3A_222 = vector.broadcast %jit3A_221 : f32 to vector<256x2048xf32>
    %select_n3A_223 = arith.select %eq3A_220, %broadcast_in_dim3A_222, %select_n3A_207 : vector<256x2048xi1>, vector<256x2048xf32>
    %reduce_min3A_224 = arith.constant dense<0x7F800000> : vector<256xf32>
    %reduce_min3A_225 = vector.multi_reduction <minimumf>, %select_n3A_223, %reduce_min3A_224 [1] : vector<256x2048xf32> to vector<256xf32>
    %broadcast_in_dim3A_226 = vector.shape_cast %reduce_min3A_225 : vector<256xf32> to vector<256x1xf32>
    %eq3A_227 = vector.broadcast %broadcast_in_dim3A_226 : vector<256x1xf32> to vector<256x2048xf32>
    %eq3A_228 = arith.cmpf oeq, %select_n3A_223, %eq3A_227 : vector<256x2048xf32>
    %jit3A_229 = arith.constant 2048 : i32
    %broadcast_in_dim3A_230 = vector.broadcast %jit3A_229 : i32 to vector<256x2048xi32>
    %select_n3A_231 = arith.select %eq3A_228, %iota3A, %broadcast_in_dim3A_230 : vector<256x2048xi1>, vector<256x2048xi32>
    %reduce_min3A_232 = arith.constant dense<2147483647> : vector<256xi32>
    %reduce_min3A_233 = vector.multi_reduction <minsi>, %select_n3A_231, %reduce_min3A_232 [1] : vector<256x2048xi32> to vector<256xi32>
    %broadcast_in_dim3A_234 = vector.shape_cast %reduce_min3A_233 : vector<256xi32> to vector<256x1xi32>
    %eq3A_235 = vector.broadcast %broadcast_in_dim3A_234 : vector<256x1xi32> to vector<256x2048xi32>
    %eq3A_236 = arith.cmpi eq, %iota3A, %eq3A_235 : vector<256x2048xi32>
    %jit3A_237 = arith.constant 0x7F800000 : f32
    %broadcast_in_dim3A_238 = vector.broadcast %jit3A_237 : f32 to vector<256x2048xf32>
    %select_n3A_239 = arith.select %eq3A_236, %broadcast_in_dim3A_238, %select_n3A_223 : vector<256x2048xi1>, vector<256x2048xf32>
    %reduce_min3A_240 = arith.constant dense<0x7F800000> : vector<256xf32>
    %reduce_min3A_241 = vector.multi_reduction <minimumf>, %select_n3A_239, %reduce_min3A_240 [1] : vector<256x2048xf32> to vector<256xf32>
    %broadcast_in_dim3A_242 = vector.shape_cast %reduce_min3A_241 : vector<256xf32> to vector<256x1xf32>
    %eq3A_243 = vector.broadcast %broadcast_in_dim3A_242 : vector<256x1xf32> to vector<256x2048xf32>
    %eq3A_244 = arith.cmpf oeq, %select_n3A_239, %eq3A_243 : vector<256x2048xf32>
    %jit3A_245 = arith.constant 2048 : i32
    %broadcast_in_dim3A_246 = vector.broadcast %jit3A_245 : i32 to vector<256x2048xi32>
    %select_n3A_247 = arith.select %eq3A_244, %iota3A, %broadcast_in_dim3A_246 : vector<256x2048xi1>, vector<256x2048xi32>
    %reduce_min3A_248 = arith.constant dense<2147483647> : vector<256xi32>
    %reduce_min3A_249 = vector.multi_reduction <minsi>, %select_n3A_247, %reduce_min3A_248 [1] : vector<256x2048xi32> to vector<256xi32>
    %broadcast_in_dim3A_250 = vector.shape_cast %reduce_min3A_249 : vector<256xi32> to vector<256x1xi32>
    %eq3A_251 = vector.broadcast %broadcast_in_dim3A_250 : vector<256x1xi32> to vector<256x2048xi32>
    %eq3A_252 = arith.cmpi eq, %iota3A, %eq3A_251 : vector<256x2048xi32>
    %jit3A_253 = arith.constant 0x7F800000 : f32
    %broadcast_in_dim3A_254 = vector.broadcast %jit3A_253 : f32 to vector<256x2048xf32>
    %select_n3A_255 = arith.select %eq3A_252, %broadcast_in_dim3A_254, %select_n3A_239 : vector<256x2048xi1>, vector<256x2048xf32>
    %reduce_min3A_256 = arith.constant dense<0x7F800000> : vector<256xf32>
    %reduce_min3A_257 = vector.multi_reduction <minimumf>, %select_n3A_255, %reduce_min3A_256 [1] : vector<256x2048xf32> to vector<256xf32>
    %broadcast_in_dim3A_258 = vector.shape_cast %reduce_min3A_257 : vector<256xf32> to vector<256x1xf32>
    %eq3A_259 = vector.broadcast %broadcast_in_dim3A_258 : vector<256x1xf32> to vector<256x2048xf32>
    %eq3A_260 = arith.cmpf oeq, %select_n3A_255, %eq3A_259 : vector<256x2048xf32>
    %jit3A_261 = arith.constant 2048 : i32
    %broadcast_in_dim3A_262 = vector.broadcast %jit3A_261 : i32 to vector<256x2048xi32>
    %select_n3A_263 = arith.select %eq3A_260, %iota3A, %broadcast_in_dim3A_262 : vector<256x2048xi1>, vector<256x2048xi32>
    %reduce_min3A_264 = arith.constant dense<2147483647> : vector<256xi32>
    %reduce_min3A_265 = vector.multi_reduction <minsi>, %select_n3A_263, %reduce_min3A_264 [1] : vector<256x2048xi32> to vector<256xi32>
    %broadcast_in_dim3A_266 = vector.shape_cast %reduce_min3A_265 : vector<256xi32> to vector<256x1xi32>
    %concatenate3A = tpu.concatenate %broadcast_in_dim3A_21, %broadcast_in_dim3A_34, %broadcast_in_dim3A_50, %broadcast_in_dim3A_66, %broadcast_in_dim3A_82, %broadcast_in_dim3A_98, %broadcast_in_dim3A_114, %broadcast_in_dim3A_130, %broadcast_in_dim3A_146, %broadcast_in_dim3A_162, %broadcast_in_dim3A_178, %broadcast_in_dim3A_194, %broadcast_in_dim3A_210, %broadcast_in_dim3A_226, %broadcast_in_dim3A_242, %broadcast_in_dim3A_258 in 1 : vector<256x1xf32>, vector<256x1xf32>, vector<256x1xf32>, vector<256x1xf32>, vector<256x1xf32>, vector<256x1xf32>, vector<256x1xf32>, vector<256x1xf32>, vector<256x1xf32>, vector<256x1xf32>, vector<256x1xf32>, vector<256x1xf32>, vector<256x1xf32>, vector<256x1xf32>, vector<256x1xf32>, vector<256x1xf32> -> vector<256x16xf32>
    %swap3A = arith.constant 0 : index
    %swap3A_267 = arith.constant 0 : index
    %swap3A_268 = arith.constant 0 : index
    %swap3A_269 = vector.load %arg4[%swap3A, %swap3A_267, %swap3A_268] : memref<1x256x16xf32, #tpu.memory_space<vmem>>, vector<1x256x16xf32>
    %swap3A_270 = vector.shape_cast %swap3A_269 : vector<1x256x16xf32> to vector<256x16xf32>
    %swap3A_271 = vector.shape_cast %concatenate3A : vector<256x16xf32> to vector<1x256x16xf32>
    tpu.vector_store %arg4[%swap3A, %swap3A_267, %swap3A_268], %swap3A_271 {strides = array<i32>} : memref<1x256x16xf32, #tpu.memory_space<vmem>>, vector<1x256x16xf32>,
    %concatenate3A_272 = tpu.concatenate %broadcast_in_dim3A_26, %broadcast_in_dim3A_42, %broadcast_in_dim3A_58, %broadcast_in_dim3A_74, %broadcast_in_dim3A_90, %broadcast_in_dim3A_106, %broadcast_in_dim3A_122, %broadcast_in_dim3A_138, %broadcast_in_dim3A_154, %broadcast_in_dim3A_170, %broadcast_in_dim3A_186, %broadcast_in_dim3A_202, %broadcast_in_dim3A_218, %broadcast_in_dim3A_234, %broadcast_in_dim3A_250, %broadcast_in_dim3A_266 in 1 : vector<256x1xi32>, vector<256x1xi32>, vector<256x1xi32>, vector<256x1xi32>, vector<256x1xi32>, vector<256x1xi32>, vector<256x1xi32>, vector<256x1xi32>, vector<256x1xi32>, vector<256x1xi32>, vector<256x1xi32>, vector<256x1xi32>, vector<256x1xi32>, vector<256x1xi32>, vector<256x1xi32>, vector<256x1xi32> -> vector<256x16xi32>
    %swap3A_273 = arith.constant 0 : index
    %swap3A_274 = arith.constant 0 : index
    %swap3A_275 = arith.constant 0 : index
    %swap3A_276 = vector.load %arg5[%swap3A_273, %swap3A_274, %swap3A_275] : memref<1x256x16xi32, #tpu.memory_space<vmem>>, vector<1x256x16xi32>
    %swap3A_277 = vector.shape_cast %swap3A_276 : vector<1x256x16xi32> to vector<256x16xi32>
    %swap3A_278 = vector.shape_cast %concatenate3A_272 : vector<256x16xi32> to vector<1x256x16xi32>
    tpu.vector_store %arg5[%swap3A_273, %swap3A_274, %swap3A_275], %swap3A_278 {strides = array<i32>} : memref<1x256x16xi32, #tpu.memory_space<vmem>>, vector<1x256x16xi32>,
    return
  }
  func.func @transform_0(%arg0: i32, %arg1: i32) -> (i32, i32, i32) {
    %c0_i32 = arith.constant 0 : i32
    %c0_i32_0 = arith.constant 0 : i32
    return %arg0, %arg1, %c0_i32 : i32, i32, i32
  }
  func.func @transform_1(%arg0: i32, %arg1: i32) -> (i32, i32, i32) {
    %c0_i32 = arith.constant 0 : i32
    %c0_i32_0 = arith.constant 0 : i32
    %c0_i32_1 = arith.constant 0 : i32
    return %arg0, %c0_i32, %c0_i32_0 : i32, i32, i32
  }
  func.func @transform_2(%arg0: i32, %arg1: i32) -> (i32, i32, i32) {
    %c0_i32 = arith.constant 0 : i32
    %c0_i32_0 = arith.constant 0 : i32
    return %arg0, %arg1, %c0_i32 : i32, i32, i32
  }
  func.func @transform_3(%arg0: i32, %arg1: i32) -> (i32, i32, i32) {
    %c0_i32 = arith.constant 0 : i32
    %c0_i32_0 = arith.constant 0 : i32
    return %arg0, %arg1, %c0_i32 : i32, i32, i32
  }
}

</mosaic_0001>

<sc_bundles>
// kernel: kernel.4.cloned.1.call-start
scs
__scs_entry_jumppad:
0x0: {  	(pc) =	sbr.rel $0x88, $3  }
0x1: {  	(tag) =	ssettag $0x0;
	lr =	simm.s32 $0x1  }
0x2: {  	[smem:$0x3F9F] =	sst lr;
	_ =	strace $0xD0000000  }
0x3: {  	_ = 	snop  }
0x4: {  	_ = 	snop  }
0x5: {  	_ = 	snop  }
0x6: {  	_ = 	snop  }
0x7: {  	_ = 	snop  }
__scs_overlays_trampoline_lowered:
0x8: {  	[smem:$0x3FAE] =	sst s0  }
0x9: {  	[smem:$0x3FAF] =	sst s1  }
0xa: {  	[smem:$0x3FB0] =	sst s2  }
0xb: {  	[smem:$0x3FB1] =	sst s3  }
0xc: {  	[smem:$0x3FB2] =	sst s4  }
0xd: {  	[smem:$0x3FB3] =	sst s5  }
0xe: {  	[smem:$0x3FB4] =	sst s6  }
0xf: {  	[smem:$0x3FB5] =	sst s7  }
0x10: {  	[smem:$0x3FB6] =	sst s8  }
0x11: {  	[smem:$0x3FB7] =	sst s9;
	s0 =	simm.s32 @!p0 $0x0  }
0x12: {  	s1 =	sld [smem:$0x3F9D];
	s0 =	simm.s32 @p0 $0x1  }
0x13: {  	[smem:$0x3FB8] =	sst s0;
	s0 =	simm.s32 @!p1 $0x0  }
0x14: {  	s2 =	sld [smem:$0x3F9C];
	s0 =	simm.s32 @p1 $0x1  }
0x15: {  	[smem:$0x3FB9] =	sst s0;
	s0 =	simm.s32 @!p2 $0x0  }
0x16: {  	s3 =	sld [smem:$0x3FDB];
	s0 =	simm.s32 @p2 $0x1  }
0x17: {  	s4 =	simm.s32 $0x1BF5;
	[smem:$0x3FBB] =	sst s0  }
0x18: {  	s0 =	sld [smem:$0x3F9E];
	_ =	swait.ge [sflag:s4], $0x0  }
0x19: {  	s7 =	sld [smem:$0x3F9F]  }
0x1a: {  	s8 =	sadd.s32 $0xFFFFE003, lr  }
0x1b: {  	s9 =	sadd.s32 $0xFFFFFEF7, lr;
	s5 =	simm.s32 $0xFFFFFFFF;
	p2 =	slt.u32 s8, $0xFFFFF086  }
0x1c: {  	p1 =	slt.u32 s9, $0xF7A;
	s5 =	simm.s32 @!p2 $0x0  }
0x1d: {  	s5 =	simm.s32 @p1 $0x1;
	p0 =	seq.s32 s7, s2  }
0x1e: {  	s7 =	smul.u32 @!p0 $0xF7A, s2;
	p2 =	seq.s32 @!p0 s5, $0x0  }
0x1f: {  	s9 =	smul.u32 $0xF7A, s1;
	s8 =	simm.s32 @!p0 $0x1BF5;
	p2 =	por !p2, p0  }
0x20: {  	[sflag:s8] =	ssyncset.s32 @!p0 $0xFFFFF086;
	s6 =	sadd.s32 @!p0 s3, s7;
	s7 =	simm.s32 @!p0 $0x108  }
0x21: {  	s3 =	sadd.s32 s3, s9;
	s6 =	sadd.s32 @!p0 $0x88, s6;
	s7 =	simm.s32 @p2 $0x1082  }
0x22: {  	[simem:s7], [sflag:s8] =	dma.local @!p0 [hbm:s6], $0xF7A  }
0x23: {  	s9 =	sor.u32 $0xD0000000, s2;
	s6 =	simm.s32 $0x108;
	_ =	swait.ge @!p0 [sflag:s8], $0x0  }
0x24: {  	s3 =	sadd.s32 $0x88, s3;
	s6 =	simm.s32 @!p1 $0x1082;
	[sflag:s4] =	ssyncset.s32 $0xFFFFF086  }
0x25: {  	[simem:s6], [sflag:s4] =	dma.local [hbm:s3], $0xF7A  }
0x26: {  	[smem:$0x3F9F] =	sst s1;
	(tag) =	ssettag s2;
	_ =	strace s9  }
0x27: {  	s1 =	sld [smem:$0x3FAF]  }
0x28: {  	s2 =	sld [smem:$0x3FB0]  }
0x29: {  	s4 =	sld [smem:$0x3FB2]  }
0x2a: {  	p0 =	seq.s32 s5, $0x0;
	s5 =	sld [smem:$0x3FB3]  }
0x2b: {  	s6 =	sld [smem:$0x3FB4]  }
0x2c: {  	s7 =	sld [smem:$0x3FB5]  }
0x2d: {  	s3 =	simm.s32 $0x108;
	s8 =	sld [smem:$0x3FB6]  }
0x2e: {  	s3 =	simm.s32 @!p0 $0x1082;
	s9 =	sld [smem:$0x3FB7]  }
0x2f: {  	lr =	sadd.s32 s0, s3;
	s0 =	sld [smem:$0x3FAE]  }
0x30: {  	s3 =	sld [smem:$0x3FB1]  }
0x31: {  	[smem:$0x3FBA] =	sst s10  }
0x32: {  	s10 =	sld [smem:$0x3FB8];
	_ =	sdelay $0x3  }
0x33: {  	p0 =	seq.s32 s10, $0x1;
	s10 =	sld [smem:$0x3FBA];
	_ =	sdelay $0x3  }
0x34: {  	[smem:$0x3FBA] =	sst s10  }
0x35: {  	s10 =	sld [smem:$0x3FB9];
	_ =	sdelay $0x3  }
0x36: {  	p1 =	seq.s32 s10, $0x1;
	s10 =	sld [smem:$0x3FBA];
	_ =	sdelay $0x3  }
0x37: {  	[smem:$0x3FBA] =	sst s10  }
0x38: {  	s10 =	sld [smem:$0x3FBB]  }
0x39: {  	_ = 	snop;
	(pc) =	sbr.ind lr, $3  }
0x3a: {  	_ = 	snop  }
0x3b: {  	_ = 	snop  }
0x3c: {  	p2 =	seq.s32 s10, $0x1;
	s10 =	sld [smem:$0x3FBA]  }
0x3d: {  	_ =	shalt  }
0x3e: {  	_ =	shalt  }
0x3f: {  	_ =	shalt  }
0x40: {  	_ =	shalt  }
0x41: {  	_ =	shalt  }
0x42: {  	_ =	shalt  }
0x43: {  	_ =	shalt  }
0x44: {  	_ =	shalt  }
0x45: {  	_ =	shalt  }
0x46: {  	_ =	shalt  }
0x47: {  	_ =	shalt  }
0x48: {  	_ =	shalt  }
0x49: {  	_ =	shalt  }
0x4a: {  	_ =	shalt  }
0x4b: {  	_ =	shalt  }
0x4c: {  	_ =	shalt  }
0x4d: {  	_ =	shalt  }
0x4e: {  	_ =	shalt  }
0x4f: {  	_ =	shalt  }
0x50: {  	_ =	shalt  }
0x51: {  	_ =	shalt  }
0x52: {  	_ =	shalt  }
0x53: {  	_ =	shalt  }
0x54: {  	_ =	shalt  }
0x55: {  	_ =	shalt  }
0x56: {  	_ =	shalt  }
0x57: {  	_ =	shalt  }
0x58: {  	_ =	shalt  }
0x59: {  	_ =	shalt  }
0x5a: {  	_ =	shalt  }
0x5b: {  	_ =	shalt  }
0x5c: {  	_ =	shalt  }
0x5d: {  	_ =	shalt  }
0x5e: {  	_ =	shalt  }
0x5f: {  	_ =	shalt  }
0x60: {  	_ =	shalt  }
0x61: {  	_ =	shalt  }
0x62: {  	_ =	shalt  }
0x63: {  	_ =	shalt  }
0x64: {  	_ =	shalt  }
0x65: {  	_ =	shalt  }
0x66: {  	_ =	shalt  }
0x67: {  	_ =	shalt  }
0x68: {  	_ =	shalt  }
0x69: {  	_ =	shalt  }
0x6a: {  	_ =	shalt  }
0x6b: {  	_ =	shalt  }
0x6c: {  	_ =	shalt  }
0x6d: {  	_ =	shalt  }
0x6e: {  	_ =	shalt  }
0x6f: {  	_ =	shalt  }
0x70: {  	_ =	shalt  }
0x71: {  	_ =	shalt  }
0x72: {  	_ =	shalt  }
0x73: {  	_ =	shalt  }
0x74: {  	_ =	shalt  }
0x75: {  	_ =	shalt  }
0x76: {  	_ =	shalt  }
0x77: {  	_ =	shalt  }
0x78: {  	_ =	shalt  }
0x79: {  	_ =	shalt  }
0x7a: {  	_ =	shalt  }
0x7b: {  	_ =	shalt  }
0x7c: {  	_ =	shalt  }
0x7d: {  	_ =	shalt  }
0x7e: {  	_ =	shalt  }
0x7f: {  	_ =	shalt  }
0x80: {  	_ =	shalt  }
0x81: {  	_ =	shalt  }
0x82: {  	_ =	shalt  }
0x83: {  	_ =	shalt  }
0x84: {  	_ =	shalt  }
0x85: {  	_ =	shalt  }
0x86: {  	_ =	shalt  }
0x87: {  	_ =	shalt  }
.Lfunc_end0:
.L_simem_size_0:
called_computation_lowered:
.L_overlay_start_0:
0x88: {  	s2 =	sld [smem:$0x3FD9]  }
0x89: {  	s3 =	sld [smem:$0x3FFE];
	_ =	sdelay $0x1  }
0x8a: {  	s1 =	srdreg.scid  }
0x8b: {  	s0 =	sand.u32 $0x1, s1  }
0x8c: {  	s14 =	sshll.u32 s0, $0xA;
	s2 =	sadd.s32 s3, s2  }
0x8d: {  	s2 =	sadd.s32 s2, s14  }
0x8e: {  	[smem:$0x3FC6] =	sst s2  }
0x8f: {  	_ = 	snop  }
0x90: {  	s2 =	sld [smem:$0x3FD0];
	_ =	sdelay $0x2  }
0x91: {  	s15 =	simm.s32 $0xA;
	s4 =	simm.s32 $0x10  }
0x92: {  	[smem:s4], [sflag:s15] =	dma.local [hbm:s2], $0x1  }
0x93: {  	_ =	swait.eq [sflag:s15], $0x1  }
0x94: {  	s16 =	sld [smem:$0x12];
	[sflag:s15] =	ssyncset.done $0x0  }
0x95: {  	s17 =	sld [smem:$0x13];
	[sflag:s15] =	ssyncadd.s32 $0xFFFFFFFF  }
0x96: {  	s18 =	sld [smem:$0x14];
	(tm) =	ssettm $0x1  }
0x97: {  	s5 =	sld [smem:$0x3FFB];
	_ =	sdelay $0x3  }
0x98: {  	_ =	strace s5  }
0x99: {  	s5 =	sld [smem:$0x3FFC];
	_ =	sdelay $0x3  }
0x9a: {  	_ =	strace s5  }
0x9b: {  	s5 =	sld [smem:$0x3FFD];
	_ =	sdelay $0x3  }
0x9c: {  	_ =	strace s5  }
0x9d: {  	_ =	strace $0x8FFFFFFF  }
0x9e: {  	s19 =	sld [smem:$0x3FDB];
	_ =	sdelay $0x1  }
0x9f: {  	s6 =	simm.s32 $_scs_section_size  }
0xa0: {  	s7 =	simm.s32 $_size__tile_overlayer_lowered;
	s8 =	simm.s32 $_tile_overlayer_lowered  }
0xa1: {  	s22 =	simm.s32 $0x1BFF;
	s21 =	sshll.u32 s8, $0x1;
	s5 =	sadd.s32 s6, s19  }
0xa2: {  	s9 =	simm.s32 $0x0;
	s20 =	sshll.u32 s7, $0x1;
	s7 =	sadd.s32 s21, s5  }
0xa3: {  	[timem:s9], [sflag:s22] =	dma.local [hbm:s7], s20  }
0xa4: {  	_ =	swait.ge [sflag:s22], s20  }
0xa5: {  	s6 =	ssub.s32 $0x0, s20;
	[sflag:s22] =	ssyncset.done $0x0  }
0xa6: {  	[sflag:s22] =	ssyncadd.s32 s6;
	_ =	sdelay $0x1  }
0xa7: {  	s23 =	simm.s32 $0x1B8B  }
0xa8: {  	_ =	swait.ge [sflag:s23], $0x1  }
0xa9: {  	[sflag:s23] =	ssyncset.done $0x0  }
0xaa: {  	s25 =	simm.s32 $0x1B8E;
	s24 =	sld [smem:$0x3FFE];
	[sflag:s23] =	ssyncadd.s32 $0xFFFFFFFF  }
0xab: {  	s26 =	simm.s32 $execute0_lowered;
	[smem:$0x3FD2] =	sst s25  }
0xac: {  	s7 =	sshll.u32 s26, $0x1;
	_ =	strace $0x80000046;
	[dreg:$0x1] =	wrdreg $0xFFFFFFFF  }
0xad: {  	s28 =	simm.s32 $_size_execute0_lowered;
	s5 =	sadd.s32 s5, s7;
	[dreg:$0x0] =	wrdreg $0x0  }
0xae: {  	s7 =	sshll.u32 s28, $0x1;
	[dreg:$0x2] =	wrdreg s5  }
0xaf: {  	[dreg:$0x3] =	wrdreg s7  }
0xb0: {  	[dreg:$0x4] =	wrdreg $0xC0  }
0xb1: {  	_ =	task [dreg:s9], $0x5FFFF  }
0xb2: {  	[dreg:$0x1] =	wrdreg $0xFFFFFFFF  }
0xb3: {  	[dreg:$0x0] =	wrdreg $0x60  }
0xb4: {  	[dreg:$0x2] =	wrdreg s18  }
0xb5: {  	[dreg:$0x3] =	wrdreg s24  }
0xb6: {  	[dreg:$0x4] =	wrdreg s16  }
0xb7: {  	[dreg:$0x5] =	wrdreg s17  }
0xb8: {  	[dreg:$0x6] =	wrdreg $0x9  }
0xb9: {  	_ =	task.clear_ibuf [dreg:s9], $0x7FFFF;
	_ =	strace $0x90000046  }
0xba: {  	s29 =	simm.s32 $0x9;
	_ =	strace $0x80000048  }
0xbb: {  	_ =	swait.ge [sflag:s29], $0x1  }
0xbc: {  	[sflag:s29] =	ssyncadd.s32 $0xFFFFFFFF  }
0xbd: {  	_ =	strace $0x90000048  }
0xbe: {  	_ =	sfence  }
0xbf: {  	s30 =	sld [smem:$0x0];
	_ =	sdelay $0x2  }
0xc0: {  	s31 =	sshll.u32 s1, $0xD;
	s1 =	sshrl.u32 s1, $0x2  }
0xc1: {  	s3 =	sand.u32 $0x4000, s31;
	s1 =	sadd.s32 s1, s30  }
0xc2: {  	s0 =	sor.u32 s3, s0;
	s1 =	sshll.u32 s1, $0x11  }
0xc3: {  	s0 =	sor.u32 s1, s0  }
0xc4: {  	s0 =	sadd.s32 $0x8F2B, s0  }
0xc5: {  	[sflag:s0] =	ssyncadd.remote.s32 $0x1  }
0xc6: {  	_ =	sfence.sel $0xFFFF  }
0xc7: {  	[dreg:$0x0] =	wrdreg $0xFFFFFFFF;
	(pc) =	sbr.abs _section_cstart, $3  }
0xc8: {  	[dreg:$0x1] =	wrdreg $0xFFFFFFFF  }
0xc9: {  	_ =	task.clear_ibuf [dreg:s9], $0x2FFFF;
	_ =	strace $0x9FFFFFFF  }
0xca: {  	(tm) =	ssettm $0x7FFFFFFF  }
0xcb: {  	_ =	shalt  }
tec
execute0_lowered:
.L_overlay_start_1:
0x0: {  	(tag) =	ssettag $0x1  }
0x1: {  	v1 =	vlaneseq.u32  }
0x2: {  	v0 =	vmul.u32 $0x40, v1  }
0x3: {  	s11 =	simm.s32 $0x0  }
0x4: {  	[smem:$0x7FF] =	sst s11;
	v3 =	vor.u32 $0x5400, v0  }
0x5: {  	s0 =	rddreg [dreg:$0x1];
	v26 =	vmul.u32 $0x400, v1;
	_ =	strace $0x80000047;
	v4 =	vor.u32 $0x5800, v0;
	[tilespmem:$0x1FEE0] =	vst v3  }
0x6: {  	v5 =	vor.u32 $0x5C00, v0;
	[tilespmem:$0x1FEF0] =	vst v4  }
0x7: {  	v63 =	vor.u32 $0x100, v26;
	[tilespmem:$0x1FF00] =	vst v5  }
0x8: {  	v24 =	vor.u32 $0x4C00, v0;
	[tilespmem:$0x1FF10] =	vst v63  }
0x9: {  	v25 =	vor.u32 $0x4800, v0;
	[tilespmem:$0x1FF20] =	vst v24  }
0xa: {  	v62 =	vor.u32 $0x800, v0;
	[tilespmem:$0x1FF30] =	vst v25  }
0xb: {  	v27 =	vor.u32 $0xC00, v0;
	[tilespmem:$0x1FF40] =	vst v62  }
0xc: {  	v28 =	vor.u32 $0x1000, v0;
	[tilespmem:$0x1FF50] =	vst v27  }
0xd: {  	v29 =	vor.u32 $0x1400, v0;
	[tilespmem:$0x1FF60] =	vst v28  }
0xe: {  	v30 =	vor.u32 $0x1800, v0;
	[tilespmem:$0x1FF70] =	vst v29  }
0xf: {  	v31 =	vor.u32 $0x1C00, v0;
	[tilespmem:$0x1FF80] =	vst v30  }
0x10: {  	v32 =	vor.u32 $0x40, v26;
	[tilespmem:$0x1FF90] =	vst v31  }
0x11: {  	v33 =	vor.u32 $0x2000, v0;
	[tilespmem:$0x1FFA0] =	vst v32  }
0x12: {  	s1 =	srdreg.scid;
	v34 =	vor.u32 $0x2400, v0;
	[tilespmem:$0x1FFB0] =	vst v33  }
0x13: {  	s2 =	stileid.u32;
	s1 =	sand.u32 $0x1, s1;
	v35 =	vor.u32 $0x2800, v0;
	[tilespmem:$0x1FFC0] =	vst v34  }
0x14: {  	s2 =	sshll.u32 s2, $0x7;
	s3 =	sshll.u32 s1, $0x6;
	v36 =	vor.u32 $0x2C00, v0;
	[tilespmem:$0x1FFD0] =	vst v35  }
0x15: {  	s2 =	sor.u32 s3, s2;
	v37 =	vor.u32 $0x80, v26;
	[tilespmem:$0x1FFE0] =	vst v36  }
0x16: {  	s29 =	simm.s32 $0x400;
	s7 =	simm.s32 $0x2C80;
	s3 =	sor.u32 $0x10, s2;
	v2 =	vor.u32 s2, v1;
	[tilespmem:$0x1FFF0] =	vst v37  }
0x17: {  	s8 =	simm.s32 $0x680;
	s6 =	sadd.s32 $0x102400, s0;
	s17 =	sor.u32 $0x20, s2;
	[tilespmem:$0x1FDD0] =	vst v2;
	v2 =	vor.u32 s3, v1  }
0x18: {  	s4 =	sadd.s32 $0x142400, s0;
	s5 =	sadd.s32 $0x146400, s0;
	s18 =	sor.u32 $0x30, s2;
	[tilespmem:$0x1FDE0] =	vst v2;
	v2 =	vor.u32 s17, v1  }
0x19: {  	s19 =	sadd.s32 $0x14A400, s0;
	s20 =	sadd.s32 $0x14E400, s0;
	[tilespmem:$0x1FDF0] =	vst v2;
	v2 =	vor.u32 s18, v1  }
0x1a: {  	s21 =	sadd.s32 $0x152400, s0;
	s22 =	sadd.s32 $0x156400, s0;
	v1 =	vor.u32 $0x140, v26;
	[tilespmem:$0x1FE00] =	vst v2  }
0x1b: {  	s9 =	simm.s32 $0x800;
	s23 =	sadd.s32 $0x15A400, s0;
	[dreg:$0x6] =	wrdreg s4;
	v23 =	vor.u32 $0x400, v0;
	[tilespmem:$0x1FE10] =	vst v1;
	v1 =	vor.u32 $0x6000, v0  }
0x1c: {  	s24 =	sadd.s32 $0x15E400, s0;
	[dreg:$0x7] =	wrdreg s5;
	v38 =	vor.u32 $0x3000, v0;
	v39 =	vor.u32 $0x3400, v0;
	v2 =	vor.u32 $0x5000, v0;
	[tilespmem:$0x1FE20] =	vst v1  }
0x1d: {  	s28 =	simm.s32 $0x40;
	s15 =	sadd.s32 $0x166400, s0;
	[dreg:$0x8] =	wrdreg s19;
	v40 =	vor.u32 $0x3800, v0;
	v41 =	vor.u32 $0x3C00, v0;
	v1 =	vor.u32 $0x6400, v0;
	[tilespmem:$0x1FED0] =	vst v2  }
0x1e: {  	s31 =	simm.s32 $0x1;
	s16 =	sadd.s32 $0x162400, s0;
	[dreg:$0x9] =	wrdreg s20;
	v42 =	vor.u32 $0xC0, v26;
	v43 =	vor.u32 $0x4000, v0;
	[tilespmem:$0x1FE30] =	vst v1;
	v1 =	vor.u32 $0x6800, v0  }
0x1f: {  	s30 =	simm.s32 $0x3;
	[dreg:$0xa] =	wrdreg s21;
	s19 =	sadd.s32 $0x172400, s0;
	v44 =	vor.u32 $0x4400, v0;
	v60 =	vor.u32 $0x8400, v0;
	[tilespmem:$0x1FE40] =	vst v1;
	v1 =	vor.u32 $0x6C00, v0  }
0x20: {  	s10 =	simm.s32 $0x4;
	[dreg:$0xb] =	wrdreg s22;
	s21 =	sadd.s32 $0x176400, s0;
	v15 =	vor.u32 $0x8800, v0;
	v58 =	vor.u32 $0x8C00, v0;
	[tilespmem:$0x1FE50] =	vst v1;
	v1 =	vor.u32 $0x180, v26  }
0x21: {  	[dreg:$0xc] =	wrdreg s23;
	s20 =	sadd.s32 $0x81400, s0;
	s22 =	sadd.s32 $0x82400, s0;
	v14 =	vor.u32 $0x9000, v0;
	v13 =	vor.u32 $0x9400, v0;
	[tilespmem:$0x1FE60] =	vst v1;
	v1 =	vor.u32 $0x7000, v0  }
0x22: {  	[dreg:$0xd] =	wrdreg s24;
	s1 =	ssub.s32 $0x2, s1;
	s24 =	sadd.s32 $0x17A400, s0;
	v21 =	vor.u32 $0x9800, v0;
	v12 =	vor.u32 $0x9C00, v0;
	[tilespmem:$0x1FE70] =	vst v1;
	v1 =	vor.u32 $0x7400, v0  }
0x23: {  	s4 =	simm.s32 $0x880;
	s5 =	simm.s32 $0x480;
	s25 =	sshrl.u32 s1, $0x1;
	v20 =	vor.u32 $0x240, v26;
	v11 =	vor.u32 $0xA000, v0;
	[tilespmem:$0x1FE80] =	vst v1;
	v1 =	vor.u32 $0x7800, v0  }
0x24: {  	v10 =	vor.u32 $0xA800, v0;
	v18 =	vor.u32 $0xAC00, v0;
	s1 =	ssub.s32 s1, s25;
	s23 =	sshrl.u32 s2, $0x3;
	s25 =	sadd.s32 $0x17E400, s0;
	[tilespmem:$0x1FE90] =	vst v1;
	v1 =	vor.u32 $0x7C00, v0  }
0x25: {  	v9 =	vor.u32 $0x280, v26;
	v17 =	vor.u32 $0xB000, v0;
	s2 =	simm.s32 $0xB880;
	s26 =	smax.u32 s1, $0x1;
	s1 =	simm.s32 $0x3880;
	[tilespmem:$0x1FEA0] =	vst v1;
	v1 =	vor.u32 $0x1C0, v26  }
0x26: {  	v19 =	vor.u32 $0xA400, v0;
	v7 =	vor.u32 $0xB400, v0;
	s3 =	simm.s32 $0xC80;
	s17 =	sadd.s32 $0x16A400, s0;
	[dreg:$0xe] =	wrdreg s26;
	[tilespmem:$0x1FEB0] =	vst v1;
	v1 =	vor.u32 $0x8000, v0  }
0x27: {  	v22 =	vor.u32 $0x200, v26;
	v16 =	vor.u32 $0xB800, v0;
	v6 =	vor.u32 $0xBC00, v0;
	s26 =	simm.s32 $0x200;
	s18 =	sadd.s32 $0x16E400, s0;
	s0 =	simm.s32 $0x2;
	[tilespmem:$0x1FEC0] =	vst v1  }
.LBB2_1:
0x28: {  	v1 =	vld [tilespmem:$0x1FDD0];
	_ =	sdelay $0x4  }
0x29: {  	[tilespmem:$0x400] =	vst v1;
	v1 =	vld [tilespmem:$0x1FDE0];
	_ =	sdelay $0x4  }
0x2a: {  	[tilespmem:$0x410] =	vst v1;
	v1 =	vld [tilespmem:$0x1FDF0];
	_ =	sdelay $0x4  }
0x2b: {  	[tilespmem:$0x420] =	vst v1;
	v1 =	vld [tilespmem:$0x1FE00];
	_ =	sdelay $0x4  }
0x2c: {  	[dreg:$0x5] =	wrdreg s11;
	s11 =	simm.s32 $0x0;
	[tilespmem:$0x430] =	vst v1  }
.LBB2_2:
0x2d: {  	s12 =	simm.s32 $0x0;
	s13 =	rddreg [dreg:$0x0]  }
0x2e: {  	[tilespmem:s12], [sflag:$0x1] =	stream.indirect.gather [hbm4b:s13+s28], $0x10, s29, s28, $0xb8;
	[tilespmem:$0x1B880] =	vst v63  }
0x2f: {  	s14 =	simm.s32 $0x440  }
0x30: {  	[tilespmem:s14], [sflag:$0x2] =	stream.indirect.gather [hbm4b:s20+s28], $0x1, s29, s28, $0xb8;
	[tilespmem:$0x1B880] =	vst v63  }
0x31: {  	_ =	swait.ge [sflag:s31], $0x400  }
0x32: {  	[sflag:s31] =	ssyncset.done $0x0  }
0x33: {  	[sflag:s31] =	ssyncadd.s32 $0xFFFFFC00  }
0x34: {  	_ =	swait.ge [sflag:s0], $0x40  }
0x35: {  	v1 =	vmov s12;
	[sflag:s0] =	ssyncset.done $0x0  }
0x36: {  	v3 =	vand.u32 $0x3F, v1;
	[sflag:s0] =	ssyncadd.s32 $0xFFFFFFC0  }
0x37: {  	v3 =	vbroadcast v3, $0x0;
	v2 =	vld [tilespmem:s12+$0x0];
	_ =	sdelay $0x1  }
0x38: {  	v3 =	vor.u32 v0, v3  }
0x39: {  	s14 =	sshll.u32 s11, $0xB  }
0x3a: {  	v1 =	vmov s14  }
0x3b: {  	s13 =	simm.s32 $0x480;
	s14 =	simm.s32 $0x1;
	v5 =	vadd.s32 v1, v2  }
0x3c: {  	v4 =	vmov s14;
	s14 =	simm.s32 $0x2;
	[tilespmem:s13+$0x0] =	vst v5  }
.LBB2_3:
0x3d: {  	p0 =	sne.s32 s14, $0x3F;
	v4 =	vand.u32 $0x3F, v4;
	[tilespmem:v3+s4+$0x0] =	vst.idx.msk $0xffff, v2;
	s12 =	sadd.s32 $0x10, s12  }
0x3e: {  	v2 =	vld [tilespmem:s12+$0x0];
	v3 =	vbroadcast v4, $0x0;
	_ =	sdelay $0x1  }
.Ltmp0:
0x3f: {  	v3 =	vor.u32 v0, v3;
	(pc) =	sbr.rel @p0 .LBB2_3-.Ltmp0, $3  }
0x40: {  	_ =	sdelay $0x1  }
0x41: {  	s13 =	sadd.s32 $0x10, s13;
	v5 =	vadd.s32 v1, v2  }
0x42: {  	v4 =	vmov s14;
	s14 =	sadd.s32 $0x1, s14;
	[tilespmem:s13+$0x0] =	vst v5  }
0x43: {  	_ =	sdelay $0x3  }
0x44: {  	v4 =	vand.u32 $0x3F, v4;
	[tilespmem:v3+s4+$0x0] =	vst.idx.msk $0xffff, v2;
	s12 =	sadd.s32 $0x10, s12  }
0x45: {  	v2 =	vld [tilespmem:s12+$0x0];
	v3 =	vbroadcast v4, $0x0;
	_ =	sdelay $0x1  }
0x46: {  	v3 =	vor.u32 v0, v3;
	_ =	sdelay $0x2  }
0x47: {  	s13 =	sadd.s32 $0x10, s13;
	v63 =	vadd.s32 v1, v2  }
0x48: {  	[tilespmem:s13+$0x0] =	vst v63  }
0x49: {  	[tilespmem:v3+s4+$0x0] =	vst.idx.msk $0xffff, v2  }
0x4a: {  	v2 =	vld [tilespmem:$0x440]  }
0x4b: {  	v3 =	vld [tilespmem:$0x450]  }
0x4c: {  	v4 =	vld [tilespmem:$0x460]  }
0x4d: {  	v5 =	vld [tilespmem:$0x470]  }
0x4e: {  	v1 =	vadd.s32 $0x800, v1  }
0x4f: {  	v2 =	vadd.s32 v2, v1  }
0x50: {  	[tilespmem:$0x400] =	vst v2;
	v2 =	vadd.s32 v3, v1  }
0x51: {  	[tilespmem:$0x410] =	vst v2;
	v2 =	vadd.s32 v4, v1  }
0x52: {  	v1 =	vadd.s32 v5, v1;
	[tilespmem:$0x420] =	vst v2  }
0x53: {  	[tilespmem:$0x430] =	vst v1  }
0x54: {  	[tilespmem:s1], [sflag:$0x3] =	stream.indirect.gather [hbm4b:s6+s26], $0x40, s5, s26, $0xb8;
	[tilespmem:$0x1B880] =	vst v63  }
0x55: {  	s14 =	rddreg [dreg:$0x2]  }
0x56: {  	[tilespmem:s3], [sflag:$0x3] =	stream.indirect.gather [hbm4b:s14+s26], $0x10, s5, s26, $0xb8;
	[tilespmem:$0x1B880] =	vst v63  }
0x57: {  	_ =	swait.ge [sflag:s30], $0x8000  }
0x58: {  	[sflag:s30] =	ssyncset.done $0x0  }
0x59: {  	[sflag:s30] =	ssyncadd.s32 $0xFFFF8000  }
0x5a: {  	_ =	swait.ge [sflag:s30], $0x2000  }
0x5b: {  	v27 =	vld [tilespmem:$0x1FE20]  }
0x5c: {  	v32 =	vld [tilespmem:$0x1FE30]  }
0x5d: {  	v33 =	vld [tilespmem:$0x1FE40]  }
0x5e: {  	v28 =	vld [tilespmem:$0x1FE50]  }
0x5f: {  	v29 =	vld [tilespmem:$0x1FE60]  }
0x60: {  	v34 =	vld [tilespmem:$0x1FE70]  }
0x61: {  	v35 =	vld [tilespmem:$0x1FE80]  }
0x62: {  	v59 =	vmov v15;
	v30 =	vld [tilespmem:$0x1FE90]  }
0x63: {  	v57 =	vmovc v14;
	v56 =	vmovc v22;
	v55 =	vmov v13;
	v54 =	vmov v21;
	v53 =	vmov v12;
	v31 =	vld [tilespmem:$0x1FEA0]  }
0x64: {  	v52 =	vmovc v20;
	v51 =	vmovc v11;
	v50 =	vmov v19;
	v49 =	vmov v10;
	v48 =	vmov v18;
	s12 =	simm.s32 $0x0;
	[sflag:s30] =	ssyncset.done $0x0;
	v36 =	vld [tilespmem:$0x1FEB0]  }
0x65: {  	v47 =	vmovc v9;
	v46 =	vmovc v17;
	v45 =	vmov v7;
	v61 =	vmov v16;
	v8 =	vmov v6;
	s13 =	simm.s32 $0xD00;
	s14 =	simm.s32 $0x3A80;
	v37 =	vld [tilespmem:$0x1FEC0];
	[sflag:s30] =	ssyncadd.s32 $0xFFFFE000  }
.LBB2_5:
0x66: {  	v1 =	vmov s12  }
0x67: {  	v1 =	vand.u32 $0x1F, v1  }
0x68: {  	v22 =	vbroadcast v1, $0x0;
	_ =	sdelay $0x1  }
0x69: {  	v1 =	vld [tilespmem:s14+$0xFFFFFE00];
	v2 =	vor.u32 v0, v22;
	_ =	sdelay $0x4  }
0x6a: {  	[tilespmem:v2+s2+$0x0] =	vst.idx.msk $0xffff, v1  }
0x6b: {  	v2 =	vor.u32 v23, v22;
	v1 =	vld [tilespmem:s14+$0xFFFFFE10];
	_ =	sdelay $0x4  }
0x6c: {  	[tilespmem:v2+s2+$0x0] =	vst.idx.msk $0xffff, v1;
	v2 =	vld [tilespmem:$0x1FF40];
	_ =	sdelay $0x4  }
0x6d: {  	v1 =	vld [tilespmem:s14+$0xFFFFFE20];
	v2 =	vor.u32 v2, v22;
	_ =	sdelay $0x4  }
0x6e: {  	[tilespmem:v2+s2+$0x0] =	vst.idx.msk $0xffff, v1;
	v2 =	vld [tilespmem:$0x1FF50];
	_ =	sdelay $0x4  }
0x6f: {  	v1 =	vld [tilespmem:s14+$0xFFFFFE30];
	v2 =	vor.u32 v2, v22;
	_ =	sdelay $0x4  }
0x70: {  	[tilespmem:v2+s2+$0x0] =	vst.idx.msk $0xffff, v1  }
0x71: {  	v2 =	vor.u32 v26, v22;
	v1 =	vld [tilespmem:s13+$0xFFFFFF80];
	_ =	sdelay $0x4  }
0x72: {  	[tilespmem:v2+s7+$0x0] =	vst.idx.msk $0x7, v1;
	v2 =	vld [tilespmem:$0x1FF60];
	_ =	sdelay $0x4  }
0x73: {  	v1 =	vld [tilespmem:s14+$0xFFFFFE40];
	v2 =	vor.u32 v2, v22;
	_ =	sdelay $0x4  }
0x74: {  	[tilespmem:v2+s2+$0x0] =	vst.idx.msk $0xffff, v1;
	v2 =	vld [tilespmem:$0x1FF70];
	_ =	sdelay $0x4  }
0x75: {  	v1 =	vld [tilespmem:s14+$0xFFFFFE50];
	v2 =	vor.u32 v2, v22;
	_ =	sdelay $0x4  }
0x76: {  	[tilespmem:v2+s2+$0x0] =	vst.idx.msk $0xffff, v1;
	v2 =	vld [tilespmem:$0x1FF80];
	_ =	sdelay $0x4  }
0x77: {  	v1 =	vld [tilespmem:s14+$0xFFFFFE60];
	v2 =	vor.u32 v2, v22;
	_ =	sdelay $0x4  }
0x78: {  	[tilespmem:v2+s2+$0x0] =	vst.idx.msk $0xffff, v1;
	v2 =	vld [tilespmem:$0x1FF90];
	_ =	sdelay $0x4  }
0x79: {  	v1 =	vld [tilespmem:s14+$0xFFFFFE70];
	v2 =	vor.u32 v2, v22;
	_ =	sdelay $0x4  }
0x7a: {  	[tilespmem:v2+s2+$0x0] =	vst.idx.msk $0xffff, v1;
	v2 =	vld [tilespmem:$0x1FFA0];
	_ =	sdelay $0x4  }
0x7b: {  	v1 =	vld [tilespmem:s13+$0xFFFFFF90];
	v2 =	vor.u32 v2, v22;
	_ =	sdelay $0x4  }
0x7c: {  	[tilespmem:v2+s7+$0x0] =	vst.idx.msk $0x7, v1;
	v2 =	vld [tilespmem:$0x1FFB0];
	_ =	sdelay $0x4  }
0x7d: {  	v1 =	vld [tilespmem:s14+$0xFFFFFE80];
	v2 =	vor.u32 v2, v22;
	_ =	sdelay $0x4  }
0x7e: {  	[tilespmem:v2+s2+$0x0] =	vst.idx.msk $0xffff, v1;
	v2 =	vld [tilespmem:$0x1FFC0];
	_ =	sdelay $0x4  }
0x7f: {  	v1 =	vld [tilespmem:s14+$0xFFFFFE90];
	v2 =	vor.u32 v2, v22;
	_ =	sdelay $0x4  }
0x80: {  	[tilespmem:v2+s2+$0x0] =	vst.idx.msk $0xffff, v1;
	v2 =	vld [tilespmem:$0x1FFD0];
	_ =	sdelay $0x4  }
0x81: {  	v1 =	vld [tilespmem:s14+$0xFFFFFEA0];
	v2 =	vor.u32 v2, v22;
	_ =	sdelay $0x4  }
0x82: {  	[tilespmem:v2+s2+$0x0] =	vst.idx.msk $0xffff, v1;
	v2 =	vld [tilespmem:$0x1FFE0];
	_ =	sdelay $0x4  }
0x83: {  	v1 =	vld [tilespmem:s14+$0xFFFFFEB0];
	v2 =	vor.u32 v2, v22;
	_ =	sdelay $0x4  }
0x84: {  	[tilespmem:v2+s2+$0x0] =	vst.idx.msk $0xffff, v1;
	v2 =	vld [tilespmem:$0x1FFF0];
	_ =	sdelay $0x4  }
0x85: {  	v1 =	vld [tilespmem:s13+$0xFFFFFFA0];
	v2 =	vor.u32 v2, v22;
	_ =	sdelay $0x4  }
0x86: {  	[tilespmem:v2+s7+$0x0] =	vst.idx.msk $0x7, v1  }
0x87: {  	v2 =	vor.u32 v38, v22;
	v1 =	vld [tilespmem:s14+$0xFFFFFEC0];
	_ =	sdelay $0x4  }
0x88: {  	[tilespmem:v2+s2+$0x0] =	vst.idx.msk $0xffff, v1  }
0x89: {  	v2 =	vor.u32 v39, v22;
	v1 =	vld [tilespmem:s14+$0xFFFFFED0];
	_ =	sdelay $0x4  }
0x8a: {  	[tilespmem:v2+s2+$0x0] =	vst.idx.msk $0xffff, v1  }
0x8b: {  	v2 =	vor.u32 v40, v22;
	v1 =	vld [tilespmem:s14+$0xFFFFFEE0];
	_ =	sdelay $0x4  }
0x8c: {  	[tilespmem:v2+s2+$0x0] =	vst.idx.msk $0xffff, v1  }
0x8d: {  	v2 =	vor.u32 v41, v22;
	v1 =	vld [tilespmem:s14+$0xFFFFFEF0];
	_ =	sdelay $0x4  }
0x8e: {  	[tilespmem:v2+s2+$0x0] =	vst.idx.msk $0xffff, v1  }
0x8f: {  	v2 =	vor.u32 v42, v22;
	v1 =	vld [tilespmem:s13+$0xFFFFFFB0];
	_ =	sdelay $0x4  }
0x90: {  	[tilespmem:v2+s7+$0x0] =	vst.idx.msk $0x7, v1  }
0x91: {  	v2 =	vor.u32 v43, v22;
	v1 =	vld [tilespmem:s14+$0xFFFFFF00];
	_ =	sdelay $0x4  }
0x92: {  	[tilespmem:v2+s2+$0x0] =	vst.idx.msk $0xffff, v1  }
0x93: {  	v2 =	vor.u32 v44, v22;
	v1 =	vld [tilespmem:s14+$0xFFFFFF10];
	_ =	sdelay $0x4  }
0x94: {  	[tilespmem:v2+s2+$0x0] =	vst.idx.msk $0xffff, v1  }
0x95: {  	v2 =	vor.u32 v25, v22;
	v1 =	vld [tilespmem:s14+$0xFFFFFF20];
	_ =	sdelay $0x4  }
0x96: {  	[tilespmem:v2+s2+$0x0] =	vst.idx.msk $0xffff, v1  }
0x97: {  	v2 =	vor.u32 v24, v22;
	v1 =	vld [tilespmem:s14+$0xFFFFFF30];
	_ =	sdelay $0x4  }
0x98: {  	[tilespmem:v2+s2+$0x0] =	vst.idx.msk $0xffff, v1;
	v2 =	vld [tilespmem:$0x1FF10];
	_ =	sdelay $0x4  }
0x99: {  	v1 =	vld [tilespmem:s13+$0xFFFFFFC0];
	v2 =	vor.u32 v2, v22;
	_ =	sdelay $0x4  }
0x9a: {  	[tilespmem:v2+s7+$0x0] =	vst.idx.msk $0x7, v1;
	v2 =	vld [tilespmem:$0x1FED0];
	_ =	sdelay $0x4  }
0x9b: {  	v1 =	vld [tilespmem:s14+$0xFFFFFF40];
	v2 =	vor.u32 v2, v22;
	_ =	sdelay $0x4  }
0x9c: {  	[tilespmem:v2+s2+$0x0] =	vst.idx.msk $0xffff, v1;
	v2 =	vld [tilespmem:$0x1FEE0];
	_ =	sdelay $0x4  }
0x9d: {  	v1 =	vld [tilespmem:s14+$0xFFFFFF50];
	v2 =	vor.u32 v2, v22;
	_ =	sdelay $0x4  }
0x9e: {  	[tilespmem:v2+s2+$0x0] =	vst.idx.msk $0xffff, v1;
	v2 =	vld [tilespmem:$0x1FEF0];
	_ =	sdelay $0x4  }
0x9f: {  	v1 =	vld [tilespmem:s14+$0xFFFFFF60];
	v2 =	vor.u32 v2, v22;
	_ =	sdelay $0x4  }
0xa0: {  	[tilespmem:v2+s2+$0x0] =	vst.idx.msk $0xffff, v1;
	v2 =	vld [tilespmem:$0x1FF00];
	_ =	sdelay $0x4  }
0xa1: {  	v1 =	vld [tilespmem:s14+$0xFFFFFF70];
	v2 =	vor.u32 v2, v22;
	_ =	sdelay $0x4  }
0xa2: {  	[tilespmem:v2+s2+$0x0] =	vst.idx.msk $0xffff, v1;
	v2 =	vld [tilespmem:$0x1FE10];
	_ =	sdelay $0x4  }
0xa3: {  	v1 =	vld [tilespmem:s13+$0xFFFFFFD0];
	v2 =	vor.u32 v2, v22;
	_ =	sdelay $0x4  }
0xa4: {  	[tilespmem:v2+s7+$0x0] =	vst.idx.msk $0x7, v1  }
0xa5: {  	v2 =	vor.u32 v27, v22;
	v1 =	vld [tilespmem:s14+$0xFFFFFF80];
	_ =	sdelay $0x4  }
0xa6: {  	[tilespmem:v2+s2+$0x0] =	vst.idx.msk $0xffff, v1  }
0xa7: {  	v2 =	vor.u32 v32, v22;
	v1 =	vld [tilespmem:s14+$0xFFFFFF90];
	_ =	sdelay $0x4  }
0xa8: {  	[tilespmem:v2+s2+$0x0] =	vst.idx.msk $0xffff, v1  }
0xa9: {  	v2 =	vor.u32 v33, v22;
	v1 =	vld [tilespmem:s14+$0xFFFFFFA0];
	_ =	sdelay $0x4  }
0xaa: {  	[tilespmem:v2+s2+$0x0] =	vst.idx.msk $0xffff, v1  }
0xab: {  	v2 =	vor.u32 v28, v22;
	v1 =	vld [tilespmem:s14+$0xFFFFFFB0];
	_ =	sdelay $0x4  }
0xac: {  	[tilespmem:v2+s2+$0x0] =	vst.idx.msk $0xffff, v1  }
0xad: {  	v2 =	vor.u32 v29, v22;
	v1 =	vld [tilespmem:s13+$0xFFFFFFE0];
	_ =	sdelay $0x4  }
0xae: {  	[tilespmem:v2+s7+$0x0] =	vst.idx.msk $0x7, v1  }
0xaf: {  	v2 =	vor.u32 v34, v22;
	v1 =	vld [tilespmem:s14+$0xFFFFFFC0];
	_ =	sdelay $0x4  }
0xb0: {  	[tilespmem:v2+s2+$0x0] =	vst.idx.msk $0xffff, v1  }
0xb1: {  	v2 =	vor.u32 v35, v22;
	v1 =	vld [tilespmem:s14+$0xFFFFFFD0];
	_ =	sdelay $0x4  }
0xb2: {  	[tilespmem:v2+s2+$0x0] =	vst.idx.msk $0xffff, v1  }
0xb3: {  	v2 =	vor.u32 v30, v22;
	v1 =	vld [tilespmem:s14+$0xFFFFFFE0];
	_ =	sdelay $0x4  }
0xb4: {  	[tilespmem:v2+s2+$0x0] =	vst.idx.msk $0xffff, v1  }
0xb5: {  	v2 =	vor.u32 v31, v22;
	v1 =	vld [tilespmem:s14+$0xFFFFFFF0];
	_ =	sdelay $0x4  }
0xb6: {  	[tilespmem:v2+s2+$0x0] =	vst.idx.msk $0xffff, v1  }
0xb7: {  	v2 =	vor.u32 v36, v22;
	v1 =	vld [tilespmem:s13+$0xFFFFFFF0];
	_ =	sdelay $0x4  }
0xb8: {  	[tilespmem:v2+s7+$0x0] =	vst.idx.msk $0x7, v1  }
0xb9: {  	v2 =	vor.u32 v37, v22;
	v1 =	vld [tilespmem:s14+$0x0];
	_ =	sdelay $0x4  }
0xba: {  	[tilespmem:v2+s2+$0x0] =	vst.idx.msk $0xffff, v1  }
0xbb: {  	v2 =	vor.u32 v60, v22;
	v1 =	vld [tilespmem:s14+$0x10];
	_ =	sdelay $0x4  }
0xbc: {  	[tilespmem:v2+s2+$0x0] =	vst.idx.msk $0xffff, v1  }
0xbd: {  	v2 =	vor.u32 v59, v22;
	v1 =	vld [tilespmem:s14+$0x20];
	_ =	sdelay $0x4  }
0xbe: {  	[tilespmem:v2+s2+$0x0] =	vst.idx.msk $0xffff, v1  }
0xbf: {  	v2 =	vor.u32 v58, v22;
	v1 =	vld [tilespmem:s14+$0x30];
	_ =	sdelay $0x4  }
0xc0: {  	[tilespmem:v2+s2+$0x0] =	vst.idx.msk $0xffff, v1  }
0xc1: {  	v2 =	vor.u32 v56, v22;
	v1 =	vld [tilespmem:s13+$0x0];
	_ =	sdelay $0x4  }
0xc2: {  	[tilespmem:v2+s7+$0x0] =	vst.idx.msk $0x7, v1  }
0xc3: {  	v2 =	vor.u32 v57, v22;
	v1 =	vld [tilespmem:s14+$0x40];
	_ =	sdelay $0x4  }
0xc4: {  	[tilespmem:v2+s2+$0x0] =	vst.idx.msk $0xffff, v1  }
0xc5: {  	v2 =	vor.u32 v55, v22;
	v1 =	vld [tilespmem:s14+$0x50];
	_ =	sdelay $0x4  }
0xc6: {  	[tilespmem:v2+s2+$0x0] =	vst.idx.msk $0xffff, v1  }
0xc7: {  	v2 =	vor.u32 v54, v22;
	v1 =	vld [tilespmem:s14+$0x60];
	_ =	sdelay $0x4  }
0xc8: {  	[tilespmem:v2+s2+$0x0] =	vst.idx.msk $0xffff, v1  }
0xc9: {  	v2 =	vor.u32 v53, v22;
	v1 =	vld [tilespmem:s14+$0x70];
	_ =	sdelay $0x4  }
0xca: {  	[tilespmem:v2+s2+$0x0] =	vst.idx.msk $0xffff, v1  }
0xcb: {  	v2 =	vor.u32 v52, v22;
	v1 =	vld [tilespmem:s13+$0x10];
	_ =	sdelay $0x4  }
0xcc: {  	[tilespmem:v2+s7+$0x0] =	vst.idx.msk $0x7, v1  }
0xcd: {  	v2 =	vor.u32 v51, v22;
	v1 =	vld [tilespmem:s14+$0x80];
	_ =	sdelay $0x4  }
0xce: {  	[tilespmem:v2+s2+$0x0] =	vst.idx.msk $0xffff, v1  }
0xcf: {  	v2 =	vor.u32 v50, v22;
	v1 =	vld [tilespmem:s14+$0x90];
	_ =	sdelay $0x4  }
0xd0: {  	[tilespmem:v2+s2+$0x0] =	vst.idx.msk $0xffff, v1  }
0xd1: {  	v2 =	vor.u32 v49, v22;
	v1 =	vld [tilespmem:s14+$0xA0];
	_ =	sdelay $0x4  }
0xd2: {  	[tilespmem:v2+s2+$0x0] =	vst.idx.msk $0xffff, v1  }
0xd3: {  	v2 =	vor.u32 v48, v22;
	v1 =	vld [tilespmem:s14+$0xB0];
	_ =	sdelay $0x4  }
0xd4: {  	[tilespmem:v2+s2+$0x0] =	vst.idx.msk $0xffff, v1  }
0xd5: {  	v2 =	vor.u32 v47, v22;
	v1 =	vld [tilespmem:s13+$0x20];
	_ =	sdelay $0x4  }
0xd6: {  	[tilespmem:v2+s7+$0x0] =	vst.idx.msk $0x7, v1  }
0xd7: {  	v2 =	vor.u32 v46, v22;
	v1 =	vld [tilespmem:s14+$0xC0];
	_ =	sdelay $0x4  }
0xd8: {  	[tilespmem:v2+s2+$0x0] =	vst.idx.msk $0xffff, v1  }
0xd9: {  	v2 =	vor.u32 v45, v22;
	v1 =	vld [tilespmem:s14+$0xD0];
	_ =	sdelay $0x4  }
0xda: {  	[tilespmem:v2+s2+$0x0] =	vst.idx.msk $0xffff, v1  }
0xdb: {  	v2 =	vor.u32 v61, v22;
	v1 =	vld [tilespmem:s14+$0xE0];
	_ =	sdelay $0x4  }
0xdc: {  	[tilespmem:v2+s2+$0x0] =	vst.idx.msk $0xffff, v1  }
0xdd: {  	v2 =	vor.u32 v8, v22;
	v1 =	vld [tilespmem:s14+$0xF0];
	_ =	sdelay $0x4  }
0xde: {  	v63 =	vor.u32 $0x2C0, v26;
	[tilespmem:v2+s2+$0x0] =	vst.idx.msk $0xffff, v1  }
0xdf: {  	v2 =	vor.u32 v63, v22;
	v1 =	vld [tilespmem:s13+$0x30];
	_ =	sdelay $0x4  }
0xe0: {  	[tilespmem:v2+s7+$0x0] =	vst.idx.msk $0x7, v1;
	v1 =	vor.u32 $0xC000, v0  }
0xe1: {  	v2 =	vld [tilespmem:s14+$0x100];
	v3 =	vor.u32 v1, v22;
	_ =	sdelay $0x4  }
0xe2: {  	[tilespmem:v3+s2+$0x0] =	vst.idx.msk $0xffff, v2;
	v2 =	vor.u32 $0xC400, v0  }
0xe3: {  	v3 =	vld [tilespmem:s14+$0x110];
	v4 =	vor.u32 v2, v22;
	_ =	sdelay $0x4  }
0xe4: {  	[tilespmem:v4+s2+$0x0] =	vst.idx.msk $0xffff, v3;
	v3 =	vor.u32 $0xC800, v0  }
0xe5: {  	v4 =	vld [tilespmem:s14+$0x120];
	v5 =	vor.u32 v3, v22;
	_ =	sdelay $0x4  }
0xe6: {  	[tilespmem:v5+s2+$0x0] =	vst.idx.msk $0xffff, v4;
	v4 =	vor.u32 $0xCC00, v0  }
0xe7: {  	v5 =	vld [tilespmem:s14+$0x130];
	v6 =	vor.u32 v4, v22;
	_ =	sdelay $0x4  }
0xe8: {  	[tilespmem:v6+s2+$0x0] =	vst.idx.msk $0xffff, v5;
	v5 =	vor.u32 $0x300, v26  }
0xe9: {  	v6 =	vld [tilespmem:s13+$0x40];
	v7 =	vor.u32 v5, v22;
	_ =	sdelay $0x4  }
0xea: {  	[tilespmem:v7+s7+$0x0] =	vst.idx.msk $0x7, v6;
	v6 =	vor.u32 $0xD000, v0  }
0xeb: {  	v7 =	vld [tilespmem:s14+$0x140];
	v9 =	vor.u32 v6, v22;
	_ =	sdelay $0x4  }
0xec: {  	[tilespmem:v9+s2+$0x0] =	vst.idx.msk $0xffff, v7;
	v7 =	vor.u32 $0xD400, v0  }
0xed: {  	v9 =	vld [tilespmem:s14+$0x150];
	v10 =	vor.u32 v7, v22;
	_ =	sdelay $0x4  }
0xee: {  	[tilespmem:v10+s2+$0x0] =	vst.idx.msk $0xffff, v9;
	v9 =	vor.u32 $0xD800, v0  }
0xef: {  	v10 =	vld [tilespmem:s14+$0x160];
	v11 =	vor.u32 v9, v22;
	_ =	sdelay $0x4  }
0xf0: {  	[tilespmem:v11+s2+$0x0] =	vst.idx.msk $0xffff, v10;
	v10 =	vor.u32 $0xDC00, v0  }
0xf1: {  	v11 =	vld [tilespmem:s14+$0x170];
	v12 =	vor.u32 v10, v22;
	_ =	sdelay $0x4  }
0xf2: {  	[tilespmem:v12+s2+$0x0] =	vst.idx.msk $0xffff, v11;
	v11 =	vor.u32 $0x340, v26  }
0xf3: {  	v12 =	vld [tilespmem:s13+$0x50];
	v13 =	vor.u32 v11, v22;
	_ =	sdelay $0x4  }
0xf4: {  	[tilespmem:v13+s7+$0x0] =	vst.idx.msk $0x7, v12;
	v12 =	vor.u32 $0xE000, v0  }
0xf5: {  	v13 =	vld [tilespmem:s14+$0x180];
	v14 =	vor.u32 v12, v22;
	_ =	sdelay $0x4  }
0xf6: {  	[tilespmem:v14+s2+$0x0] =	vst.idx.msk $0xffff, v13;
	v13 =	vor.u32 $0xE400, v0  }
0xf7: {  	v14 =	vld [tilespmem:s14+$0x190];
	v15 =	vor.u32 v13, v22;
	_ =	sdelay $0x4  }
0xf8: {  	[tilespmem:v15+s2+$0x0] =	vst.idx.msk $0xffff, v14;
	v14 =	vor.u32 $0xE800, v0  }
0xf9: {  	v15 =	vld [tilespmem:s14+$0x1A0];
	v16 =	vor.u32 v14, v22;
	_ =	sdelay $0x4  }
0xfa: {  	[tilespmem:v16+s2+$0x0] =	vst.idx.msk $0xffff, v15;
	v15 =	vor.u32 $0xEC00, v0  }
0xfb: {  	v16 =	vld [tilespmem:s14+$0x1B0];
	v17 =	vor.u32 v15, v22;
	_ =	sdelay $0x4  }
0xfc: {  	[tilespmem:v17+s2+$0x0] =	vst.idx.msk $0xffff, v16;
	v16 =	vor.u32 $0x380, v26  }
0xfd: {  	v17 =	vld [tilespmem:s13+$0x60];
	v18 =	vor.u32 v16, v22;
	_ =	sdelay $0x4  }
0xfe: {  	[tilespmem:v18+s7+$0x0] =	vst.idx.msk $0x7, v17;
	v17 =	vor.u32 $0xF000, v0  }
0xff: {  	v18 =	vld [tilespmem:s14+$0x1C0];
	v19 =	vor.u32 v17, v22;
	_ =	sdelay $0x4  }
0x100: {  	[tilespmem:v19+s2+$0x0] =	vst.idx.msk $0xffff, v18;
	v18 =	vor.u32 $0xF400, v0  }
0x101: {  	v19 =	vld [tilespmem:s14+$0x1D0];
	v20 =	vor.u32 v18, v22;
	_ =	sdelay $0x4  }
0x102: {  	[tilespmem:v20+s2+$0x0] =	vst.idx.msk $0xffff, v19;
	v19 =	vor.u32 $0xF800, v0  }
0x103: {  	v20 =	vld [tilespmem:s14+$0x1E0];
	v21 =	vor.u32 v19, v22;
	_ =	sdelay $0x1  }
0x104: {  	v62 =	vmovc v60;
	v60 =	vmovc v58;
	v58 =	vmov v56;
	v56 =	vmov v54;
	v54 =	vmov v52  }
0x105: {  	v52 =	vmovc v50;
	v50 =	vmovc v48;
	v48 =	vmov v46;
	v46 =	vmov v61;
	v61 =	vmov v59  }
0x106: {  	v59 =	vmovc v57;
	v57 =	vmovc v55;
	v55 =	vmov v53;
	v53 =	vmov v51;
	v51 =	vmov v49  }
0x107: {  	v49 =	vmovc v47;
	v47 =	vmovc v45;
	v45 =	vmov v8;
	v8 =	vmov v24;
	[tilespmem:v21+s2+$0x0] =	vst.idx.msk $0xffff, v20;
	v20 =	vor.u32 $0xFC00, v0  }
0x108: {  	v24 =	vmovc v25;
	v25 =	vmovc v44;
	v44 =	vmov v42;
	v42 =	vmov v23;
	v21 =	vld [tilespmem:s14+$0x1F0];
	v23 =	vor.u32 v20, v22;
	_ =	sdelay $0x4  }
0x109: {  	[tilespmem:v23+s2+$0x0] =	vst.idx.msk $0xffff, v21;
	v21 =	vor.u32 $0x3C0, v26  }
0x10a: {  	v23 =	vld [tilespmem:s13+$0x70];
	v22 =	vor.u32 v21, v22;
	_ =	sdelay $0x3  }
0x10b: {  	p0 =	sne.s32 s12, $0x1F  }
.Ltmp1:
0x10c: {  	[tilespmem:v22+s7+$0x0] =	vst.idx.msk $0x7, v23;
	v23 =	vmov v42;
	v42 =	vmov v44;
	v44 =	vmov v25;
	(pc) =	sbr.rel @p0 .LBB2_5-.Ltmp1, $4  }
0x10d: {  	v25 =	vmovc v24;
	v24 =	vmovc v8;
	v8 =	vmov v45;
	v45 =	vmov v47;
	v47 =	vmov v49  }
0x10e: {  	v49 =	vmovc v51;
	v51 =	vmovc v53;
	v53 =	vmov v55;
	v55 =	vmov v57;
	v57 =	vmov v59  }
0x10f: {  	v59 =	vmovc v61;
	v61 =	vmovc v46;
	v46 =	vmov v48;
	v48 =	vmov v50;
	v50 =	vmov v52  }
0x110: {  	s12 =	sadd.s32 $0x1, s12;
	s14 =	sadd.s32 $0x400, s14;
	s13 =	sadd.s32 $0x100, s13;
	v52 =	vmovc v54;
	v54 =	vmovc v56;
	v56 =	vmov v58;
	v58 =	vmov v60;
	v60 =	vmov v62  }
0x111: {  	[tilespmem:s1], [sflag:$0x3] =	stream.indirect.gather [hbm4b:s6+s26], $0x40, s8, s26, $0xb8;
	[tilespmem:$0x1B880] =	vst v63  }
0x112: {  	s12 =	rddreg [dreg:$0x2]  }
0x113: {  	[tilespmem:s3], [sflag:$0x3] =	stream.indirect.gather [hbm4b:s12+s26], $0x10, s8, s26, $0xb8;
	[tilespmem:$0x1B880] =	vst v63  }
0x114: {  	_ =	swait.ge [sflag:s30], $0x8000  }
0x115: {  	[sflag:s30] =	ssyncset.done $0x0  }
0x116: {  	[sflag:s30] =	ssyncadd.s32 $0xFFFF8000  }
0x117: {  	_ =	swait.ge [sflag:s30], $0x2000  }
0x118: {  	v37 =	vld [tilespmem:$0x1FFF0]  }
0x119: {  	v36 =	vld [tilespmem:$0x1FFE0]  }
0x11a: {  	v35 =	vld [tilespmem:$0x1FFD0]  }
0x11b: {  	v34 =	vld [tilespmem:$0x1FFC0]  }
0x11c: {  	v33 =	vld [tilespmem:$0x1FFB0]  }
0x11d: {  	v32 =	vld [tilespmem:$0x1FFA0]  }
0x11e: {  	v31 =	vld [tilespmem:$0x1FF90]  }
0x11f: {  	v30 =	vld [tilespmem:$0x1FF80]  }
0x120: {  	v29 =	vld [tilespmem:$0x1FF70]  }
0x121: {  	v28 =	vld [tilespmem:$0x1FF60]  }
0x122: {  	s13 =	simm.s32 $0xD00;
	[sflag:s30] =	ssyncset.done $0x0;
	v27 =	vld [tilespmem:$0x1FF50]  }
0x123: {  	s14 =	simm.s32 $0x3A80;
	v25 =	vmov v23;
	s12 =	simm.s32 $0x0;
	v62 =	vld [tilespmem:$0x1FF40];
	[sflag:s30] =	ssyncadd.s32 $0xFFFFE000  }
.LBB2_7:
0x124: {  	v22 =	vmov s12  }
0x125: {  	v22 =	vadd.s32 $0x20, v22  }
0x126: {  	v22 =	vand.u32 $0x3F, v22  }
0x127: {  	v22 =	vbroadcast v22, $0x0;
	_ =	sdelay $0x1  }
0x128: {  	v23 =	vld [tilespmem:s14+$0xFFFFFE00];
	v24 =	vor.u32 v0, v22;
	_ =	sdelay $0x4  }
0x129: {  	[tilespmem:v24+s2+$0x0] =	vst.idx.msk $0xffff, v23  }
0x12a: {  	v24 =	vor.u32 v25, v22;
	v23 =	vld [tilespmem:s14+$0xFFFFFE10];
	_ =	sdelay $0x4  }
0x12b: {  	[tilespmem:v24+s2+$0x0] =	vst.idx.msk $0xffff, v23  }
0x12c: {  	v24 =	vor.u32 v62, v22;
	v23 =	vld [tilespmem:s14+$0xFFFFFE20];
	_ =	sdelay $0x4  }
0x12d: {  	[tilespmem:v24+s2+$0x0] =	vst.idx.msk $0xffff, v23  }
0x12e: {  	v24 =	vor.u32 v27, v22;
	v23 =	vld [tilespmem:s14+$0xFFFFFE30];
	_ =	sdelay $0x4  }
0x12f: {  	[tilespmem:v24+s2+$0x0] =	vst.idx.msk $0xffff, v23  }
0x130: {  	v24 =	vor.u32 v26, v22;
	v23 =	vld [tilespmem:s13+$0xFFFFFF80];
	_ =	sdelay $0x4  }
0x131: {  	[tilespmem:v24+s7+$0x0] =	vst.idx.msk $0x7, v23  }
0x132: {  	v24 =	vor.u32 v28, v22;
	v23 =	vld [tilespmem:s14+$0xFFFFFE40];
	_ =	sdelay $0x4  }
0x133: {  	[tilespmem:v24+s2+$0x0] =	vst.idx.msk $0xffff, v23  }
0x134: {  	v24 =	vor.u32 v29, v22;
	v23 =	vld [tilespmem:s14+$0xFFFFFE50];
	_ =	sdelay $0x4  }
0x135: {  	[tilespmem:v24+s2+$0x0] =	vst.idx.msk $0xffff, v23  }
0x136: {  	v24 =	vor.u32 v30, v22;
	v23 =	vld [tilespmem:s14+$0xFFFFFE60];
	_ =	sdelay $0x4  }
0x137: {  	[tilespmem:v24+s2+$0x0] =	vst.idx.msk $0xffff, v23  }
0x138: {  	v24 =	vor.u32 v31, v22;
	v23 =	vld [tilespmem:s14+$0xFFFFFE70];
	_ =	sdelay $0x4  }
0x139: {  	[tilespmem:v24+s2+$0x0] =	vst.idx.msk $0xffff, v23  }
0x13a: {  	v24 =	vor.u32 v32, v22;
	v23 =	vld [tilespmem:s13+$0xFFFFFF90];
	_ =	sdelay $0x4  }
0x13b: {  	[tilespmem:v24+s7+$0x0] =	vst.idx.msk $0x7, v23  }
0x13c: {  	v24 =	vor.u32 v33, v22;
	v23 =	vld [tilespmem:s14+$0xFFFFFE80];
	_ =	sdelay $0x4  }
0x13d: {  	[tilespmem:v24+s2+$0x0] =	vst.idx.msk $0xffff, v23  }
0x13e: {  	v24 =	vor.u32 v34, v22;
	v23 =	vld [tilespmem:s14+$0xFFFFFE90];
	_ =	sdelay $0x4  }
0x13f: {  	[tilespmem:v24+s2+$0x0] =	vst.idx.msk $0xffff, v23  }
0x140: {  	v24 =	vor.u32 v35, v22;
	v23 =	vld [tilespmem:s14+$0xFFFFFEA0];
	_ =	sdelay $0x4  }
0x141: {  	[tilespmem:v24+s2+$0x0] =	vst.idx.msk $0xffff, v23  }
0x142: {  	v24 =	vor.u32 v36, v22;
	v23 =	vld [tilespmem:s14+$0xFFFFFEB0];
	_ =	sdelay $0x4  }
0x143: {  	[tilespmem:v24+s2+$0x0] =	vst.idx.msk $0xffff, v23  }
0x144: {  	v24 =	vor.u32 v37, v22;
	v23 =	vld [tilespmem:s13+$0xFFFFFFA0];
	_ =	sdelay $0x4  }
0x145: {  	[tilespmem:v24+s7+$0x0] =	vst.idx.msk $0x7, v23  }
0x146: {  	v24 =	vor.u32 v38, v22;
	v23 =	vld [tilespmem:s14+$0xFFFFFEC0];
	_ =	sdelay $0x4  }
0x147: {  	[tilespmem:v24+s2+$0x0] =	vst.idx.msk $0xffff, v23  }
0x148: {  	v24 =	vor.u32 v39, v22;
	v23 =	vld [tilespmem:s14+$0xFFFFFED0];
	_ =	sdelay $0x4  }
0x149: {  	[tilespmem:v24+s2+$0x0] =	vst.idx.msk $0xffff, v23  }
0x14a: {  	v24 =	vor.u32 v40, v22;
	v23 =	vld [tilespmem:s14+$0xFFFFFEE0];
	_ =	sdelay $0x4  }
0x14b: {  	[tilespmem:v24+s2+$0x0] =	vst.idx.msk $0xffff, v23  }
0x14c: {  	v24 =	vor.u32 v41, v22;
	v23 =	vld [tilespmem:s14+$0xFFFFFEF0];
	_ =	sdelay $0x4  }
0x14d: {  	[tilespmem:v24+s2+$0x0] =	vst.idx.msk $0xffff, v23  }
0x14e: {  	v24 =	vor.u32 v42, v22;
	v23 =	vld [tilespmem:s13+$0xFFFFFFB0];
	_ =	sdelay $0x4  }
0x14f: {  	[tilespmem:v24+s7+$0x0] =	vst.idx.msk $0x7, v23  }
0x150: {  	v24 =	vor.u32 v43, v22;
	v23 =	vld [tilespmem:s14+$0xFFFFFF00];
	_ =	sdelay $0x4  }
0x151: {  	[tilespmem:v24+s2+$0x0] =	vst.idx.msk $0xffff, v23  }
0x152: {  	v24 =	vor.u32 v44, v22;
	v23 =	vld [tilespmem:s14+$0xFFFFFF10];
	_ =	sdelay $0x4  }
0x153: {  	[tilespmem:v24+s2+$0x0] =	vst.idx.msk $0xffff, v23;
	v24 =	vld [tilespmem:$0x1FF30];
	_ =	sdelay $0x4  }
0x154: {  	v23 =	vld [tilespmem:s14+$0xFFFFFF20];
	v24 =	vor.u32 v24, v22;
	_ =	sdelay $0x4  }
0x155: {  	[tilespmem:v24+s2+$0x0] =	vst.idx.msk $0xffff, v23;
	v24 =	vld [tilespmem:$0x1FF20];
	_ =	sdelay $0x4  }
0x156: {  	v23 =	vld [tilespmem:s14+$0xFFFFFF30];
	v24 =	vor.u32 v24, v22;
	_ =	sdelay $0x4  }
0x157: {  	[tilespmem:v24+s2+$0x0] =	vst.idx.msk $0xffff, v23;
	v24 =	vld [tilespmem:$0x1FF10];
	_ =	sdelay $0x4  }
0x158: {  	v23 =	vld [tilespmem:s13+$0xFFFFFFC0];
	v24 =	vor.u32 v24, v22;
	_ =	sdelay $0x4  }
0x159: {  	[tilespmem:v24+s7+$0x0] =	vst.idx.msk $0x7, v23;
	v24 =	vld [tilespmem:$0x1FED0];
	_ =	sdelay $0x4  }
0x15a: {  	v23 =	vld [tilespmem:s14+$0xFFFFFF40];
	v24 =	vor.u32 v24, v22;
	_ =	sdelay $0x4  }
0x15b: {  	[tilespmem:v24+s2+$0x0] =	vst.idx.msk $0xffff, v23;
	v24 =	vld [tilespmem:$0x1FEE0];
	_ =	sdelay $0x4  }
0x15c: {  	v23 =	vld [tilespmem:s14+$0xFFFFFF50];
	v24 =	vor.u32 v24, v22;
	_ =	sdelay $0x4  }
0x15d: {  	[tilespmem:v24+s2+$0x0] =	vst.idx.msk $0xffff, v23;
	v24 =	vld [tilespmem:$0x1FEF0];
	_ =	sdelay $0x4  }
0x15e: {  	v23 =	vld [tilespmem:s14+$0xFFFFFF60];
	v24 =	vor.u32 v24, v22;
	_ =	sdelay $0x4  }
0x15f: {  	[tilespmem:v24+s2+$0x0] =	vst.idx.msk $0xffff, v23;
	v24 =	vld [tilespmem:$0x1FF00];
	_ =	sdelay $0x4  }
0x160: {  	v23 =	vld [tilespmem:s14+$0xFFFFFF70];
	v24 =	vor.u32 v24, v22;
	_ =	sdelay $0x4  }
0x161: {  	[tilespmem:v24+s2+$0x0] =	vst.idx.msk $0xffff, v23;
	v24 =	vld [tilespmem:$0x1FE10];
	_ =	sdelay $0x4  }
0x162: {  	v23 =	vld [tilespmem:s13+$0xFFFFFFD0];
	v24 =	vor.u32 v24, v22;
	_ =	sdelay $0x4  }
0x163: {  	[tilespmem:v24+s7+$0x0] =	vst.idx.msk $0x7, v23;
	v24 =	vld [tilespmem:$0x1FE20];
	_ =	sdelay $0x4  }
0x164: {  	v23 =	vld [tilespmem:s14+$0xFFFFFF80];
	v24 =	vor.u32 v24, v22;
	_ =	sdelay $0x4  }
0x165: {  	[tilespmem:v24+s2+$0x0] =	vst.idx.msk $0xffff, v23;
	v24 =	vld [tilespmem:$0x1FE30];
	_ =	sdelay $0x4  }
0x166: {  	v23 =	vld [tilespmem:s14+$0xFFFFFF90];
	v24 =	vor.u32 v24, v22;
	_ =	sdelay $0x4  }
0x167: {  	[tilespmem:v24+s2+$0x0] =	vst.idx.msk $0xffff, v23;
	v24 =	vld [tilespmem:$0x1FE40];
	_ =	sdelay $0x4  }
0x168: {  	v23 =	vld [tilespmem:s14+$0xFFFFFFA0];
	v24 =	vor.u32 v24, v22;
	_ =	sdelay $0x4  }
0x169: {  	[tilespmem:v24+s2+$0x0] =	vst.idx.msk $0xffff, v23;
	v24 =	vld [tilespmem:$0x1FE50];
	_ =	sdelay $0x4  }
0x16a: {  	v23 =	vld [tilespmem:s14+$0xFFFFFFB0];
	v24 =	vor.u32 v24, v22;
	_ =	sdelay $0x4  }
0x16b: {  	[tilespmem:v24+s2+$0x0] =	vst.idx.msk $0xffff, v23;
	v24 =	vld [tilespmem:$0x1FE60];
	_ =	sdelay $0x4  }
0x16c: {  	v23 =	vld [tilespmem:s13+$0xFFFFFFE0];
	v24 =	vor.u32 v24, v22;
	_ =	sdelay $0x4  }
0x16d: {  	[tilespmem:v24+s7+$0x0] =	vst.idx.msk $0x7, v23;
	v24 =	vld [tilespmem:$0x1FE70];
	_ =	sdelay $0x4  }
0x16e: {  	v23 =	vld [tilespmem:s14+$0xFFFFFFC0];
	v24 =	vor.u32 v24, v22;
	_ =	sdelay $0x4  }
0x16f: {  	[tilespmem:v24+s2+$0x0] =	vst.idx.msk $0xffff, v23;
	v24 =	vld [tilespmem:$0x1FE80];
	_ =	sdelay $0x4  }
0x170: {  	v23 =	vld [tilespmem:s14+$0xFFFFFFD0];
	v24 =	vor.u32 v24, v22;
	_ =	sdelay $0x4  }
0x171: {  	[tilespmem:v24+s2+$0x0] =	vst.idx.msk $0xffff, v23;
	v24 =	vld [tilespmem:$0x1FE90];
	_ =	sdelay $0x4  }
0x172: {  	v23 =	vld [tilespmem:s14+$0xFFFFFFE0];
	v24 =	vor.u32 v24, v22;
	_ =	sdelay $0x4  }
0x173: {  	[tilespmem:v24+s2+$0x0] =	vst.idx.msk $0xffff, v23;
	v24 =	vld [tilespmem:$0x1FEA0];
	_ =	sdelay $0x4  }
0x174: {  	v23 =	vld [tilespmem:s14+$0xFFFFFFF0];
	v24 =	vor.u32 v24, v22;
	_ =	sdelay $0x4  }
0x175: {  	[tilespmem:v24+s2+$0x0] =	vst.idx.msk $0xffff, v23;
	v24 =	vld [tilespmem:$0x1FEB0];
	_ =	sdelay $0x4  }
0x176: {  	v23 =	vld [tilespmem:s13+$0xFFFFFFF0];
	v24 =	vor.u32 v24, v22;
	_ =	sdelay $0x4  }
0x177: {  	[tilespmem:v24+s7+$0x0] =	vst.idx.msk $0x7, v23;
	v24 =	vld [tilespmem:$0x1FEC0];
	_ =	sdelay $0x4  }
0x178: {  	v23 =	vld [tilespmem:s14+$0x0];
	v24 =	vor.u32 v24, v22;
	_ =	sdelay $0x4  }
0x179: {  	[tilespmem:v24+s2+$0x0] =	vst.idx.msk $0xffff, v23  }
0x17a: {  	v24 =	vor.u32 v60, v22;
	v23 =	vld [tilespmem:s14+$0x10];
	_ =	sdelay $0x4  }
0x17b: {  	[tilespmem:v24+s2+$0x0] =	vst.idx.msk $0xffff, v23  }
0x17c: {  	v24 =	vor.u32 v59, v22;
	v23 =	vld [tilespmem:s14+$0x20];
	_ =	sdelay $0x4  }
0x17d: {  	[tilespmem:v24+s2+$0x0] =	vst.idx.msk $0xffff, v23  }
0x17e: {  	v24 =	vor.u32 v58, v22;
	v23 =	vld [tilespmem:s14+$0x30];
	_ =	sdelay $0x4  }
0x17f: {  	[tilespmem:v24+s2+$0x0] =	vst.idx.msk $0xffff, v23  }
0x180: {  	v24 =	vor.u32 v56, v22;
	v23 =	vld [tilespmem:s13+$0x0];
	_ =	sdelay $0x4  }
0x181: {  	[tilespmem:v24+s7+$0x0] =	vst.idx.msk $0x7, v23  }
0x182: {  	v24 =	vor.u32 v57, v22;
	v23 =	vld [tilespmem:s14+$0x40];
	_ =	sdelay $0x4  }
0x183: {  	[tilespmem:v24+s2+$0x0] =	vst.idx.msk $0xffff, v23  }
0x184: {  	v24 =	vor.u32 v55, v22;
	v23 =	vld [tilespmem:s14+$0x50];
	_ =	sdelay $0x4  }
0x185: {  	[tilespmem:v24+s2+$0x0] =	vst.idx.msk $0xffff, v23  }
0x186: {  	v24 =	vor.u32 v54, v22;
	v23 =	vld [tilespmem:s14+$0x60];
	_ =	sdelay $0x4  }
0x187: {  	[tilespmem:v24+s2+$0x0] =	vst.idx.msk $0xffff, v23  }
0x188: {  	v24 =	vor.u32 v53, v22;
	v23 =	vld [tilespmem:s14+$0x70];
	_ =	sdelay $0x4  }
0x189: {  	[tilespmem:v24+s2+$0x0] =	vst.idx.msk $0xffff, v23  }
0x18a: {  	v24 =	vor.u32 v52, v22;
	v23 =	vld [tilespmem:s13+$0x10];
	_ =	sdelay $0x4  }
0x18b: {  	[tilespmem:v24+s7+$0x0] =	vst.idx.msk $0x7, v23  }
0x18c: {  	v24 =	vor.u32 v51, v22;
	v23 =	vld [tilespmem:s14+$0x80];
	_ =	sdelay $0x4  }
0x18d: {  	[tilespmem:v24+s2+$0x0] =	vst.idx.msk $0xffff, v23  }
0x18e: {  	v24 =	vor.u32 v50, v22;
	v23 =	vld [tilespmem:s14+$0x90];
	_ =	sdelay $0x4  }
0x18f: {  	[tilespmem:v24+s2+$0x0] =	vst.idx.msk $0xffff, v23  }
0x190: {  	v24 =	vor.u32 v49, v22;
	v23 =	vld [tilespmem:s14+$0xA0];
	_ =	sdelay $0x4  }
0x191: {  	[tilespmem:v24+s2+$0x0] =	vst.idx.msk $0xffff, v23  }
0x192: {  	v24 =	vor.u32 v48, v22;
	v23 =	vld [tilespmem:s14+$0xB0];
	_ =	sdelay $0x4  }
0x193: {  	[tilespmem:v24+s2+$0x0] =	vst.idx.msk $0xffff, v23  }
0x194: {  	v24 =	vor.u32 v47, v22;
	v23 =	vld [tilespmem:s13+$0x20];
	_ =	sdelay $0x4  }
0x195: {  	[tilespmem:v24+s7+$0x0] =	vst.idx.msk $0x7, v23  }
0x196: {  	v24 =	vor.u32 v46, v22;
	v23 =	vld [tilespmem:s14+$0xC0];
	_ =	sdelay $0x4  }
0x197: {  	[tilespmem:v24+s2+$0x0] =	vst.idx.msk $0xffff, v23  }
0x198: {  	v24 =	vor.u32 v45, v22;
	v23 =	vld [tilespmem:s14+$0xD0];
	_ =	sdelay $0x4  }
0x199: {  	[tilespmem:v24+s2+$0x0] =	vst.idx.msk $0xffff, v23  }
0x19a: {  	v24 =	vor.u32 v61, v22;
	v23 =	vld [tilespmem:s14+$0xE0];
	_ =	sdelay $0x4  }
0x19b: {  	[tilespmem:v24+s2+$0x0] =	vst.idx.msk $0xffff, v23  }
0x19c: {  	v24 =	vor.u32 v8, v22;
	v23 =	vld [tilespmem:s14+$0xF0];
	_ =	sdelay $0x4  }
0x19d: {  	[tilespmem:v24+s2+$0x0] =	vst.idx.msk $0xffff, v23  }
0x19e: {  	v24 =	vor.u32 v63, v22;
	v23 =	vld [tilespmem:s13+$0x30];
	_ =	sdelay $0x4  }
0x19f: {  	[tilespmem:v24+s7+$0x0] =	vst.idx.msk $0x7, v23  }
0x1a0: {  	v24 =	vor.u32 v1, v22;
	v23 =	vld [tilespmem:s14+$0x100];
	_ =	sdelay $0x4  }
0x1a1: {  	[tilespmem:v24+s2+$0x0] =	vst.idx.msk $0xffff, v23  }
0x1a2: {  	v24 =	vor.u32 v2, v22;
	v23 =	vld [tilespmem:s14+$0x110];
	_ =	sdelay $0x4  }
0x1a3: {  	[tilespmem:v24+s2+$0x0] =	vst.idx.msk $0xffff, v23  }
0x1a4: {  	v24 =	vor.u32 v3, v22;
	v23 =	vld [tilespmem:s14+$0x120];
	_ =	sdelay $0x4  }
0x1a5: {  	[tilespmem:v24+s2+$0x0] =	vst.idx.msk $0xffff, v23  }
0x1a6: {  	v24 =	vor.u32 v4, v22;
	v23 =	vld [tilespmem:s14+$0x130];
	_ =	sdelay $0x4  }
0x1a7: {  	[tilespmem:v24+s2+$0x0] =	vst.idx.msk $0xffff, v23  }
0x1a8: {  	v24 =	vor.u32 v5, v22;
	v23 =	vld [tilespmem:s13+$0x40];
	_ =	sdelay $0x4  }
0x1a9: {  	[tilespmem:v24+s7+$0x0] =	vst.idx.msk $0x7, v23  }
0x1aa: {  	v24 =	vor.u32 v6, v22;
	v23 =	vld [tilespmem:s14+$0x140];
	_ =	sdelay $0x4  }
0x1ab: {  	[tilespmem:v24+s2+$0x0] =	vst.idx.msk $0xffff, v23  }
0x1ac: {  	v24 =	vor.u32 v7, v22;
	v23 =	vld [tilespmem:s14+$0x150];
	_ =	sdelay $0x4  }
0x1ad: {  	[tilespmem:v24+s2+$0x0] =	vst.idx.msk $0xffff, v23  }
0x1ae: {  	v24 =	vor.u32 v9, v22;
	v23 =	vld [tilespmem:s14+$0x160];
	_ =	sdelay $0x4  }
0x1af: {  	[tilespmem:v24+s2+$0x0] =	vst.idx.msk $0xffff, v23  }
0x1b0: {  	v24 =	vor.u32 v10, v22;
	v23 =	vld [tilespmem:s14+$0x170];
	_ =	sdelay $0x4  }
0x1b1: {  	[tilespmem:v24+s2+$0x0] =	vst.idx.msk $0xffff, v23  }
0x1b2: {  	v24 =	vor.u32 v11, v22;
	v23 =	vld [tilespmem:s13+$0x50];
	_ =	sdelay $0x4  }
0x1b3: {  	[tilespmem:v24+s7+$0x0] =	vst.idx.msk $0x7, v23  }
0x1b4: {  	v24 =	vor.u32 v12, v22;
	v23 =	vld [tilespmem:s14+$0x180];
	_ =	sdelay $0x4  }
0x1b5: {  	[tilespmem:v24+s2+$0x0] =	vst.idx.msk $0xffff, v23  }
0x1b6: {  	v24 =	vor.u32 v13, v22;
	v23 =	vld [tilespmem:s14+$0x190];
	_ =	sdelay $0x4  }
0x1b7: {  	[tilespmem:v24+s2+$0x0] =	vst.idx.msk $0xffff, v23  }
0x1b8: {  	v24 =	vor.u32 v14, v22;
	v23 =	vld [tilespmem:s14+$0x1A0];
	_ =	sdelay $0x4  }
0x1b9: {  	[tilespmem:v24+s2+$0x0] =	vst.idx.msk $0xffff, v23  }
0x1ba: {  	v24 =	vor.u32 v15, v22;
	v23 =	vld [tilespmem:s14+$0x1B0];
	_ =	sdelay $0x4  }
0x1bb: {  	[tilespmem:v24+s2+$0x0] =	vst.idx.msk $0xffff, v23  }
0x1bc: {  	v24 =	vor.u32 v16, v22;
	v23 =	vld [tilespmem:s13+$0x60];
	_ =	sdelay $0x4  }
0x1bd: {  	[tilespmem:v24+s7+$0x0] =	vst.idx.msk $0x7, v23  }
0x1be: {  	v24 =	vor.u32 v17, v22;
	v23 =	vld [tilespmem:s14+$0x1C0];
	_ =	sdelay $0x4  }
0x1bf: {  	[tilespmem:v24+s2+$0x0] =	vst.idx.msk $0xffff, v23  }
0x1c0: {  	v24 =	vor.u32 v18, v22;
	v23 =	vld [tilespmem:s14+$0x1D0];
	_ =	sdelay $0x4  }
0x1c1: {  	[tilespmem:v24+s2+$0x0] =	vst.idx.msk $0xffff, v23  }
0x1c2: {  	v24 =	vor.u32 v19, v22;
	v23 =	vld [tilespmem:s14+$0x1E0];
	_ =	sdelay $0x4  }
0x1c3: {  	[tilespmem:v24+s2+$0x0] =	vst.idx.msk $0xffff, v23  }
0x1c4: {  	v24 =	vor.u32 v20, v22;
	v23 =	vld [tilespmem:s14+$0x1F0];
	_ =	sdelay $0x4  }
0x1c5: {  	[tilespmem:v24+s2+$0x0] =	vst.idx.msk $0xffff, v23  }
0x1c6: {  	p0 =	sne.s32 s12, $0x1F;
	v22 =	vor.u32 v21, v22;
	v23 =	vld [tilespmem:s13+$0x70]  }
.Ltmp2:
0x1c7: {  	_ = 	snop;
	(pc) =	sbr.rel @p0 .LBB2_7-.Ltmp2, $2  }
0x1c8: {  	_ =	sdelay $0x2  }
0x1c9: {  	s12 =	sadd.s32 $0x1, s12;
	s14 =	sadd.s32 $0x400, s14;
	s13 =	sadd.s32 $0x100, s13;
	[tilespmem:v22+s7+$0x0] =	vst.idx.msk $0x7, v23  }
0x1ca: {  	s12 =	sshll.u32 s11, $0xC  }
0x1cb: {  	s12 =	sadd.s32 s22, s12  }
0x1cc: {  	s12 =	sadd.s32 s23, s12  }
0x1cd: {  	[hbm4b:s12+s28] =	stream.strided.scatter [tilespmem:s4], [sflag:$0x4], $0x400, s9, s28, $0x38;
	[tilespmem:$0x1B880] =	vst v63  }
0x1ce: {  	_ =	swait.ge [sflag:s10], $0x400  }
0x1cf: {  	s12 =	sshll.u32 s11, $0x12;
	s13 =	rddreg [dreg:$0x6]  }
0x1d0: {  	[sflag:s10] =	ssyncset.done $0x0;
	s13 =	sadd.s32 s13, s12  }
0x1d1: {  	[sflag:s10] =	ssyncadd.s32 $0xFFFFFC00;
	s13 =	sadd.s32 s23, s13  }
0x1d2: {  	[hbm4b:s13+s28] =	stream.strided.scatter [tilespmem:s2], [sflag:$0x4], $0x1000, s9, s28, $0x38;
	[tilespmem:$0x1B880] =	vst v63  }
0x1d3: {  	_ =	swait.ge [sflag:s10], $0x1000  }
0x1d4: {  	s14 =	rddreg [dreg:$0x7]  }
0x1d5: {  	[sflag:s10] =	ssyncset.done $0x0;
	s13 =	sadd.s32 s12, s14  }
0x1d6: {  	[sflag:s10] =	ssyncadd.s32 $0xFFFFF000;
	s14 =	simm.s32 $0xC880;
	s13 =	sadd.s32 s23, s13  }
0x1d7: {  	[hbm4b:s13+s28] =	stream.strided.scatter [tilespmem:s14], [sflag:$0x4], $0x1000, s9, s28, $0x38;
	[tilespmem:$0x1B880] =	vst v63  }
0x1d8: {  	_ =	swait.ge [sflag:s10], $0x1000  }
0x1d9: {  	s14 =	rddreg [dreg:$0x8]  }
0x1da: {  	[sflag:s10] =	ssyncset.done $0x0;
	s13 =	sadd.s32 s12, s14  }
0x1db: {  	[sflag:s10] =	ssyncadd.s32 $0xFFFFF000;
	s14 =	simm.s32 $0xD880;
	s13 =	sadd.s32 s23, s13  }
0x1dc: {  	[hbm4b:s13+s28] =	stream.strided.scatter [tilespmem:s14], [sflag:$0x4], $0x1000, s9, s28, $0x38;
	[tilespmem:$0x1B880] =	vst v63  }
0x1dd: {  	_ =	swait.ge [sflag:s10], $0x1000  }
0x1de: {  	s14 =	rddreg [dreg:$0x9]  }
0x1df: {  	[sflag:s10] =	ssyncset.done $0x0;
	s13 =	sadd.s32 s12, s14  }
0x1e0: {  	[sflag:s10] =	ssyncadd.s32 $0xFFFFF000;
	s14 =	simm.s32 $0xE880;
	s13 =	sadd.s32 s23, s13  }
0x1e1: {  	[hbm4b:s13+s28] =	stream.strided.scatter [tilespmem:s14], [sflag:$0x4], $0x1000, s9, s28, $0x38;
	[tilespmem:$0x1B880] =	vst v63  }
0x1e2: {  	_ =	swait.ge [sflag:s10], $0x1000  }
0x1e3: {  	s14 =	rddreg [dreg:$0xa]  }
0x1e4: {  	[sflag:s10] =	ssyncset.done $0x0;
	s13 =	sadd.s32 s12, s14  }
0x1e5: {  	[sflag:s10] =	ssyncadd.s32 $0xFFFFF000;
	s14 =	simm.s32 $0xF880;
	s13 =	sadd.s32 s23, s13  }
0x1e6: {  	[hbm4b:s13+s28] =	stream.strided.scatter [tilespmem:s14], [sflag:$0x4], $0x1000, s9, s28, $0x38;
	[tilespmem:$0x1B880] =	vst v63  }
0x1e7: {  	_ =	swait.ge [sflag:s10], $0x1000  }
0x1e8: {  	s14 =	rddreg [dreg:$0xb]  }
0x1e9: {  	[sflag:s10] =	ssyncset.done $0x0;
	s13 =	sadd.s32 s12, s14  }
0x1ea: {  	[sflag:s10] =	ssyncadd.s32 $0xFFFFF000;
	s14 =	simm.s32 $0x10880;
	s13 =	sadd.s32 s23, s13  }
0x1eb: {  	[hbm4b:s13+s28] =	stream.strided.scatter [tilespmem:s14], [sflag:$0x4], $0x1000, s9, s28, $0x38;
	[tilespmem:$0x1B880] =	vst v63  }
0x1ec: {  	_ =	swait.ge [sflag:s10], $0x1000  }
0x1ed: {  	s14 =	rddreg [dreg:$0xc]  }
0x1ee: {  	[sflag:s10] =	ssyncset.done $0x0;
	s13 =	sadd.s32 s12, s14  }
0x1ef: {  	[sflag:s10] =	ssyncadd.s32 $0xFFFFF000;
	s14 =	simm.s32 $0x11880;
	s13 =	sadd.s32 s23, s13  }
0x1f0: {  	[hbm4b:s13+s28] =	stream.strided.scatter [tilespmem:s14], [sflag:$0x4], $0x1000, s9, s28, $0x38;
	[tilespmem:$0x1B880] =	vst v63  }
0x1f1: {  	_ =	swait.ge [sflag:s10], $0x1000  }
0x1f2: {  	s14 =	rddreg [dreg:$0xd]  }
0x1f3: {  	[sflag:s10] =	ssyncset.done $0x0;
	s13 =	sadd.s32 s12, s14  }
0x1f4: {  	[sflag:s10] =	ssyncadd.s32 $0xFFFFF000;
	s14 =	simm.s32 $0x12880;
	s13 =	sadd.s32 s23, s13  }
0x1f5: {  	[hbm4b:s13+s28] =	stream.strided.scatter [tilespmem:s14], [sflag:$0x4], $0x1000, s9, s28, $0x38;
	[tilespmem:$0x1B880] =	vst v63  }
0x1f6: {  	_ =	swait.ge [sflag:s10], $0x1000  }
0x1f7: {  	s14 =	sadd.s32 s12, s16;
	[sflag:s10] =	ssyncset.done $0x0  }
0x1f8: {  	s13 =	sadd.s32 s23, s14;
	s14 =	simm.s32 $0x13880;
	[sflag:s10] =	ssyncadd.s32 $0xFFFFF000  }
0x1f9: {  	[hbm4b:s13+s28] =	stream.strided.scatter [tilespmem:s14], [sflag:$0x4], $0x1000, s9, s28, $0x38;
	[tilespmem:$0x1B880] =	vst v63  }
0x1fa: {  	_ =	swait.ge [sflag:s10], $0x1000  }
0x1fb: {  	s14 =	sadd.s32 s12, s15;
	[sflag:s10] =	ssyncset.done $0x0  }
0x1fc: {  	s13 =	sadd.s32 s23, s14;
	s14 =	simm.s32 $0x14880;
	[sflag:s10] =	ssyncadd.s32 $0xFFFFF000  }
0x1fd: {  	[hbm4b:s13+s28] =	stream.strided.scatter [tilespmem:s14], [sflag:$0x4], $0x1000, s9, s28, $0x38;
	[tilespmem:$0x1B880] =	vst v63  }
0x1fe: {  	_ =	swait.ge [sflag:s10], $0x1000  }
0x1ff: {  	s14 =	sadd.s32 s12, s17;
	[sflag:s10] =	ssyncset.done $0x0  }
0x200: {  	s13 =	sadd.s32 s23, s14;
	s14 =	simm.s32 $0x15880;
	[sflag:s10] =	ssyncadd.s32 $0xFFFFF000  }
0x201: {  	[hbm4b:s13+s28] =	stream.strided.scatter [tilespmem:s14], [sflag:$0x4], $0x1000, s9, s28, $0x38;
	[tilespmem:$0x1B880] =	vst v63  }
0x202: {  	_ =	swait.ge [sflag:s10], $0x1000  }
0x203: {  	s14 =	sadd.s32 s12, s18;
	[sflag:s10] =	ssyncset.done $0x0  }
0x204: {  	s13 =	sadd.s32 s23, s14;
	s14 =	simm.s32 $0x16880;
	[sflag:s10] =	ssyncadd.s32 $0xFFFFF000  }
0x205: {  	[hbm4b:s13+s28] =	stream.strided.scatter [tilespmem:s14], [sflag:$0x4], $0x1000, s9, s28, $0x38;
	[tilespmem:$0x1B880] =	vst v63  }
0x206: {  	_ =	swait.ge [sflag:s10], $0x1000  }
0x207: {  	s14 =	sadd.s32 s12, s19;
	[sflag:s10] =	ssyncset.done $0x0  }
0x208: {  	s13 =	sadd.s32 s23, s14;
	s14 =	simm.s32 $0x17880;
	[sflag:s10] =	ssyncadd.s32 $0xFFFFF000  }
0x209: {  	[hbm4b:s13+s28] =	stream.strided.scatter [tilespmem:s14], [sflag:$0x4], $0x1000, s9, s28, $0x38;
	[tilespmem:$0x1B880] =	vst v63  }
0x20a: {  	_ =	swait.ge [sflag:s10], $0x1000  }
0x20b: {  	s14 =	sadd.s32 s12, s21;
	[sflag:s10] =	ssyncset.done $0x0  }
0x20c: {  	s13 =	sadd.s32 s23, s14;
	s14 =	simm.s32 $0x18880;
	[sflag:s10] =	ssyncadd.s32 $0xFFFFF000  }
0x20d: {  	[hbm4b:s13+s28] =	stream.strided.scatter [tilespmem:s14], [sflag:$0x4], $0x1000, s9, s28, $0x38;
	[tilespmem:$0x1B880] =	vst v63  }
0x20e: {  	_ =	swait.ge [sflag:s10], $0x1000  }
0x20f: {  	s14 =	sadd.s32 s12, s24;
	[sflag:s10] =	ssyncset.done $0x0  }
0x210: {  	s13 =	sadd.s32 s23, s14;
	s14 =	simm.s32 $0x19880;
	[sflag:s10] =	ssyncadd.s32 $0xFFFFF000  }
0x211: {  	[hbm4b:s13+s28] =	stream.strided.scatter [tilespmem:s14], [sflag:$0x4], $0x1000, s9, s28, $0x38;
	[tilespmem:$0x1B880] =	vst v63  }
0x212: {  	_ =	swait.ge [sflag:s10], $0x1000  }
0x213: {  	s12 =	sadd.s32 s12, s25;
	[sflag:s10] =	ssyncset.done $0x0  }
0x214: {  	s12 =	sadd.s32 s23, s12;
	s14 =	simm.s32 $0x1A880;
	[sflag:s10] =	ssyncadd.s32 $0xFFFFF000  }
0x215: {  	[hbm4b:s12+s28] =	stream.strided.scatter [tilespmem:s14], [sflag:$0x4], $0x1000, s9, s28, $0x38;
	[tilespmem:$0x1B880] =	vst v63  }
0x216: {  	_ =	swait.ge [sflag:s10], $0x1000  }
0x217: {  	s13 =	smul.u32 $0x3000, s11;
	[sflag:s10] =	ssyncset.done $0x0  }
0x218: {  	s11 =	sadd.s32 $0x1, s11;
	s14 =	rddreg [dreg:$0x3]  }
0x219: {  	p0 =	sne.s32 s11, $0x10;
	s12 =	sadd.s32 s14, s13  }
.Ltmp3:
0x21a: {  	[sflag:s10] =	ssyncadd.s32 $0xFFFFF000;
	s12 =	sadd.s32 s23, s12;
	(pc) =	sbr.rel @p0 .LBB2_2-.Ltmp3, $4  }
0x21b: {  	v23 =	vmov v25;
	v15 =	vmov v59;
	[hbm4b:s12+s28] =	stream.strided.scatter [tilespmem:s7], [sflag:$0x4], $0xC00, s9, s28, $0x38;
	[tilespmem:$0x1B880] =	vst v63  }
0x21c: {  	v14 =	vmovc v57;
	v22 =	vmovc v56;
	v13 =	vmov v55;
	v21 =	vmov v54;
	v12 =	vmov v53;
	_ =	swait.ge [sflag:s10], $0xC00  }
0x21d: {  	v20 =	vmovc v52;
	v11 =	vmovc v51;
	v19 =	vmov v50;
	v10 =	vmov v49;
	v18 =	vmov v48;
	[sflag:s10] =	ssyncset.done $0x0;
	v25 =	vld [tilespmem:$0x1FF30]  }
0x21e: {  	v9 =	vmovc v47;
	v17 =	vmovc v46;
	v7 =	vmov v45;
	v16 =	vmov v61;
	v6 =	vmov v8;
	v24 =	vld [tilespmem:$0x1FF20];
	[sflag:s10] =	ssyncadd.s32 $0xFFFFF400  }
0x21f: {  	s11 =	rddreg [dreg:$0x5]  }
0x220: {  	s12 =	rddreg [dreg:$0xe];
	s11 =	sadd.s32 $0x1, s11  }
0x221: {  	p0 =	sne.s32 s11, s12  }
.Ltmp4:
0x222: {  	_ = 	snop;
	(pc) =	sbr.rel @p0 .LBB2_1-.Ltmp4, $1  }
0x223: {  	_ =	sdelay $0x3  }
0x224: {  	_ =	sfence.sel $0x180000  }
0x225: {  	[bflag:$0x0] =	sbarrier.arrive $0xFFFF  }
0x226: {  	_ =	strace $0x90000047  }
0x227: {  	s0 =	stileid.u32;
	[bflag:$0x2] =	sbarrier.arrive $0xFFFF  }
0x228: {  	p0 =	sne.s32 s0, $0x0;
	s0 =	rddreg [dreg:$0x4]  }
0x229: {  	s0 =	sadd.s32 @!p0 $0x100000, s0  }
0x22a: {  	[sflag:s0] =	ssyncadd.tile.s32 @!p0 $0x1;
	_ =	shalt  }
.Lfunc_end2:
_tile_overlayer_lowered:
.L_overlay_start_2:
0x22b: {  	(tag) =	ssettag $0x2  }
0x22c: {  	s0 =	rddreg [dreg:$0x0];
	s2 =	stileid.u32  }
0x22d: {  	s1 =	rddreg [dreg:$0x1];
	p0 =	sne.s32 s2, $0x0  }
0x22e: {  	s3 =	rddreg [dreg:$0x2];
	[bflag:$0x3] =	sbarrier.arrive $0xFFFF;
	s2 =	simm.s32 @!p0 $0x1C04  }
0x22f: {  	[timem:s3], [sflag:s2] =	dma.local @!p0 [hbm:s0], s1  }
0x230: {  	s0 =	simm.s32 @!p0 $0x4  }
0x231: {  	_ =	swait.ge @!p0 [sflag:s0], s1  }
0x232: {  	s1 =	ssub.s32 @!p0 $0x0, s1;
	[sflag:s0] =	ssyncset.done @!p0 $0x0  }
0x233: {  	[sflag:s0] =	ssyncadd.s32 @!p0 s1  }
0x234: {  	[bflag:$0x3] =	sbarrier.arrive $0xFFFF  }
0x235: {  	_ =	shalt  }

</sc_bundles>
